<compile_context>
chip_gen: v7x
topology: tpu7x:2x2x1
jax: 0.10.2.dev20260603
libtpu: 0.0.44.dev20260713+nightly
codegen_flags: <defaults>
</compile_context>

<pallas_src>
import jax
import jax.numpy as jnp
from jax import lax
from jax.experimental import pallas as pl
from jax.experimental.pallas import tpu as pltpu
from jax.experimental.pallas import tpu_sc as plsc

NUM_CORES = 2
NUM_SUBCORES = 16
LANES = 16
NW = NUM_CORES * NUM_SUBCORES

F = 26
V = 100000
D = 32
B = 16384

MR = V // 4
VCH = 896
NCHV = 111
VEPI = 512
VMAIN = VCH * NCHV
VTAIL = VMAIN + VEPI

NU = F * NCHV
NP = (NU + 2 * NW - 1) // (2 * NW)

SPT = B // NW
CH = 128
NCH = SPT // CH
XPT = SPT * F


def _conv_body(tabt_hbm, tail_hbm, out_hbm,
               staged0, staged1, outbuf0, outbuf1,
               sem_l0, sem_l1, sem_w0, sem_w1):
    wid = lax.axis_index("s") * NUM_CORES + lax.axis_index("c")
    lane = lax.iota(jnp.int32, 16)
    stageds = (staged0, staged1)
    sem_ls = (sem_l0, sem_l1)
    outbufs = (outbuf0, outbuf1)
    sem_ws = (sem_w0, sem_w1)

    def unit(p, parity):
        return jnp.minimum(wid + (2 * p + parity) * NW, NU - 1)

    def fire_loads(u, k):
        f = lax.div(u, NCHV)
        v0 = lax.rem(u, NCHV) * VCH

        @pl.loop(0, 4)
        def _ld(dblk):
            pltpu.async_copy(
                tabt_hbm.at[f, pl.ds(dblk * 8, 8), pl.ds(v0, VCH)],
                stageds[k].at[dblk, :, pl.ds(0, VCH)], sem_ls[k])

    def drain_loads(k):
        @pl.loop(0, 4)
        def _dr(dblk):
            pltpu.make_async_copy(
                tabt_hbm.at[0, pl.ds(0, 8), pl.ds(0, VCH)],
                stageds[k].at[0, :, pl.ds(0, VCH)], sem_ls[k]).wait()

    def out_rows(u):
        f = lax.div(u, NCHV)
        v0 = lax.rem(u, NCHV) * VCH
        return f * MR + lax.div(v0, 4)

    blk_lo = lane >> 3
    blk_hi = blk_lo + 2
    dsub = lane & 7

    def transpose(k, nv):
        @plsc.parallel_loop(0, nv, unroll=16)
        def _v(v):
            vb = jnp.zeros((LANES,), jnp.int32) + v
            row = v >> 2
            col = (v & 3) * D
            outbufs[k][row, pl.ds(col, LANES)] = plsc.load_gather(
                stageds[k], [blk_lo, dsub, vb])
            outbufs[k][row, pl.ds(col + LANES, LANES)] = plsc.load_gather(
                stageds[k], [blk_hi, dsub, vb])

    def drain_write(k):
        pltpu.make_async_copy(out_hbm.at[pl.ds(0, VCH // 4)],
                              outbufs[k], sem_ws[k]).wait()

    fire_loads(unit(0, 0), 0)
    fire_loads(unit(0, 1), 1)
    pltpu.async_copy(out_hbm.at[pl.ds(0, VCH // 4)], outbuf0, sem_w0)
    pltpu.async_copy(out_hbm.at[pl.ds(0, VCH // 4)], outbuf1, sem_w1)

    @pl.loop(0, NP)
    def _pipe(p):
        for k in (0, 1):
            u = unit(p, k)
            drain_loads(k)
            drain_write(k)
            transpose(k, VCH)
            pltpu.async_copy(outbufs[k],
                             out_hbm.at[pl.ds(out_rows(u), VCH // 4)],
                             sem_ws[k])

            @pl.when(p + 1 < NP)
            def _():
                fire_loads(unit(p + 1, k), k)

    drain_write(0)
    drain_write(1)

    f = jnp.minimum(wid, F - 1)

    @pl.loop(0, 4)
    def _eld(dblk):
        pltpu.async_copy(
            tabt_hbm.at[f, pl.ds(dblk * 8, 8), pl.ds(VMAIN, VEPI)],
            staged0.at[dblk, :, pl.ds(0, VEPI)], sem_l0)

    @pl.loop(0, 4)
    def _edr(dblk):
        pltpu.make_async_copy(
            tabt_hbm.at[0, pl.ds(0, 8), pl.ds(VMAIN, VEPI)],
            staged0.at[0, :, pl.ds(0, VEPI)], sem_l0).wait()

    @plsc.parallel_loop(0, VEPI, unroll=16)
    def _ev(v):
        vb = jnp.zeros((LANES,), jnp.int32) + v
        row = v >> 2
        col = (v & 3) * D
        outbuf0[row, pl.ds(col, LANES)] = plsc.load_gather(
            staged0, [blk_lo, dsub, vb])
        outbuf0[row, pl.ds(col + LANES, LANES)] = plsc.load_gather(
            staged0, [blk_hi, dsub, vb])

    pltpu.sync_copy(outbuf0.at[pl.ds(0, VEPI // 4)],
                    out_hbm.at[pl.ds(f * MR + VMAIN // 4, VEPI // 4)])

    @pl.loop(wid, F, step=NW)
    def _tail(ff):
        pltpu.sync_copy(tail_hbm.at[ff],
                        out_hbm.at[pl.ds(ff * MR + VTAIL // 4, 8)])


def _gather_body(tab_hbm, x_hbm, out_hbm, x_v, idx_v, acc_v, sem):
    wid = lax.axis_index("s") * NUM_CORES + lax.axis_index("c")
    pltpu.sync_copy(x_hbm.at[pl.ds(wid * XPT, XPT)], x_v)

    lane_f = lax.iota(jnp.int32, 16) * F

    def _build_row(j):
        i = lax.div(j, NCH)
        c = lax.rem(j, NCH)
        base = c * CH * F + i
        off = i * V

        @pl.loop(0, CH // LANES)
        def _seg(r):
            xi = lane_f + (base + r * LANES * F)
            vals = plsc.load_gather(x_v, [xi])
            idx_v[j, pl.ds(r * LANES, LANES)] = vals + off

    @pl.loop(0, NCH)
    def _build0(j):
        _build_row(j)

    @pl.loop(0, NCH)
    def _init(c):
        pltpu.async_copy(tab_hbm.at[idx_v.at[c]],
                         acc_v.at[pl.ds(c * CH, CH)], sem)

    @pl.loop(NCH, F * NCH)
    def _build(j):
        _build_row(j)

    @pl.loop(0, NCH)
    def _init_drain(c):
        pltpu.make_async_copy(tab_hbm.at[idx_v.at[0]],
                              acc_v.at[pl.ds(0, CH)], sem).wait()

    @pl.loop(NCH, F * NCH)
    def _fire(j):
        c = lax.rem(j, NCH)
        pltpu.async_copy(tab_hbm.at[idx_v.at[j]],
                         acc_v.at[pl.ds(c * CH, CH)], sem, add=True)

    @pl.loop(NCH, F * NCH)
    def _drain(j):
        pltpu.make_async_copy(tab_hbm.at[idx_v.at[0]],
                              acc_v.at[pl.ds(0, CH)], sem).wait()

    pltpu.sync_copy(acc_v, out_hbm.at[pl.ds(wid * SPT, SPT)])


_SC_MESH = dict(core_axis_name="c", subcore_axis_name="s",
                num_cores=NUM_CORES, num_subcores=NUM_SUBCORES)


@jax.jit
def kernel(x, tables):
    tabt = jnp.swapaxes(tables, 1, 2)
    tail = tables[:, VTAIL:, :].reshape(F, 8, 4 * D)
    x_flat = x.reshape(B * F)

    conv = pl.kernel(
        _conv_body,
        out_type=jax.ShapeDtypeStruct((F * MR, 4 * D), jnp.float32),
        compiler_params=pltpu.CompilerParams(use_tc_tiling_on_sc=True,
                                             needs_layout_passes=False),
        mesh=plsc.VectorSubcoreMesh(**_SC_MESH),
        scratch_types=[
            pltpu.VMEM((4, 8, VCH + 1), jnp.float32),
            pltpu.VMEM((4, 8, VCH + 1), jnp.float32),
            pltpu.VMEM((VCH // 4, 4 * D), jnp.float32),
            pltpu.VMEM((VCH // 4, 4 * D), jnp.float32),
            pltpu.SemaphoreType.DMA,
            pltpu.SemaphoreType.DMA,
            pltpu.SemaphoreType.DMA,
            pltpu.SemaphoreType.DMA,
        ],
    )
    tab_l = conv(tabt, tail).reshape(F * V, D)

    gat = pl.kernel(
        _gather_body,
        out_type=jax.ShapeDtypeStruct((B, D), jnp.float32),
        compiler_params=pltpu.CompilerParams(use_tc_tiling_on_sc=False,
                                             needs_layout_passes=False),
        mesh=plsc.VectorSubcoreMesh(**_SC_MESH),
        scratch_types=[
            pltpu.VMEM((XPT,), jnp.int32),
            pltpu.VMEM((F * NCH, CH), jnp.int32),
            pltpu.VMEM((SPT, D), jnp.float32),
            pltpu.SemaphoreType.DMA,
        ],
    )
    return gat(tab_l, x_flat)

# --- scband reference (transcript-rebuilt; emitter-appended) ---
"""Pipeline reference for scband-integer-encoder-38663295598923 (READ-ONLY COPY).

The authoritative reference and input builder live on the scoring server;
editing this copy changes nothing except your own understanding.
"""

import jax, jax.numpy as jnp
import numpy as np

NUM_FIELDS = 26
VOCAB = 100000
OUT_DIM = 32
BATCH = 16384


def setup_inputs(seed: int = 0) -> dict:
    key = jax.random.key(seed)
    k_idx, k_tab = jax.random.split(key)
    x = jax.random.randint(k_idx, (BATCH, NUM_FIELDS), 0, VOCAB, dtype=jnp.int32)
    # xavier_uniform with gain=sqrt(2): bound = gain * sqrt(6 / (fan_in + fan_out))
    bound = np.sqrt(2.0) * np.sqrt(6.0 / (VOCAB + OUT_DIM))
    tables = jax.random.uniform(k_tab, (NUM_FIELDS, VOCAB, OUT_DIM), dtype=jnp.float32, minval=-bound, maxval=bound)
    return {"x": x, "tables": tables}


def reference(x, tables):
    # IntegerEncoder forward with combine='sum': out = sum_i embed_i(x[:, i])
    if x.ndim == 1:
        x = x[:, None]
    out = jnp.zeros((x.shape[0], tables.shape[2]), dtype=tables.dtype)
    for i in range(x.shape[1]):
        out = out + jnp.take(tables[i], x[:, i], axis=0)
    return out

if __name__ == "__main__":
    import jax
    _d = setup_inputs()
    print(jax.jit(kernel)(*tuple(_d.values())))

</pallas_src>

<mosaic_0001>
#map = affine_map<(d0, d1) -> (0, 0, 0)>
#map1 = affine_map<(d0, d1) -> (0, 0)>
module attributes {stable_mosaic.version = 14 : i64} {
  func.func @_conv_body(%arg0: i32, %arg1: i32, %arg2: memref<26x32x100000xf32, #tpu.memory_space<hbm>>, %arg3: memref<26x8x128xf32, #tpu.memory_space<hbm>>, %arg4: memref<650000x128xf32, #tpu.memory_space<hbm>>, %arg5: memref<4x8x897xf32, #tpu.memory_space<vmem>>, %arg6: memref<4x8x897xf32, #tpu.memory_space<vmem>>, %arg7: memref<224x128xf32, #tpu.memory_space<vmem>>, %arg8: memref<224x128xf32, #tpu.memory_space<vmem>>, %arg9: memref<!tpu.dma_semaphore, #tpu.memory_space<semaphore_mem>>, %arg10: memref<!tpu.dma_semaphore, #tpu.memory_space<semaphore_mem>>, %arg11: memref<!tpu.dma_semaphore, #tpu.memory_space<semaphore_mem>>, %arg12: memref<!tpu.dma_semaphore, #tpu.memory_space<semaphore_mem>>) attributes {dimension_semantics = [#tpu.dimension_semantics<core_parallel>, #tpu.dimension_semantics<subcore_parallel>], iteration_bounds = array<i64: 2, 16>, scalar_prefetch = 0 : i64, scratch_operands = 8 : i64, tpu.core_type = #tpu.core_type<sc_vector_subcore>, window_params = [{transform_indices = #map}, {transform_indices = #map}, {transform_indices = #map1}]} {
    %mul3A = arith.constant 2 : i32
    %mul3A_0 = arith.muli %arg1, %mul3A : i32
    %add3A = arith.addi %mul3A_0, %arg0 : i32
    %iota3A = tpu.iota {dimensions = array<i32: 0>} : vector<16xi32>
    %shift_right_arithmetic3A = arith.constant 3 : i32
    %shift_right_arithmetic3A_1 = vector.broadcast %shift_right_arithmetic3A : i32 to vector<16xi32>
    %shift_right_arithmetic3A_2 = arith.shrsi %iota3A, %shift_right_arithmetic3A_1 : vector<16xi32>
    %add3A_3 = arith.constant 2 : i32
    %add3A_4 = vector.broadcast %add3A_3 : i32 to vector<16xi32>
    %add3A_5 = arith.addi %shift_right_arithmetic3A_2, %add3A_4 : vector<16xi32>
    %and3A = arith.constant 7 : i32
    %and3A_6 = vector.broadcast %and3A : i32 to vector<16xi32>
    %and3A_7 = arith.andi %iota3A, %and3A_6 : vector<16xi32>
    %add3A_8 = arith.constant 0 : i32
    %add3A_9 = arith.addi %add3A, %add3A_8 : i32
    %min3A = arith.constant 2885 : i32
    %min3A_10 = arith.minsi %add3A_9, %min3A : i32
    %div3A = arith.constant 111 : i32
    %div3A_11 = arith.divsi %min3A_10, %div3A : i32
    %rem3A = arith.constant 111 : i32
    %rem3A_12 = arith.remsi %min3A_10, %rem3A : i32
    %mul3A_13 = arith.constant 896 : i32
    %mul3A_14 = arith.muli %rem3A_12, %mul3A_13 : i32
    %scan3A = arith.constant 0 : i32
    %scan3A_15 = arith.constant 4 : i32
    %scan3A_16 = arith.addi %scan3A, %scan3A_15 : i32
    %scan3A_17 = arith.constant 1 : i32
    scf.for %scan3A_95 = %scan3A to %scan3A_16 step %scan3A_17  : i32 {
      %mul3A_96 = arith.constant 1 : i32
      %mul3A_97 = arith.muli %scan3A_95, %mul3A_96 : i32
      %add3A_98 = arith.constant 0 : i32
      %add3A_99 = arith.addi %add3A_98, %mul3A_97 : i32
      %mul3A_100 = arith.constant 8 : i32
      %mul3A_101 = arith.muli %add3A_99, %mul3A_100 : i32
      %dma_start3A_102 = arith.constant 0 : i32
      %dma_start3A_103 = arith.constant 0 : i32
      %dma_start3A_104 = tpu.memref_slice %arg5[%add3A_99, %dma_start3A_102, %dma_start3A_103] : memref<4x8x897xf32, #tpu.memory_space<vmem>> -> memref<1x8x896xf32, #tpu.memory_space<vmem>>
      %dma_start3A_105 = tpu.memref_squeeze %dma_start3A_104 : memref<1x8x896xf32, #tpu.memory_space<vmem>> -> memref<8x896xf32, #tpu.memory_space<vmem>>
      %dma_start3A_106 = tpu.memref_slice %arg2[%div3A_11, %mul3A_101, %mul3A_14] : memref<26x32x100000xf32, #tpu.memory_space<hbm>> -> memref<1x8x896xf32, #tpu.memory_space<hbm>>
      %dma_start3A_107 = tpu.memref_squeeze %dma_start3A_106 : memref<1x8x896xf32, #tpu.memory_space<hbm>> -> memref<8x896xf32, #tpu.memory_space<hbm>>
      %dma_start3A_108 = arith.constant 0 : i32
      %dma_start3A_109 = arith.constant 0 : i32
      %dma_start3A_110 = tpu.memref_slice %arg5[%add3A_99, %dma_start3A_108, %dma_start3A_109] : memref<4x8x897xf32, #tpu.memory_space<vmem>> -> memref<1x8x896xf32, #tpu.memory_space<vmem>>
      %dma_start3A_111 = tpu.memref_squeeze %dma_start3A_110 : memref<1x8x896xf32, #tpu.memory_space<vmem>> -> memref<8x896xf32, #tpu.memory_space<vmem>>
      %dma_start3A_112 = tpu.memref_slice %arg2[%div3A_11, %mul3A_101, %mul3A_14] : memref<26x32x100000xf32, #tpu.memory_space<hbm>> -> memref<1x8x896xf32, #tpu.memory_space<hbm>>
      %dma_start3A_113 = tpu.memref_squeeze %dma_start3A_112 : memref<1x8x896xf32, #tpu.memory_space<hbm>> -> memref<8x896xf32, #tpu.memory_space<hbm>>
      tpu.enqueue_dma source(%dma_start3A_113 : memref<8x896xf32, #tpu.memory_space<hbm>>) target(%dma_start3A_111 : memref<8x896xf32, #tpu.memory_space<vmem>>) target_semaphore(%arg9 : memref<!tpu.dma_semaphore, #tpu.memory_space<semaphore_mem>>)
    }
    %scan3A_18 = arith.constant 4 : i32
    %add3A_19 = arith.constant 32 : i32
    %add3A_20 = arith.addi %add3A, %add3A_19 : i32
    %min3A_21 = arith.constant 2885 : i32
    %min3A_22 = arith.minsi %add3A_20, %min3A_21 : i32
    %div3A_23 = arith.constant 111 : i32
    %div3A_24 = arith.divsi %min3A_22, %div3A_23 : i32
    %rem3A_25 = arith.constant 111 : i32
    %rem3A_26 = arith.remsi %min3A_22, %rem3A_25 : i32
    %mul3A_27 = arith.constant 896 : i32
    %mul3A_28 = arith.muli %rem3A_26, %mul3A_27 : i32
    %scan3A_29 = arith.constant 0 : i32
    %scan3A_30 = arith.constant 4 : i32
    %scan3A_31 = arith.addi %scan3A_29, %scan3A_30 : i32
    %scan3A_32 = arith.constant 1 : i32
    scf.for %scan3A_95 = %scan3A_29 to %scan3A_31 step %scan3A_32  : i32 {
      %mul3A_96 = arith.constant 1 : i32
      %mul3A_97 = arith.muli %scan3A_95, %mul3A_96 : i32
      %add3A_98 = arith.constant 0 : i32
      %add3A_99 = arith.addi %add3A_98, %mul3A_97 : i32
      %mul3A_100 = arith.constant 8 : i32
      %mul3A_101 = arith.muli %add3A_99, %mul3A_100 : i32
      %dma_start3A_102 = arith.constant 0 : i32
      %dma_start3A_103 = arith.constant 0 : i32
      %dma_start3A_104 = tpu.memref_slice %arg6[%add3A_99, %dma_start3A_102, %dma_start3A_103] : memref<4x8x897xf32, #tpu.memory_space<vmem>> -> memref<1x8x896xf32, #tpu.memory_space<vmem>>
      %dma_start3A_105 = tpu.memref_squeeze %dma_start3A_104 : memref<1x8x896xf32, #tpu.memory_space<vmem>> -> memref<8x896xf32, #tpu.memory_space<vmem>>
      %dma_start3A_106 = tpu.memref_slice %arg2[%div3A_24, %mul3A_101, %mul3A_28] : memref<26x32x100000xf32, #tpu.memory_space<hbm>> -> memref<1x8x896xf32, #tpu.memory_space<hbm>>
      %dma_start3A_107 = tpu.memref_squeeze %dma_start3A_106 : memref<1x8x896xf32, #tpu.memory_space<hbm>> -> memref<8x896xf32, #tpu.memory_space<hbm>>
      %dma_start3A_108 = arith.constant 0 : i32
      %dma_start3A_109 = arith.constant 0 : i32
      %dma_start3A_110 = tpu.memref_slice %arg6[%add3A_99, %dma_start3A_108, %dma_start3A_109] : memref<4x8x897xf32, #tpu.memory_space<vmem>> -> memref<1x8x896xf32, #tpu.memory_space<vmem>>
      %dma_start3A_111 = tpu.memref_squeeze %dma_start3A_110 : memref<1x8x896xf32, #tpu.memory_space<vmem>> -> memref<8x896xf32, #tpu.memory_space<vmem>>
      %dma_start3A_112 = tpu.memref_slice %arg2[%div3A_24, %mul3A_101, %mul3A_28] : memref<26x32x100000xf32, #tpu.memory_space<hbm>> -> memref<1x8x896xf32, #tpu.memory_space<hbm>>
      %dma_start3A_113 = tpu.memref_squeeze %dma_start3A_112 : memref<1x8x896xf32, #tpu.memory_space<hbm>> -> memref<8x896xf32, #tpu.memory_space<hbm>>
      tpu.enqueue_dma source(%dma_start3A_113 : memref<8x896xf32, #tpu.memory_space<hbm>>) target(%dma_start3A_111 : memref<8x896xf32, #tpu.memory_space<vmem>>) target_semaphore(%arg10 : memref<!tpu.dma_semaphore, #tpu.memory_space<semaphore_mem>>)
    }
    %scan3A_33 = arith.constant 4 : i32
    %dma_start3A = arith.constant 0 : i32
    %dma_start3A_34 = arith.constant 0 : i32
    %dma_start3A_35 = tpu.memref_slice %arg4[%dma_start3A, %dma_start3A_34] : memref<650000x128xf32, #tpu.memory_space<hbm>> -> memref<224x128xf32, #tpu.memory_space<hbm>>
    %dma_start3A_36 = arith.constant 0 : i32
    %dma_start3A_37 = arith.constant 0 : i32
    %dma_start3A_38 = tpu.memref_slice %arg4[%dma_start3A_36, %dma_start3A_37] : memref<650000x128xf32, #tpu.memory_space<hbm>> -> memref<224x128xf32, #tpu.memory_space<hbm>>
    tpu.enqueue_dma source(%dma_start3A_38 : memref<224x128xf32, #tpu.memory_space<hbm>>) target(%arg7 : memref<224x128xf32, #tpu.memory_space<vmem>>) target_semaphore(%arg11 : memref<!tpu.dma_semaphore, #tpu.memory_space<semaphore_mem>>)
    %dma_start3A_39 = arith.constant 0 : i32
    %dma_start3A_40 = arith.constant 0 : i32
    %dma_start3A_41 = tpu.memref_slice %arg4[%dma_start3A_39, %dma_start3A_40] : memref<650000x128xf32, #tpu.memory_space<hbm>> -> memref<224x128xf32, #tpu.memory_space<hbm>>
    %dma_start3A_42 = arith.constant 0 : i32
    %dma_start3A_43 = arith.constant 0 : i32
    %dma_start3A_44 = tpu.memref_slice %arg4[%dma_start3A_42, %dma_start3A_43] : memref<650000x128xf32, #tpu.memory_space<hbm>> -> memref<224x128xf32, #tpu.memory_space<hbm>>
    tpu.enqueue_dma source(%dma_start3A_44 : memref<224x128xf32, #tpu.memory_space<hbm>>) target(%arg8 : memref<224x128xf32, #tpu.memory_space<vmem>>) target_semaphore(%arg12 : memref<!tpu.dma_semaphore, #tpu.memory_space<semaphore_mem>>)
    %scan3A_45 = arith.constant 0 : i32
    %scan3A_46 = arith.constant 46 : i32
    %scan3A_47 = arith.addi %scan3A_45, %scan3A_46 : i32
    %scan3A_48 = arith.constant 1 : i32
    scf.for %scan3A_95 = %scan3A_45 to %scan3A_47 step %scan3A_48  : i32 {
      %mul3A_96 = arith.constant 1 : i32
      %mul3A_97 = arith.muli %scan3A_95, %mul3A_96 : i32
      %add3A_98 = arith.constant 0 : i32
      %add3A_99 = arith.addi %add3A_98, %mul3A_97 : i32
      %mul3A_100 = arith.constant 2 : i32
      %mul3A_101 = arith.muli %mul3A_100, %add3A_99 : i32
      %add3A_102 = arith.constant 0 : i32
      %add3A_103 = arith.addi %mul3A_101, %add3A_102 : i32
      %mul3A_104 = arith.constant 32 : i32
      %mul3A_105 = arith.muli %add3A_103, %mul3A_104 : i32
      %add3A_106 = arith.addi %add3A, %mul3A_105 : i32
      %min3A_107 = arith.constant 2885 : i32
      %min3A_108 = arith.minsi %add3A_106, %min3A_107 : i32
      %scan3A_109 = arith.constant 0 : i32
      %scan3A_110 = arith.constant 4 : i32
      %scan3A_111 = arith.addi %scan3A_109, %scan3A_110 : i32
      %scan3A_112 = arith.constant 1 : i32
      scf.for %scan3A_187 = %scan3A_109 to %scan3A_111 step %scan3A_112  : i32 {
        %mul3A_188 = arith.constant 1 : i32
        %mul3A_189 = arith.muli %scan3A_187, %mul3A_188 : i32
        %add3A_190 = arith.constant 0 : i32
        %add3A_191 = arith.addi %add3A_190, %mul3A_189 : i32
        %dma_wait3A_192 = arith.constant 0 : i32
        %dma_wait3A_193 = arith.constant 0 : i32
        %dma_wait3A_194 = arith.constant 0 : i32
        %dma_wait3A_195 = arith.constant 0 : i32
        %dma_wait3A_196 = tpu.memref_slice %arg5[%dma_wait3A_193, %dma_wait3A_194, %dma_wait3A_195] : memref<4x8x897xf32, #tpu.memory_space<vmem>> -> memref<1x8x896xf32, #tpu.memory_space<vmem>>
        %dma_wait3A_197 = tpu.memref_squeeze %dma_wait3A_196 : memref<1x8x896xf32, #tpu.memory_space<vmem>> -> memref<8x896xf32, #tpu.memory_space<vmem>>
        %dma_wait3A_198 = arith.constant 0 : i32
        %dma_wait3A_199 = arith.constant 0 : i32
        %dma_wait3A_200 = tpu.memref_slice %arg2[%dma_wait3A_192, %dma_wait3A_198, %dma_wait3A_199] : memref<26x32x100000xf32, #tpu.memory_space<hbm>> -> memref<1x8x896xf32, #tpu.memory_space<hbm>>
        %dma_wait3A_201 = tpu.memref_squeeze %dma_wait3A_200 : memref<1x8x896xf32, #tpu.memory_space<hbm>> -> memref<8x896xf32, #tpu.memory_space<hbm>>
        %dma_wait3A_202 = arith.constant 0 : i32
        %dma_wait3A_203 = arith.constant 0 : i32
        %dma_wait3A_204 = tpu.memref_slice %arg5[%dma_wait3A_193, %dma_wait3A_202, %dma_wait3A_203] : memref<4x8x897xf32, #tpu.memory_space<vmem>> -> memref<1x8x896xf32, #tpu.memory_space<vmem>>
        %dma_wait3A_205 = tpu.memref_squeeze %dma_wait3A_204 : memref<1x8x896xf32, #tpu.memory_space<vmem>> -> memref<8x896xf32, #tpu.memory_space<vmem>>
        %dma_wait3A_206 = arith.constant 0 : i32
        %dma_wait3A_207 = arith.constant 0 : i32
        %dma_wait3A_208 = tpu.memref_slice %arg2[%dma_wait3A_192, %dma_wait3A_206, %dma_wait3A_207] : memref<26x32x100000xf32, #tpu.memory_space<hbm>> -> memref<1x8x896xf32, #tpu.memory_space<hbm>>
        %dma_wait3A_209 = tpu.memref_squeeze %dma_wait3A_208 : memref<1x8x896xf32, #tpu.memory_space<hbm>> -> memref<8x896xf32, #tpu.memory_space<hbm>>
        tpu.wait_dma2 semaphore(%arg9 : memref<!tpu.dma_semaphore, #tpu.memory_space<semaphore_mem>>) src(%dma_wait3A_209 : memref<8x896xf32, #tpu.memory_space<hbm>>) dst(%dma_wait3A_205 : memref<8x896xf32, #tpu.memory_space<vmem>>)
      }
      %scan3A_113 = arith.constant 4 : i32
      %dma_wait3A_114 = arith.constant 0 : i32
      %dma_wait3A_115 = arith.constant 0 : i32
      %dma_wait3A_116 = tpu.memref_slice %arg4[%dma_wait3A_114, %dma_wait3A_115] : memref<650000x128xf32, #tpu.memory_space<hbm>> -> memref<224x128xf32, #tpu.memory_space<hbm>>
      %dma_wait3A_117 = arith.constant 0 : i32
      %dma_wait3A_118 = arith.constant 0 : i32
      %dma_wait3A_119 = tpu.memref_slice %arg4[%dma_wait3A_117, %dma_wait3A_118] : memref<650000x128xf32, #tpu.memory_space<hbm>> -> memref<224x128xf32, #tpu.memory_space<hbm>>
      tpu.wait_dma2 semaphore(%arg11 : memref<!tpu.dma_semaphore, #tpu.memory_space<semaphore_mem>>) src(%dma_wait3A_119 : memref<224x128xf32, #tpu.memory_space<hbm>>) dst(%arg7 : memref<224x128xf32, #tpu.memory_space<vmem>>)
      %parallel_loop3A_120 = arith.constant 0 : i32
      %parallel_loop3A_121 = arith.constant 896 : i32
      %parallel_loop3A_122 = arith.constant 1 : i32
      scf.for %parallel_loop3A_187 = %parallel_loop3A_120 to %parallel_loop3A_121 step %parallel_loop3A_122  : i32 {
        %parallel_loop3A_188 = arith.constant 0 : i32
        %parallel_loop3A_189 = vector.broadcast %parallel_loop3A_188 : i32 to vector<16xi32>
        %parallel_loop3A_190 = vector.broadcast %parallel_loop3A_187 : i32 to vector<16xi32>
        %parallel_loop3A_191 = arith.addi %parallel_loop3A_189, %parallel_loop3A_190 : vector<16xi32>
        %parallel_loop3A_192 = arith.constant 2 : i32
        %parallel_loop3A_193 = arith.shrsi %parallel_loop3A_187, %parallel_loop3A_192 : i32
        %parallel_loop3A_194 = arith.constant 3 : i32
        %parallel_loop3A_195 = arith.andi %parallel_loop3A_187, %parallel_loop3A_194 : i32
        %parallel_loop3A_196 = arith.constant 32 : i32
        %parallel_loop3A_197 = arith.muli %parallel_loop3A_195, %parallel_loop3A_196 : i32
        %parallel_loop3A_198 = tpu.vector_load_idx %arg5[%shift_right_arithmetic3A_2, %and3A_7, %parallel_loop3A_191] : memref<4x8x897xf32, #tpu.memory_space<vmem>>[vector<16xi32>, vector<16xi32>, vector<16xi32>], vector<16xf32>,
        %parallel_loop3A_199 = arith.index_cast %parallel_loop3A_193 : i32 to index
        %parallel_loop3A_200 = arith.index_cast %parallel_loop3A_197 : i32 to index
        %parallel_loop3A_201 = tpu.vector_load %arg7[%parallel_loop3A_199, %parallel_loop3A_200] {strides = array<i32>} : memref<224x128xf32, #tpu.memory_space<vmem>>, vector<16xf32>,
        tpu.vector_store %arg7[%parallel_loop3A_199, %parallel_loop3A_200], %parallel_loop3A_198 {strides = array<i32>} : memref<224x128xf32, #tpu.memory_space<vmem>>, vector<16xf32>,
        %parallel_loop3A_202 = tpu.vector_load_idx %arg5[%add3A_5, %and3A_7, %parallel_loop3A_191] : memref<4x8x897xf32, #tpu.memory_space<vmem>>[vector<16xi32>, vector<16xi32>, vector<16xi32>], vector<16xf32>,
        %parallel_loop3A_203 = arith.constant 16 : i32
        %parallel_loop3A_204 = arith.addi %parallel_loop3A_197, %parallel_loop3A_203 : i32
        %parallel_loop3A_205 = arith.index_cast %parallel_loop3A_193 : i32 to index
        %parallel_loop3A_206 = arith.index_cast %parallel_loop3A_204 : i32 to index
        %parallel_loop3A_207 = tpu.vector_load %arg7[%parallel_loop3A_205, %parallel_loop3A_206] {strides = array<i32>} : memref<224x128xf32, #tpu.memory_space<vmem>>, vector<16xf32>,
        tpu.vector_store %arg7[%parallel_loop3A_205, %parallel_loop3A_206], %parallel_loop3A_202 {strides = array<i32>} : memref<224x128xf32, #tpu.memory_space<vmem>>, vector<16xf32>,
      } {sc.loop_unroll_factor = 16 : i64, sc.parallel_access}
      %div3A_123 = arith.constant 111 : i32
      %div3A_124 = arith.divsi %min3A_108, %div3A_123 : i32
      %rem3A_125 = arith.constant 111 : i32
      %rem3A_126 = arith.remsi %min3A_108, %rem3A_125 : i32
      %mul3A_127 = arith.constant 896 : i32
      %mul3A_128 = arith.muli %rem3A_126, %mul3A_127 : i32
      %mul3A_129 = arith.constant 25000 : i32
      %mul3A_130 = arith.muli %div3A_124, %mul3A_129 : i32
      %div3A_131 = arith.constant 4 : i32
      %div3A_132 = arith.divsi %mul3A_128, %div3A_131 : i32
      %add3A_133 = arith.addi %mul3A_130, %div3A_132 : i32
      %dma_start3A_134 = arith.constant 0 : i32
      %dma_start3A_135 = tpu.memref_slice %arg4[%add3A_133, %dma_start3A_134] : memref<650000x128xf32, #tpu.memory_space<hbm>> -> memref<224x128xf32, #tpu.memory_space<hbm>>
      %dma_start3A_136 = arith.constant 0 : i32
      %dma_start3A_137 = tpu.memref_slice %arg4[%add3A_133, %dma_start3A_136] : memref<650000x128xf32, #tpu.memory_space<hbm>> -> memref<224x128xf32, #tpu.memory_space<hbm>>
      tpu.enqueue_dma source(%arg7 : memref<224x128xf32, #tpu.memory_space<vmem>>) target(%dma_start3A_137 : memref<224x128xf32, #tpu.memory_space<hbm>>) target_semaphore(%arg11 : memref<!tpu.dma_semaphore, #tpu.memory_space<semaphore_mem>>)
      %add3A_138 = arith.constant 1 : i32
      %add3A_139 = arith.addi %add3A_99, %add3A_138 : i32
      %lt3A = arith.constant 46 : i32
      %lt3A_140 = arith.cmpi slt, %add3A_139, %lt3A : i32
      %convert_element_type3A = arith.extui %lt3A_140 : i1 to i32
      %cond3A = arith.constant 0 : i32
      %cond3A_141 = arith.cmpi ne, %convert_element_type3A, %cond3A : i32
      scf.if %cond3A_141 {
        %add3A_187 = arith.constant 1 : i32
        %add3A_188 = arith.addi %add3A_99, %add3A_187 : i32
        %mul3A_189 = arith.constant 2 : i32
        %mul3A_190 = arith.muli %mul3A_189, %add3A_188 : i32
        %add3A_191 = arith.constant 0 : i32
        %add3A_192 = arith.addi %mul3A_190, %add3A_191 : i32
        %mul3A_193 = arith.constant 32 : i32
        %mul3A_194 = arith.muli %add3A_192, %mul3A_193 : i32
        %add3A_195 = arith.addi %add3A, %mul3A_194 : i32
        %min3A_196 = arith.constant 2885 : i32
        %min3A_197 = arith.minsi %add3A_195, %min3A_196 : i32
        %div3A_198 = arith.constant 111 : i32
        %div3A_199 = arith.divsi %min3A_197, %div3A_198 : i32
        %rem3A_200 = arith.constant 111 : i32
        %rem3A_201 = arith.remsi %min3A_197, %rem3A_200 : i32
        %mul3A_202 = arith.constant 896 : i32
        %mul3A_203 = arith.muli %rem3A_201, %mul3A_202 : i32
        %scan3A_204 = arith.constant 0 : i32
        %scan3A_205 = arith.constant 4 : i32
        %scan3A_206 = arith.addi %scan3A_204, %scan3A_205 : i32
        %scan3A_207 = arith.constant 1 : i32
        scf.for %scan3A_209 = %scan3A_204 to %scan3A_206 step %scan3A_207  : i32 {
          %mul3A_210 = arith.constant 1 : i32
          %mul3A_211 = arith.muli %scan3A_209, %mul3A_210 : i32
          %add3A_212 = arith.constant 0 : i32
          %add3A_213 = arith.addi %add3A_212, %mul3A_211 : i32
          %mul3A_214 = arith.constant 8 : i32
          %mul3A_215 = arith.muli %add3A_213, %mul3A_214 : i32
          %dma_start3A_216 = arith.constant 0 : i32
          %dma_start3A_217 = arith.constant 0 : i32
          %dma_start3A_218 = tpu.memref_slice %arg5[%add3A_213, %dma_start3A_216, %dma_start3A_217] : memref<4x8x897xf32, #tpu.memory_space<vmem>> -> memref<1x8x896xf32, #tpu.memory_space<vmem>>
          %dma_start3A_219 = tpu.memref_squeeze %dma_start3A_218 : memref<1x8x896xf32, #tpu.memory_space<vmem>> -> memref<8x896xf32, #tpu.memory_space<vmem>>
          %dma_start3A_220 = tpu.memref_slice %arg2[%div3A_199, %mul3A_215, %mul3A_203] : memref<26x32x100000xf32, #tpu.memory_space<hbm>> -> memref<1x8x896xf32, #tpu.memory_space<hbm>>
          %dma_start3A_221 = tpu.memref_squeeze %dma_start3A_220 : memref<1x8x896xf32, #tpu.memory_space<hbm>> -> memref<8x896xf32, #tpu.memory_space<hbm>>
          %dma_start3A_222 = arith.constant 0 : i32
          %dma_start3A_223 = arith.constant 0 : i32
          %dma_start3A_224 = tpu.memref_slice %arg5[%add3A_213, %dma_start3A_222, %dma_start3A_223] : memref<4x8x897xf32, #tpu.memory_space<vmem>> -> memref<1x8x896xf32, #tpu.memory_space<vmem>>
          %dma_start3A_225 = tpu.memref_squeeze %dma_start3A_224 : memref<1x8x896xf32, #tpu.memory_space<vmem>> -> memref<8x896xf32, #tpu.memory_space<vmem>>
          %dma_start3A_226 = tpu.memref_slice %arg2[%div3A_199, %mul3A_215, %mul3A_203] : memref<26x32x100000xf32, #tpu.memory_space<hbm>> -> memref<1x8x896xf32, #tpu.memory_space<hbm>>
          %dma_start3A_227 = tpu.memref_squeeze %dma_start3A_226 : memref<1x8x896xf32, #tpu.memory_space<hbm>> -> memref<8x896xf32, #tpu.memory_space<hbm>>
          tpu.enqueue_dma source(%dma_start3A_227 : memref<8x896xf32, #tpu.memory_space<hbm>>) target(%dma_start3A_225 : memref<8x896xf32, #tpu.memory_space<vmem>>) target_semaphore(%arg9 : memref<!tpu.dma_semaphore, #tpu.memory_space<semaphore_mem>>)
        }
        %scan3A_208 = arith.constant 4 : i32
      } else {
      }
      %mul3A_142 = arith.constant 2 : i32
      %mul3A_143 = arith.muli %mul3A_142, %add3A_99 : i32
      %add3A_144 = arith.constant 1 : i32
      %add3A_145 = arith.addi %mul3A_143, %add3A_144 : i32
      %mul3A_146 = arith.constant 32 : i32
      %mul3A_147 = arith.muli %add3A_145, %mul3A_146 : i32
      %add3A_148 = arith.addi %add3A, %mul3A_147 : i32
      %min3A_149 = arith.constant 2885 : i32
      %min3A_150 = arith.minsi %add3A_148, %min3A_149 : i32
      %scan3A_151 = arith.constant 0 : i32
      %scan3A_152 = arith.constant 4 : i32
      %scan3A_153 = arith.addi %scan3A_151, %scan3A_152 : i32
      %scan3A_154 = arith.constant 1 : i32
      scf.for %scan3A_187 = %scan3A_151 to %scan3A_153 step %scan3A_154  : i32 {
        %mul3A_188 = arith.constant 1 : i32
        %mul3A_189 = arith.muli %scan3A_187, %mul3A_188 : i32
        %add3A_190 = arith.constant 0 : i32
        %add3A_191 = arith.addi %add3A_190, %mul3A_189 : i32
        %dma_wait3A_192 = arith.constant 0 : i32
        %dma_wait3A_193 = arith.constant 0 : i32
        %dma_wait3A_194 = arith.constant 0 : i32
        %dma_wait3A_195 = arith.constant 0 : i32
        %dma_wait3A_196 = tpu.memref_slice %arg6[%dma_wait3A_193, %dma_wait3A_194, %dma_wait3A_195] : memref<4x8x897xf32, #tpu.memory_space<vmem>> -> memref<1x8x896xf32, #tpu.memory_space<vmem>>
        %dma_wait3A_197 = tpu.memref_squeeze %dma_wait3A_196 : memref<1x8x896xf32, #tpu.memory_space<vmem>> -> memref<8x896xf32, #tpu.memory_space<vmem>>
        %dma_wait3A_198 = arith.constant 0 : i32
        %dma_wait3A_199 = arith.constant 0 : i32
        %dma_wait3A_200 = tpu.memref_slice %arg2[%dma_wait3A_192, %dma_wait3A_198, %dma_wait3A_199] : memref<26x32x100000xf32, #tpu.memory_space<hbm>> -> memref<1x8x896xf32, #tpu.memory_space<hbm>>
        %dma_wait3A_201 = tpu.memref_squeeze %dma_wait3A_200 : memref<1x8x896xf32, #tpu.memory_space<hbm>> -> memref<8x896xf32, #tpu.memory_space<hbm>>
        %dma_wait3A_202 = arith.constant 0 : i32
        %dma_wait3A_203 = arith.constant 0 : i32
        %dma_wait3A_204 = tpu.memref_slice %arg6[%dma_wait3A_193, %dma_wait3A_202, %dma_wait3A_203] : memref<4x8x897xf32, #tpu.memory_space<vmem>> -> memref<1x8x896xf32, #tpu.memory_space<vmem>>
        %dma_wait3A_205 = tpu.memref_squeeze %dma_wait3A_204 : memref<1x8x896xf32, #tpu.memory_space<vmem>> -> memref<8x896xf32, #tpu.memory_space<vmem>>
        %dma_wait3A_206 = arith.constant 0 : i32
        %dma_wait3A_207 = arith.constant 0 : i32
        %dma_wait3A_208 = tpu.memref_slice %arg2[%dma_wait3A_192, %dma_wait3A_206, %dma_wait3A_207] : memref<26x32x100000xf32, #tpu.memory_space<hbm>> -> memref<1x8x896xf32, #tpu.memory_space<hbm>>
        %dma_wait3A_209 = tpu.memref_squeeze %dma_wait3A_208 : memref<1x8x896xf32, #tpu.memory_space<hbm>> -> memref<8x896xf32, #tpu.memory_space<hbm>>
        tpu.wait_dma2 semaphore(%arg10 : memref<!tpu.dma_semaphore, #tpu.memory_space<semaphore_mem>>) src(%dma_wait3A_209 : memref<8x896xf32, #tpu.memory_space<hbm>>) dst(%dma_wait3A_205 : memref<8x896xf32, #tpu.memory_space<vmem>>)
      }
      %scan3A_155 = arith.constant 4 : i32
      %dma_wait3A_156 = arith.constant 0 : i32
      %dma_wait3A_157 = arith.constant 0 : i32
      %dma_wait3A_158 = tpu.memref_slice %arg4[%dma_wait3A_156, %dma_wait3A_157] : memref<650000x128xf32, #tpu.memory_space<hbm>> -> memref<224x128xf32, #tpu.memory_space<hbm>>
      %dma_wait3A_159 = arith.constant 0 : i32
      %dma_wait3A_160 = arith.constant 0 : i32
      %dma_wait3A_161 = tpu.memref_slice %arg4[%dma_wait3A_159, %dma_wait3A_160] : memref<650000x128xf32, #tpu.memory_space<hbm>> -> memref<224x128xf32, #tpu.memory_space<hbm>>
      tpu.wait_dma2 semaphore(%arg12 : memref<!tpu.dma_semaphore, #tpu.memory_space<semaphore_mem>>) src(%dma_wait3A_161 : memref<224x128xf32, #tpu.memory_space<hbm>>) dst(%arg8 : memref<224x128xf32, #tpu.memory_space<vmem>>)
      %parallel_loop3A_162 = arith.constant 0 : i32
      %parallel_loop3A_163 = arith.constant 896 : i32
      %parallel_loop3A_164 = arith.constant 1 : i32
      scf.for %parallel_loop3A_187 = %parallel_loop3A_162 to %parallel_loop3A_163 step %parallel_loop3A_164  : i32 {
        %parallel_loop3A_188 = arith.constant 0 : i32
        %parallel_loop3A_189 = vector.broadcast %parallel_loop3A_188 : i32 to vector<16xi32>
        %parallel_loop3A_190 = vector.broadcast %parallel_loop3A_187 : i32 to vector<16xi32>
        %parallel_loop3A_191 = arith.addi %parallel_loop3A_189, %parallel_loop3A_190 : vector<16xi32>
        %parallel_loop3A_192 = arith.constant 2 : i32
        %parallel_loop3A_193 = arith.shrsi %parallel_loop3A_187, %parallel_loop3A_192 : i32
        %parallel_loop3A_194 = arith.constant 3 : i32
        %parallel_loop3A_195 = arith.andi %parallel_loop3A_187, %parallel_loop3A_194 : i32
        %parallel_loop3A_196 = arith.constant 32 : i32
        %parallel_loop3A_197 = arith.muli %parallel_loop3A_195, %parallel_loop3A_196 : i32
        %parallel_loop3A_198 = tpu.vector_load_idx %arg6[%shift_right_arithmetic3A_2, %and3A_7, %parallel_loop3A_191] : memref<4x8x897xf32, #tpu.memory_space<vmem>>[vector<16xi32>, vector<16xi32>, vector<16xi32>], vector<16xf32>,
        %parallel_loop3A_199 = arith.index_cast %parallel_loop3A_193 : i32 to index
        %parallel_loop3A_200 = arith.index_cast %parallel_loop3A_197 : i32 to index
        %parallel_loop3A_201 = tpu.vector_load %arg8[%parallel_loop3A_199, %parallel_loop3A_200] {strides = array<i32>} : memref<224x128xf32, #tpu.memory_space<vmem>>, vector<16xf32>,
        tpu.vector_store %arg8[%parallel_loop3A_199, %parallel_loop3A_200], %parallel_loop3A_198 {strides = array<i32>} : memref<224x128xf32, #tpu.memory_space<vmem>>, vector<16xf32>,
        %parallel_loop3A_202 = tpu.vector_load_idx %arg6[%add3A_5, %and3A_7, %parallel_loop3A_191] : memref<4x8x897xf32, #tpu.memory_space<vmem>>[vector<16xi32>, vector<16xi32>, vector<16xi32>], vector<16xf32>,
        %parallel_loop3A_203 = arith.constant 16 : i32
        %parallel_loop3A_204 = arith.addi %parallel_loop3A_197, %parallel_loop3A_203 : i32
        %parallel_loop3A_205 = arith.index_cast %parallel_loop3A_193 : i32 to index
        %parallel_loop3A_206 = arith.index_cast %parallel_loop3A_204 : i32 to index
        %parallel_loop3A_207 = tpu.vector_load %arg8[%parallel_loop3A_205, %parallel_loop3A_206] {strides = array<i32>} : memref<224x128xf32, #tpu.memory_space<vmem>>, vector<16xf32>,
        tpu.vector_store %arg8[%parallel_loop3A_205, %parallel_loop3A_206], %parallel_loop3A_202 {strides = array<i32>} : memref<224x128xf32, #tpu.memory_space<vmem>>, vector<16xf32>,
      } {sc.loop_unroll_factor = 16 : i64, sc.parallel_access}
      %div3A_165 = arith.constant 111 : i32
      %div3A_166 = arith.divsi %min3A_150, %div3A_165 : i32
      %rem3A_167 = arith.constant 111 : i32
      %rem3A_168 = arith.remsi %min3A_150, %rem3A_167 : i32
      %mul3A_169 = arith.constant 896 : i32
      %mul3A_170 = arith.muli %rem3A_168, %mul3A_169 : i32
      %mul3A_171 = arith.constant 25000 : i32
      %mul3A_172 = arith.muli %div3A_166, %mul3A_171 : i32
      %div3A_173 = arith.constant 4 : i32
      %div3A_174 = arith.divsi %mul3A_170, %div3A_173 : i32
      %add3A_175 = arith.addi %mul3A_172, %div3A_174 : i32
      %dma_start3A_176 = arith.constant 0 : i32
      %dma_start3A_177 = tpu.memref_slice %arg4[%add3A_175, %dma_start3A_176] : memref<650000x128xf32, #tpu.memory_space<hbm>> -> memref<224x128xf32, #tpu.memory_space<hbm>>
      %dma_start3A_178 = arith.constant 0 : i32
      %dma_start3A_179 = tpu.memref_slice %arg4[%add3A_175, %dma_start3A_178] : memref<650000x128xf32, #tpu.memory_space<hbm>> -> memref<224x128xf32, #tpu.memory_space<hbm>>
      tpu.enqueue_dma source(%arg8 : memref<224x128xf32, #tpu.memory_space<vmem>>) target(%dma_start3A_179 : memref<224x128xf32, #tpu.memory_space<hbm>>) target_semaphore(%arg12 : memref<!tpu.dma_semaphore, #tpu.memory_space<semaphore_mem>>)
      %add3A_180 = arith.constant 1 : i32
      %add3A_181 = arith.addi %add3A_99, %add3A_180 : i32
      %lt3A_182 = arith.constant 46 : i32
      %lt3A_183 = arith.cmpi slt, %add3A_181, %lt3A_182 : i32
      %convert_element_type3A_184 = arith.extui %lt3A_183 : i1 to i32
      %cond3A_185 = arith.constant 0 : i32
      %cond3A_186 = arith.cmpi ne, %convert_element_type3A_184, %cond3A_185 : i32
      scf.if %cond3A_186 {
        %add3A_187 = arith.constant 1 : i32
        %add3A_188 = arith.addi %add3A_99, %add3A_187 : i32
        %mul3A_189 = arith.constant 2 : i32
        %mul3A_190 = arith.muli %mul3A_189, %add3A_188 : i32
        %add3A_191 = arith.constant 1 : i32
        %add3A_192 = arith.addi %mul3A_190, %add3A_191 : i32
        %mul3A_193 = arith.constant 32 : i32
        %mul3A_194 = arith.muli %add3A_192, %mul3A_193 : i32
        %add3A_195 = arith.addi %add3A, %mul3A_194 : i32
        %min3A_196 = arith.constant 2885 : i32
        %min3A_197 = arith.minsi %add3A_195, %min3A_196 : i32
        %div3A_198 = arith.constant 111 : i32
        %div3A_199 = arith.divsi %min3A_197, %div3A_198 : i32
        %rem3A_200 = arith.constant 111 : i32
        %rem3A_201 = arith.remsi %min3A_197, %rem3A_200 : i32
        %mul3A_202 = arith.constant 896 : i32
        %mul3A_203 = arith.muli %rem3A_201, %mul3A_202 : i32
        %scan3A_204 = arith.constant 0 : i32
        %scan3A_205 = arith.constant 4 : i32
        %scan3A_206 = arith.addi %scan3A_204, %scan3A_205 : i32
        %scan3A_207 = arith.constant 1 : i32
        scf.for %scan3A_209 = %scan3A_204 to %scan3A_206 step %scan3A_207  : i32 {
          %mul3A_210 = arith.constant 1 : i32
          %mul3A_211 = arith.muli %scan3A_209, %mul3A_210 : i32
          %add3A_212 = arith.constant 0 : i32
          %add3A_213 = arith.addi %add3A_212, %mul3A_211 : i32
          %mul3A_214 = arith.constant 8 : i32
          %mul3A_215 = arith.muli %add3A_213, %mul3A_214 : i32
          %dma_start3A_216 = arith.constant 0 : i32
          %dma_start3A_217 = arith.constant 0 : i32
          %dma_start3A_218 = tpu.memref_slice %arg6[%add3A_213, %dma_start3A_216, %dma_start3A_217] : memref<4x8x897xf32, #tpu.memory_space<vmem>> -> memref<1x8x896xf32, #tpu.memory_space<vmem>>
          %dma_start3A_219 = tpu.memref_squeeze %dma_start3A_218 : memref<1x8x896xf32, #tpu.memory_space<vmem>> -> memref<8x896xf32, #tpu.memory_space<vmem>>
          %dma_start3A_220 = tpu.memref_slice %arg2[%div3A_199, %mul3A_215, %mul3A_203] : memref<26x32x100000xf32, #tpu.memory_space<hbm>> -> memref<1x8x896xf32, #tpu.memory_space<hbm>>
          %dma_start3A_221 = tpu.memref_squeeze %dma_start3A_220 : memref<1x8x896xf32, #tpu.memory_space<hbm>> -> memref<8x896xf32, #tpu.memory_space<hbm>>
          %dma_start3A_222 = arith.constant 0 : i32
          %dma_start3A_223 = arith.constant 0 : i32
          %dma_start3A_224 = tpu.memref_slice %arg6[%add3A_213, %dma_start3A_222, %dma_start3A_223] : memref<4x8x897xf32, #tpu.memory_space<vmem>> -> memref<1x8x896xf32, #tpu.memory_space<vmem>>
          %dma_start3A_225 = tpu.memref_squeeze %dma_start3A_224 : memref<1x8x896xf32, #tpu.memory_space<vmem>> -> memref<8x896xf32, #tpu.memory_space<vmem>>
          %dma_start3A_226 = tpu.memref_slice %arg2[%div3A_199, %mul3A_215, %mul3A_203] : memref<26x32x100000xf32, #tpu.memory_space<hbm>> -> memref<1x8x896xf32, #tpu.memory_space<hbm>>
          %dma_start3A_227 = tpu.memref_squeeze %dma_start3A_226 : memref<1x8x896xf32, #tpu.memory_space<hbm>> -> memref<8x896xf32, #tpu.memory_space<hbm>>
          tpu.enqueue_dma source(%dma_start3A_227 : memref<8x896xf32, #tpu.memory_space<hbm>>) target(%dma_start3A_225 : memref<8x896xf32, #tpu.memory_space<vmem>>) target_semaphore(%arg10 : memref<!tpu.dma_semaphore, #tpu.memory_space<semaphore_mem>>)
        }
        %scan3A_208 = arith.constant 4 : i32
      } else {
      }
    }
    %scan3A_49 = arith.constant 46 : i32
    %dma_wait3A = arith.constant 0 : i32
    %dma_wait3A_50 = arith.constant 0 : i32
    %dma_wait3A_51 = tpu.memref_slice %arg4[%dma_wait3A, %dma_wait3A_50] : memref<650000x128xf32, #tpu.memory_space<hbm>> -> memref<224x128xf32, #tpu.memory_space<hbm>>
    %dma_wait3A_52 = arith.constant 0 : i32
    %dma_wait3A_53 = arith.constant 0 : i32
    %dma_wait3A_54 = tpu.memref_slice %arg4[%dma_wait3A_52, %dma_wait3A_53] : memref<650000x128xf32, #tpu.memory_space<hbm>> -> memref<224x128xf32, #tpu.memory_space<hbm>>
    tpu.wait_dma2 semaphore(%arg11 : memref<!tpu.dma_semaphore, #tpu.memory_space<semaphore_mem>>) src(%dma_wait3A_54 : memref<224x128xf32, #tpu.memory_space<hbm>>) dst(%arg7 : memref<224x128xf32, #tpu.memory_space<vmem>>)
    %dma_wait3A_55 = arith.constant 0 : i32
    %dma_wait3A_56 = arith.constant 0 : i32
    %dma_wait3A_57 = tpu.memref_slice %arg4[%dma_wait3A_55, %dma_wait3A_56] : memref<650000x128xf32, #tpu.memory_space<hbm>> -> memref<224x128xf32, #tpu.memory_space<hbm>>
    %dma_wait3A_58 = arith.constant 0 : i32
    %dma_wait3A_59 = arith.constant 0 : i32
    %dma_wait3A_60 = tpu.memref_slice %arg4[%dma_wait3A_58, %dma_wait3A_59] : memref<650000x128xf32, #tpu.memory_space<hbm>> -> memref<224x128xf32, #tpu.memory_space<hbm>>
    tpu.wait_dma2 semaphore(%arg12 : memref<!tpu.dma_semaphore, #tpu.memory_space<semaphore_mem>>) src(%dma_wait3A_60 : memref<224x128xf32, #tpu.memory_space<hbm>>) dst(%arg8 : memref<224x128xf32, #tpu.memory_space<vmem>>)
    %min3A_61 = arith.constant 25 : i32
    %min3A_62 = arith.minsi %add3A, %min3A_61 : i32
    %scan3A_63 = arith.constant 0 : i32
    %scan3A_64 = arith.constant 4 : i32
    %scan3A_65 = arith.addi %scan3A_63, %scan3A_64 : i32
    %scan3A_66 = arith.constant 1 : i32
    scf.for %scan3A_95 = %scan3A_63 to %scan3A_65 step %scan3A_66  : i32 {
      %mul3A_96 = arith.constant 1 : i32
      %mul3A_97 = arith.muli %scan3A_95, %mul3A_96 : i32
      %add3A_98 = arith.constant 0 : i32
      %add3A_99 = arith.addi %add3A_98, %mul3A_97 : i32
      %mul3A_100 = arith.constant 8 : i32
      %mul3A_101 = arith.muli %add3A_99, %mul3A_100 : i32
      %dma_start3A_102 = arith.constant 0 : i32
      %dma_start3A_103 = arith.constant 0 : i32
      %dma_start3A_104 = tpu.memref_slice %arg5[%add3A_99, %dma_start3A_102, %dma_start3A_103] : memref<4x8x897xf32, #tpu.memory_space<vmem>> -> memref<1x8x512xf32, #tpu.memory_space<vmem>>
      %dma_start3A_105 = tpu.memref_squeeze %dma_start3A_104 : memref<1x8x512xf32, #tpu.memory_space<vmem>> -> memref<8x512xf32, #tpu.memory_space<vmem>>
      %dma_start3A_106 = arith.constant 99456 : i32
      %dma_start3A_107 = tpu.memref_slice %arg2[%min3A_62, %mul3A_101, %dma_start3A_106] : memref<26x32x100000xf32, #tpu.memory_space<hbm>> -> memref<1x8x512xf32, #tpu.memory_space<hbm>>
      %dma_start3A_108 = tpu.memref_squeeze %dma_start3A_107 : memref<1x8x512xf32, #tpu.memory_space<hbm>> -> memref<8x512xf32, #tpu.memory_space<hbm>>
      %dma_start3A_109 = arith.constant 0 : i32
      %dma_start3A_110 = arith.constant 0 : i32
      %dma_start3A_111 = tpu.memref_slice %arg5[%add3A_99, %dma_start3A_109, %dma_start3A_110] : memref<4x8x897xf32, #tpu.memory_space<vmem>> -> memref<1x8x512xf32, #tpu.memory_space<vmem>>
      %dma_start3A_112 = tpu.memref_squeeze %dma_start3A_111 : memref<1x8x512xf32, #tpu.memory_space<vmem>> -> memref<8x512xf32, #tpu.memory_space<vmem>>
      %dma_start3A_113 = arith.constant 99456 : i32
      %dma_start3A_114 = tpu.memref_slice %arg2[%min3A_62, %mul3A_101, %dma_start3A_113] : memref<26x32x100000xf32, #tpu.memory_space<hbm>> -> memref<1x8x512xf32, #tpu.memory_space<hbm>>
      %dma_start3A_115 = tpu.memref_squeeze %dma_start3A_114 : memref<1x8x512xf32, #tpu.memory_space<hbm>> -> memref<8x512xf32, #tpu.memory_space<hbm>>
      tpu.enqueue_dma source(%dma_start3A_115 : memref<8x512xf32, #tpu.memory_space<hbm>>) target(%dma_start3A_112 : memref<8x512xf32, #tpu.memory_space<vmem>>) target_semaphore(%arg9 : memref<!tpu.dma_semaphore, #tpu.memory_space<semaphore_mem>>)
    }
    %scan3A_67 = arith.constant 4 : i32
    %scan3A_68 = arith.constant 0 : i32
    %scan3A_69 = arith.constant 4 : i32
    %scan3A_70 = arith.addi %scan3A_68, %scan3A_69 : i32
    %scan3A_71 = arith.constant 1 : i32
    scf.for %scan3A_95 = %scan3A_68 to %scan3A_70 step %scan3A_71  : i32 {
      %mul3A_96 = arith.constant 1 : i32
      %mul3A_97 = arith.muli %scan3A_95, %mul3A_96 : i32
      %add3A_98 = arith.constant 0 : i32
      %add3A_99 = arith.addi %add3A_98, %mul3A_97 : i32
      %dma_wait3A_100 = arith.constant 0 : i32
      %dma_wait3A_101 = arith.constant 0 : i32
      %dma_wait3A_102 = arith.constant 0 : i32
      %dma_wait3A_103 = arith.constant 0 : i32
      %dma_wait3A_104 = tpu.memref_slice %arg5[%dma_wait3A_101, %dma_wait3A_102, %dma_wait3A_103] : memref<4x8x897xf32, #tpu.memory_space<vmem>> -> memref<1x8x512xf32, #tpu.memory_space<vmem>>
      %dma_wait3A_105 = tpu.memref_squeeze %dma_wait3A_104 : memref<1x8x512xf32, #tpu.memory_space<vmem>> -> memref<8x512xf32, #tpu.memory_space<vmem>>
      %dma_wait3A_106 = arith.constant 0 : i32
      %dma_wait3A_107 = arith.constant 99456 : i32
      %dma_wait3A_108 = tpu.memref_slice %arg2[%dma_wait3A_100, %dma_wait3A_106, %dma_wait3A_107] : memref<26x32x100000xf32, #tpu.memory_space<hbm>> -> memref<1x8x512xf32, #tpu.memory_space<hbm>>
      %dma_wait3A_109 = tpu.memref_squeeze %dma_wait3A_108 : memref<1x8x512xf32, #tpu.memory_space<hbm>> -> memref<8x512xf32, #tpu.memory_space<hbm>>
      %dma_wait3A_110 = arith.constant 0 : i32
      %dma_wait3A_111 = arith.constant 0 : i32
      %dma_wait3A_112 = tpu.memref_slice %arg5[%dma_wait3A_101, %dma_wait3A_110, %dma_wait3A_111] : memref<4x8x897xf32, #tpu.memory_space<vmem>> -> memref<1x8x512xf32, #tpu.memory_space<vmem>>
      %dma_wait3A_113 = tpu.memref_squeeze %dma_wait3A_112 : memref<1x8x512xf32, #tpu.memory_space<vmem>> -> memref<8x512xf32, #tpu.memory_space<vmem>>
      %dma_wait3A_114 = arith.constant 0 : i32
      %dma_wait3A_115 = arith.constant 99456 : i32
      %dma_wait3A_116 = tpu.memref_slice %arg2[%dma_wait3A_100, %dma_wait3A_114, %dma_wait3A_115] : memref<26x32x100000xf32, #tpu.memory_space<hbm>> -> memref<1x8x512xf32, #tpu.memory_space<hbm>>
      %dma_wait3A_117 = tpu.memref_squeeze %dma_wait3A_116 : memref<1x8x512xf32, #tpu.memory_space<hbm>> -> memref<8x512xf32, #tpu.memory_space<hbm>>
      tpu.wait_dma2 semaphore(%arg9 : memref<!tpu.dma_semaphore, #tpu.memory_space<semaphore_mem>>) src(%dma_wait3A_117 : memref<8x512xf32, #tpu.memory_space<hbm>>) dst(%dma_wait3A_113 : memref<8x512xf32, #tpu.memory_space<vmem>>)
    }
    %scan3A_72 = arith.constant 4 : i32
    %parallel_loop3A = arith.constant 0 : i32
    %parallel_loop3A_73 = arith.constant 512 : i32
    %parallel_loop3A_74 = arith.constant 1 : i32
    scf.for %parallel_loop3A_95 = %parallel_loop3A to %parallel_loop3A_73 step %parallel_loop3A_74  : i32 {
      %parallel_loop3A_96 = arith.constant 0 : i32
      %parallel_loop3A_97 = vector.broadcast %parallel_loop3A_96 : i32 to vector<16xi32>
      %parallel_loop3A_98 = vector.broadcast %parallel_loop3A_95 : i32 to vector<16xi32>
      %parallel_loop3A_99 = arith.addi %parallel_loop3A_97, %parallel_loop3A_98 : vector<16xi32>
      %parallel_loop3A_100 = arith.constant 2 : i32
      %parallel_loop3A_101 = arith.shrsi %parallel_loop3A_95, %parallel_loop3A_100 : i32
      %parallel_loop3A_102 = arith.constant 3 : i32
      %parallel_loop3A_103 = arith.andi %parallel_loop3A_95, %parallel_loop3A_102 : i32
      %parallel_loop3A_104 = arith.constant 32 : i32
      %parallel_loop3A_105 = arith.muli %parallel_loop3A_103, %parallel_loop3A_104 : i32
      %parallel_loop3A_106 = tpu.vector_load_idx %arg5[%shift_right_arithmetic3A_2, %and3A_7, %parallel_loop3A_99] : memref<4x8x897xf32, #tpu.memory_space<vmem>>[vector<16xi32>, vector<16xi32>, vector<16xi32>], vector<16xf32>,
      %parallel_loop3A_107 = arith.index_cast %parallel_loop3A_101 : i32 to index
      %parallel_loop3A_108 = arith.index_cast %parallel_loop3A_105 : i32 to index
      %parallel_loop3A_109 = tpu.vector_load %arg7[%parallel_loop3A_107, %parallel_loop3A_108] {strides = array<i32>} : memref<224x128xf32, #tpu.memory_space<vmem>>, vector<16xf32>,
      tpu.vector_store %arg7[%parallel_loop3A_107, %parallel_loop3A_108], %parallel_loop3A_106 {strides = array<i32>} : memref<224x128xf32, #tpu.memory_space<vmem>>, vector<16xf32>,
      %parallel_loop3A_110 = tpu.vector_load_idx %arg5[%add3A_5, %and3A_7, %parallel_loop3A_99] : memref<4x8x897xf32, #tpu.memory_space<vmem>>[vector<16xi32>, vector<16xi32>, vector<16xi32>], vector<16xf32>,
      %parallel_loop3A_111 = arith.constant 16 : i32
      %parallel_loop3A_112 = arith.addi %parallel_loop3A_105, %parallel_loop3A_111 : i32
      %parallel_loop3A_113 = arith.index_cast %parallel_loop3A_101 : i32 to index
      %parallel_loop3A_114 = arith.index_cast %parallel_loop3A_112 : i32 to index
      %parallel_loop3A_115 = tpu.vector_load %arg7[%parallel_loop3A_113, %parallel_loop3A_114] {strides = array<i32>} : memref<224x128xf32, #tpu.memory_space<vmem>>, vector<16xf32>,
      tpu.vector_store %arg7[%parallel_loop3A_113, %parallel_loop3A_114], %parallel_loop3A_110 {strides = array<i32>} : memref<224x128xf32, #tpu.memory_space<vmem>>, vector<16xf32>,
    } {sc.loop_unroll_factor = 16 : i64, sc.parallel_access}
    %mul3A_75 = arith.constant 25000 : i32
    %mul3A_76 = arith.muli %min3A_62, %mul3A_75 : i32
    %add3A_77 = arith.constant 24864 : i32
    %add3A_78 = arith.addi %mul3A_76, %add3A_77 : i32
    "tpu.region"() ({
      %run_scoped3A = tpu.sem_alloc : memref<!tpu.dma_semaphore, #tpu.memory_space<semaphore_mem>>
      %dma_start3A_95 = arith.constant 0 : i32
      %dma_start3A_96 = arith.constant 0 : i32
      %dma_start3A_97 = tpu.memref_slice %arg7[%dma_start3A_95, %dma_start3A_96] : memref<224x128xf32, #tpu.memory_space<vmem>> -> memref<128x128xf32, #tpu.memory_space<vmem>>
      %dma_start3A_98 = arith.constant 0 : i32
      %dma_start3A_99 = tpu.memref_slice %arg4[%add3A_78, %dma_start3A_98] : memref<650000x128xf32, #tpu.memory_space<hbm>> -> memref<128x128xf32, #tpu.memory_space<hbm>>
      %dma_start3A_100 = arith.constant 0 : i32
      %dma_start3A_101 = tpu.memref_slice %arg4[%add3A_78, %dma_start3A_100] : memref<650000x128xf32, #tpu.memory_space<hbm>> -> memref<128x128xf32, #tpu.memory_space<hbm>>
      %dma_start3A_102 = arith.constant 0 : i32
      %dma_start3A_103 = arith.constant 0 : i32
      %dma_start3A_104 = tpu.memref_slice %arg7[%dma_start3A_102, %dma_start3A_103] : memref<224x128xf32, #tpu.memory_space<vmem>> -> memref<128x128xf32, #tpu.memory_space<vmem>>
      tpu.enqueue_dma source(%dma_start3A_104 : memref<128x128xf32, #tpu.memory_space<vmem>>) target(%dma_start3A_101 : memref<128x128xf32, #tpu.memory_space<hbm>>) target_semaphore(%run_scoped3A : memref<!tpu.dma_semaphore, #tpu.memory_space<semaphore_mem>>)
      %dma_wait3A_105 = arith.constant 0 : i32
      %dma_wait3A_106 = arith.constant 0 : i32
      %dma_wait3A_107 = tpu.memref_slice %arg7[%dma_wait3A_105, %dma_wait3A_106] : memref<224x128xf32, #tpu.memory_space<vmem>> -> memref<128x128xf32, #tpu.memory_space<vmem>>
      %dma_wait3A_108 = arith.constant 0 : i32
      %dma_wait3A_109 = tpu.memref_slice %arg4[%add3A_78, %dma_wait3A_108] : memref<650000x128xf32, #tpu.memory_space<hbm>> -> memref<128x128xf32, #tpu.memory_space<hbm>>
      %dma_wait3A_110 = arith.constant 0 : i32
      %dma_wait3A_111 = tpu.memref_slice %arg4[%add3A_78, %dma_wait3A_110] : memref<650000x128xf32, #tpu.memory_space<hbm>> -> memref<128x128xf32, #tpu.memory_space<hbm>>
      %dma_wait3A_112 = arith.constant 0 : i32
      %dma_wait3A_113 = arith.constant 0 : i32
      %dma_wait3A_114 = tpu.memref_slice %arg7[%dma_wait3A_112, %dma_wait3A_113] : memref<224x128xf32, #tpu.memory_space<vmem>> -> memref<128x128xf32, #tpu.memory_space<vmem>>
      tpu.wait_dma2 semaphore(%run_scoped3A : memref<!tpu.dma_semaphore, #tpu.memory_space<semaphore_mem>>) src(%dma_wait3A_114 : memref<128x128xf32, #tpu.memory_space<vmem>>) dst(%dma_wait3A_111 : memref<128x128xf32, #tpu.memory_space<hbm>>)
      tpu.yield
    }) : () -> ()
    %sub3A = arith.constant 26 : i32
    %sub3A_79 = arith.subi %sub3A, %add3A : i32
    %sub3A_80 = arith.constant 32 : i32
    %sub3A_81 = arith.constant 1 : i32
    %sub3A_82 = arith.subi %sub3A_80, %sub3A_81 : i32
    %add3A_83 = arith.addi %sub3A_79, %sub3A_82 : i32
    %div3A_84 = arith.constant 32 : i32
    %div3A_85 = arith.divsi %add3A_83, %div3A_84 : i32
    %while3A = arith.constant 32 : i32
    %while3A_86 = arith.constant 0 : i32
    %while3A_87 = arith.subi %div3A_85, %while3A_86 : i32
    %while3A_88 = arith.addi %while3A_86, %while3A_87 : i32
    %while3A_89 = arith.constant 1 : i32
    %while3A_90 = arith.divsi %while3A_87, %while3A_89 : i32
    %while3A_91 = arith.muli %while3A_90, %while3A_89 : i32
    %while3A_92 = arith.addi %while3A_86, %while3A_91 : i32
    %while3A_93 = arith.constant 1 : i32
    scf.for %while3A_95 = %while3A_86 to %while3A_92 step %while3A_93  : i32 {
      %mul3A_96 = arith.muli %while3A_95, %while3A : i32
      %add3A_97 = arith.addi %add3A, %mul3A_96 : i32
      %mul3A_98 = arith.constant 25000 : i32
      %mul3A_99 = arith.muli %add3A_97, %mul3A_98 : i32
      %add3A_100 = arith.constant 24992 : i32
      %add3A_101 = arith.addi %mul3A_99, %add3A_100 : i32
      "tpu.region"() ({
        %run_scoped3A = tpu.sem_alloc : memref<!tpu.dma_semaphore, #tpu.memory_space<semaphore_mem>>
        %dma_start3A_102 = arith.constant 0 : i32
        %dma_start3A_103 = tpu.memref_slice %arg4[%add3A_101, %dma_start3A_102] : memref<650000x128xf32, #tpu.memory_space<hbm>> -> memref<8x128xf32, #tpu.memory_space<hbm>>
        %dma_start3A_104 = arith.constant 0 : i32
        %dma_start3A_105 = arith.constant 0 : i32
        %dma_start3A_106 = tpu.memref_slice %arg3[%add3A_97, %dma_start3A_104, %dma_start3A_105] : memref<26x8x128xf32, #tpu.memory_space<hbm>> -> memref<1x8x128xf32, #tpu.memory_space<hbm>>
        %dma_start3A_107 = tpu.memref_squeeze %dma_start3A_106 : memref<1x8x128xf32, #tpu.memory_space<hbm>> -> memref<8x128xf32, #tpu.memory_space<hbm>>
        tpu.enqueue_dma source(%dma_start3A_107 : memref<8x128xf32, #tpu.memory_space<hbm>>) target(%dma_start3A_103 : memref<8x128xf32, #tpu.memory_space<hbm>>) target_semaphore(%run_scoped3A : memref<!tpu.dma_semaphore, #tpu.memory_space<semaphore_mem>>)
        %dma_wait3A_108 = arith.constant 0 : i32
        %dma_wait3A_109 = tpu.memref_slice %arg4[%add3A_101, %dma_wait3A_108] : memref<650000x128xf32, #tpu.memory_space<hbm>> -> memref<8x128xf32, #tpu.memory_space<hbm>>
        %dma_wait3A_110 = arith.constant 0 : i32
        %dma_wait3A_111 = arith.constant 0 : i32
        %dma_wait3A_112 = tpu.memref_slice %arg3[%add3A_97, %dma_wait3A_110, %dma_wait3A_111] : memref<26x8x128xf32, #tpu.memory_space<hbm>> -> memref<1x8x128xf32, #tpu.memory_space<hbm>>
        %dma_wait3A_113 = tpu.memref_squeeze %dma_wait3A_112 : memref<1x8x128xf32, #tpu.memory_space<hbm>> -> memref<8x128xf32, #tpu.memory_space<hbm>>
        tpu.wait_dma2 semaphore(%run_scoped3A : memref<!tpu.dma_semaphore, #tpu.memory_space<semaphore_mem>>) src(%dma_wait3A_113 : memref<8x128xf32, #tpu.memory_space<hbm>>) dst(%dma_wait3A_109 : memref<8x128xf32, #tpu.memory_space<hbm>>)
        tpu.yield
      }) : () -> ()
    }
    %while3A_94 = arith.constant 1 : i32
    scf.for %while3A_95 = %while3A_92 to %while3A_88 step %while3A_94  : i32 {
      %mul3A_96 = arith.muli %while3A_95, %while3A : i32
      %add3A_97 = arith.addi %add3A, %mul3A_96 : i32
      %mul3A_98 = arith.constant 25000 : i32
      %mul3A_99 = arith.muli %add3A_97, %mul3A_98 : i32
      %add3A_100 = arith.constant 24992 : i32
      %add3A_101 = arith.addi %mul3A_99, %add3A_100 : i32
      "tpu.region"() ({
        %run_scoped3A = tpu.sem_alloc : memref<!tpu.dma_semaphore, #tpu.memory_space<semaphore_mem>>
        %dma_start3A_102 = arith.constant 0 : i32
        %dma_start3A_103 = tpu.memref_slice %arg4[%add3A_101, %dma_start3A_102] : memref<650000x128xf32, #tpu.memory_space<hbm>> -> memref<8x128xf32, #tpu.memory_space<hbm>>
        %dma_start3A_104 = arith.constant 0 : i32
        %dma_start3A_105 = arith.constant 0 : i32
        %dma_start3A_106 = tpu.memref_slice %arg3[%add3A_97, %dma_start3A_104, %dma_start3A_105] : memref<26x8x128xf32, #tpu.memory_space<hbm>> -> memref<1x8x128xf32, #tpu.memory_space<hbm>>
        %dma_start3A_107 = tpu.memref_squeeze %dma_start3A_106 : memref<1x8x128xf32, #tpu.memory_space<hbm>> -> memref<8x128xf32, #tpu.memory_space<hbm>>
        tpu.enqueue_dma source(%dma_start3A_107 : memref<8x128xf32, #tpu.memory_space<hbm>>) target(%dma_start3A_103 : memref<8x128xf32, #tpu.memory_space<hbm>>) target_semaphore(%run_scoped3A : memref<!tpu.dma_semaphore, #tpu.memory_space<semaphore_mem>>)
        %dma_wait3A_108 = arith.constant 0 : i32
        %dma_wait3A_109 = tpu.memref_slice %arg4[%add3A_101, %dma_wait3A_108] : memref<650000x128xf32, #tpu.memory_space<hbm>> -> memref<8x128xf32, #tpu.memory_space<hbm>>
        %dma_wait3A_110 = arith.constant 0 : i32
        %dma_wait3A_111 = arith.constant 0 : i32
        %dma_wait3A_112 = tpu.memref_slice %arg3[%add3A_97, %dma_wait3A_110, %dma_wait3A_111] : memref<26x8x128xf32, #tpu.memory_space<hbm>> -> memref<1x8x128xf32, #tpu.memory_space<hbm>>
        %dma_wait3A_113 = tpu.memref_squeeze %dma_wait3A_112 : memref<1x8x128xf32, #tpu.memory_space<hbm>> -> memref<8x128xf32, #tpu.memory_space<hbm>>
        tpu.wait_dma2 semaphore(%run_scoped3A : memref<!tpu.dma_semaphore, #tpu.memory_space<semaphore_mem>>) src(%dma_wait3A_113 : memref<8x128xf32, #tpu.memory_space<hbm>>) dst(%dma_wait3A_109 : memref<8x128xf32, #tpu.memory_space<hbm>>)
        tpu.yield
      }) : () -> ()
    }
    return
  }
}

#map = affine_map<(d0, d1) -> (0, 0)>
#map1 = affine_map<(d0, d1) -> (0)>
module attributes {stable_mosaic.version = 14 : i64} {
  func.func @_gather_body(%arg0: i32, %arg1: i32, %arg2: memref<2600000x32xf32, #tpu.memory_space<hbm>>, %arg3: memref<425984xi32, #tpu.memory_space<hbm>>, %arg4: memref<16384x32xf32, #tpu.memory_space<hbm>>, %arg5: memref<13312xi32, #tpu.memory_space<vmem>>, %arg6: memref<104x128xi32, #tpu.memory_space<vmem>>, %arg7: memref<512x32xf32, #tpu.memory_space<vmem>>, %arg8: memref<!tpu.dma_semaphore, #tpu.memory_space<semaphore_mem>>) attributes {dimension_semantics = [#tpu.dimension_semantics<core_parallel>, #tpu.dimension_semantics<subcore_parallel>], iteration_bounds = array<i64: 2, 16>, scalar_prefetch = 0 : i64, scratch_operands = 4 : i64, tpu.core_type = #tpu.core_type<sc_vector_subcore>, window_params = [{transform_indices = #map}, {transform_indices = #map1}, {transform_indices = #map}]} {
    %mul3A = arith.constant 2 : i32
    %mul3A_0 = arith.muli %arg1, %mul3A : i32
    %add3A = arith.addi %mul3A_0, %arg0 : i32
    %mul3A_1 = arith.constant 13312 : i32
    %mul3A_2 = arith.muli %add3A, %mul3A_1 : i32
    "tpu.region"() ({
      %run_scoped3A = tpu.sem_alloc : memref<!tpu.dma_semaphore, #tpu.memory_space<semaphore_mem>>
      %dma_start3A = tpu.memref_slice %arg3[%mul3A_2] : memref<425984xi32, #tpu.memory_space<hbm>> -> memref<13312xi32, #tpu.memory_space<hbm>>
      %dma_start3A_37 = tpu.memref_slice %arg3[%mul3A_2] : memref<425984xi32, #tpu.memory_space<hbm>> -> memref<13312xi32, #tpu.memory_space<hbm>>
      tpu.enqueue_dma source(%dma_start3A_37 : memref<13312xi32, #tpu.memory_space<hbm>>) target(%arg5 : memref<13312xi32, #tpu.memory_space<vmem>>) target_semaphore(%run_scoped3A : memref<!tpu.dma_semaphore, #tpu.memory_space<semaphore_mem>>)
      %dma_wait3A = tpu.memref_slice %arg3[%mul3A_2] : memref<425984xi32, #tpu.memory_space<hbm>> -> memref<13312xi32, #tpu.memory_space<hbm>>
      %dma_wait3A_38 = tpu.memref_slice %arg3[%mul3A_2] : memref<425984xi32, #tpu.memory_space<hbm>> -> memref<13312xi32, #tpu.memory_space<hbm>>
      tpu.wait_dma2 semaphore(%run_scoped3A : memref<!tpu.dma_semaphore, #tpu.memory_space<semaphore_mem>>) src(%dma_wait3A_38 : memref<13312xi32, #tpu.memory_space<hbm>>) dst(%arg5 : memref<13312xi32, #tpu.memory_space<vmem>>)
      tpu.yield
    }) : () -> ()
    %iota3A = tpu.iota {dimensions = array<i32: 0>} : vector<16xi32>
    %mul3A_3 = arith.constant 26 : i32
    %mul3A_4 = vector.broadcast %mul3A_3 : i32 to vector<16xi32>
    %mul3A_5 = arith.muli %iota3A, %mul3A_4 : vector<16xi32>
    %scan3A = arith.constant 0 : i32
    %scan3A_6 = arith.constant 4 : i32
    %scan3A_7 = arith.addi %scan3A, %scan3A_6 : i32
    %scan3A_8 = arith.constant 1 : i32
    scf.for %scan3A_37 = %scan3A to %scan3A_7 step %scan3A_8  : i32 {
      %mul3A_38 = arith.constant 1 : i32
      %mul3A_39 = arith.muli %scan3A_37, %mul3A_38 : i32
      %add3A_40 = arith.constant 0 : i32
      %add3A_41 = arith.addi %add3A_40, %mul3A_39 : i32
      %div3A = arith.constant 4 : i32
      %div3A_42 = arith.divsi %add3A_41, %div3A : i32
      %rem3A = arith.constant 4 : i32
      %rem3A_43 = arith.remsi %add3A_41, %rem3A : i32
      %mul3A_44 = arith.constant 128 : i32
      %mul3A_45 = arith.muli %rem3A_43, %mul3A_44 : i32
      %mul3A_46 = arith.constant 26 : i32
      %mul3A_47 = arith.muli %mul3A_45, %mul3A_46 : i32
      %add3A_48 = arith.addi %mul3A_47, %div3A_42 : i32
      %mul3A_49 = arith.constant 100000 : i32
      %mul3A_50 = arith.muli %div3A_42, %mul3A_49 : i32
      %scan3A_51 = arith.constant 0 : i32
      %scan3A_52 = arith.constant 8 : i32
      %scan3A_53 = arith.addi %scan3A_51, %scan3A_52 : i32
      %scan3A_54 = arith.constant 1 : i32
      scf.for %scan3A_56 = %scan3A_51 to %scan3A_53 step %scan3A_54  : i32 {
        %mul3A_57 = arith.constant 1 : i32
        %mul3A_58 = arith.muli %scan3A_56, %mul3A_57 : i32
        %add3A_59 = arith.constant 0 : i32
        %add3A_60 = arith.addi %add3A_59, %mul3A_58 : i32
        %mul3A_61 = arith.constant 16 : i32
        %mul3A_62 = arith.muli %add3A_60, %mul3A_61 : i32
        %mul3A_63 = arith.constant 26 : i32
        %mul3A_64 = arith.muli %mul3A_62, %mul3A_63 : i32
        %add3A_65 = arith.addi %add3A_48, %mul3A_64 : i32
        %add3A_66 = vector.broadcast %add3A_65 : i32 to vector<16xi32>
        %add3A_67 = arith.addi %mul3A_5, %add3A_66 : vector<16xi32>
        %gather3A = tpu.vector_load_idx %arg5[%add3A_67] : memref<13312xi32, #tpu.memory_space<vmem>>[vector<16xi32>], vector<16xi32>,
        %add3A_68 = vector.broadcast %mul3A_50 : i32 to vector<16xi32>
        %add3A_69 = arith.addi %gather3A, %add3A_68 : vector<16xi32>
        %mul3A_70 = arith.constant 16 : i32
        %mul3A_71 = arith.muli %add3A_60, %mul3A_70 : i32
        %swap3A = arith.index_cast %add3A_41 : i32 to index
        %swap3A_72 = arith.index_cast %mul3A_71 : i32 to index
        %swap3A_73 = tpu.vector_load %arg6[%swap3A, %swap3A_72] {strides = array<i32>} : memref<104x128xi32, #tpu.memory_space<vmem>>, vector<16xi32>,
        tpu.vector_store %arg6[%swap3A, %swap3A_72], %add3A_69 {strides = array<i32>} : memref<104x128xi32, #tpu.memory_space<vmem>>, vector<16xi32>,
      }
      %scan3A_55 = arith.constant 8 : i32
    }
    %scan3A_9 = arith.constant 4 : i32
    %scan3A_10 = arith.constant 0 : i32
    %scan3A_11 = arith.constant 4 : i32
    %scan3A_12 = arith.addi %scan3A_10, %scan3A_11 : i32
    %scan3A_13 = arith.constant 1 : i32
    scf.for %scan3A_37 = %scan3A_10 to %scan3A_12 step %scan3A_13  : i32 {
      %mul3A_38 = arith.constant 1 : i32
      %mul3A_39 = arith.muli %scan3A_37, %mul3A_38 : i32
      %add3A_40 = arith.constant 0 : i32
      %add3A_41 = arith.addi %add3A_40, %mul3A_39 : i32
      %mul3A_42 = arith.constant 128 : i32
      %mul3A_43 = arith.muli %add3A_41, %mul3A_42 : i32
      %dma_start3A = arith.constant 0 : i32
      %dma_start3A_44 = tpu.memref_slice %arg7[%mul3A_43, %dma_start3A] : memref<512x32xf32, #tpu.memory_space<vmem>> -> memref<128x32xf32, #tpu.memory_space<vmem>>
      %dma_start3A_45 = arith.constant 0 : i32
      %dma_start3A_46 = tpu.memref_slice %arg6[%add3A_41, %dma_start3A_45] : memref<104x128xi32, #tpu.memory_space<vmem>> -> memref<1x128xi32, #tpu.memory_space<vmem>>
      %dma_start3A_47 = tpu.memref_squeeze %dma_start3A_46 : memref<1x128xi32, #tpu.memory_space<vmem>> -> memref<128xi32, #tpu.memory_space<vmem>>
      %dma_start3A_48 = arith.constant 0 : i32
      %dma_start3A_49 = arith.constant 0 : i32
      %dma_start3A_50 = tpu.memref_slice %arg2[%dma_start3A_48, %dma_start3A_49] : memref<2600000x32xf32, #tpu.memory_space<hbm>> -> memref<2600000x32xf32, #tpu.memory_space<hbm>>
      tpu.enqueue_indirect_dma source(%dma_start3A_50 : memref<2600000x32xf32, #tpu.memory_space<hbm>>) target(%dma_start3A_44 : memref<128x32xf32, #tpu.memory_space<vmem>>) offsets(%dma_start3A_47 : memref<128xi32, #tpu.memory_space<vmem>>) semaphore(%arg8 : memref<!tpu.dma_semaphore, #tpu.memory_space<semaphore_mem>>)
    }
    %scan3A_14 = arith.constant 4 : i32
    %scan3A_15 = arith.constant 0 : i32
    %scan3A_16 = arith.constant 100 : i32
    %scan3A_17 = arith.addi %scan3A_15, %scan3A_16 : i32
    %scan3A_18 = arith.constant 1 : i32
    scf.for %scan3A_37 = %scan3A_15 to %scan3A_17 step %scan3A_18  : i32 {
      %mul3A_38 = arith.constant 1 : i32
      %mul3A_39 = arith.muli %scan3A_37, %mul3A_38 : i32
      %add3A_40 = arith.constant 4 : i32
      %add3A_41 = arith.addi %add3A_40, %mul3A_39 : i32
      %div3A = arith.constant 4 : i32
      %div3A_42 = arith.divsi %add3A_41, %div3A : i32
      %rem3A = arith.constant 4 : i32
      %rem3A_43 = arith.remsi %add3A_41, %rem3A : i32
      %mul3A_44 = arith.constant 128 : i32
      %mul3A_45 = arith.muli %rem3A_43, %mul3A_44 : i32
      %mul3A_46 = arith.constant 26 : i32
      %mul3A_47 = arith.muli %mul3A_45, %mul3A_46 : i32
      %add3A_48 = arith.addi %mul3A_47, %div3A_42 : i32
      %mul3A_49 = arith.constant 100000 : i32
      %mul3A_50 = arith.muli %div3A_42, %mul3A_49 : i32
      %scan3A_51 = arith.constant 0 : i32
      %scan3A_52 = arith.constant 8 : i32
      %scan3A_53 = arith.addi %scan3A_51, %scan3A_52 : i32
      %scan3A_54 = arith.constant 1 : i32
      scf.for %scan3A_56 = %scan3A_51 to %scan3A_53 step %scan3A_54  : i32 {
        %mul3A_57 = arith.constant 1 : i32
        %mul3A_58 = arith.muli %scan3A_56, %mul3A_57 : i32
        %add3A_59 = arith.constant 0 : i32
        %add3A_60 = arith.addi %add3A_59, %mul3A_58 : i32
        %mul3A_61 = arith.constant 16 : i32
        %mul3A_62 = arith.muli %add3A_60, %mul3A_61 : i32
        %mul3A_63 = arith.constant 26 : i32
        %mul3A_64 = arith.muli %mul3A_62, %mul3A_63 : i32
        %add3A_65 = arith.addi %add3A_48, %mul3A_64 : i32
        %add3A_66 = vector.broadcast %add3A_65 : i32 to vector<16xi32>
        %add3A_67 = arith.addi %mul3A_5, %add3A_66 : vector<16xi32>
        %gather3A = tpu.vector_load_idx %arg5[%add3A_67] : memref<13312xi32, #tpu.memory_space<vmem>>[vector<16xi32>], vector<16xi32>,
        %add3A_68 = vector.broadcast %mul3A_50 : i32 to vector<16xi32>
        %add3A_69 = arith.addi %gather3A, %add3A_68 : vector<16xi32>
        %mul3A_70 = arith.constant 16 : i32
        %mul3A_71 = arith.muli %add3A_60, %mul3A_70 : i32
        %swap3A = arith.index_cast %add3A_41 : i32 to index
        %swap3A_72 = arith.index_cast %mul3A_71 : i32 to index
        %swap3A_73 = tpu.vector_load %arg6[%swap3A, %swap3A_72] {strides = array<i32>} : memref<104x128xi32, #tpu.memory_space<vmem>>, vector<16xi32>,
        tpu.vector_store %arg6[%swap3A, %swap3A_72], %add3A_69 {strides = array<i32>} : memref<104x128xi32, #tpu.memory_space<vmem>>, vector<16xi32>,
      }
      %scan3A_55 = arith.constant 8 : i32
    }
    %scan3A_19 = arith.constant 100 : i32
    %scan3A_20 = arith.constant 0 : i32
    %scan3A_21 = arith.constant 4 : i32
    %scan3A_22 = arith.addi %scan3A_20, %scan3A_21 : i32
    %scan3A_23 = arith.constant 1 : i32
    scf.for %scan3A_37 = %scan3A_20 to %scan3A_22 step %scan3A_23  : i32 {
      %mul3A_38 = arith.constant 1 : i32
      %mul3A_39 = arith.muli %scan3A_37, %mul3A_38 : i32
      %add3A_40 = arith.constant 0 : i32
      %add3A_41 = arith.addi %add3A_40, %mul3A_39 : i32
      %dma_wait3A = arith.constant 0 : i32
      %dma_wait3A_42 = arith.constant 0 : i32
      %dma_wait3A_43 = arith.constant 0 : i32
      %dma_wait3A_44 = tpu.memref_slice %arg7[%dma_wait3A_42, %dma_wait3A_43] : memref<512x32xf32, #tpu.memory_space<vmem>> -> memref<128x32xf32, #tpu.memory_space<vmem>>
      %dma_wait3A_45 = arith.constant 0 : i32
      %dma_wait3A_46 = tpu.memref_slice %arg6[%dma_wait3A, %dma_wait3A_45] : memref<104x128xi32, #tpu.memory_space<vmem>> -> memref<1x128xi32, #tpu.memory_space<vmem>>
      %dma_wait3A_47 = tpu.memref_squeeze %dma_wait3A_46 : memref<1x128xi32, #tpu.memory_space<vmem>> -> memref<128xi32, #tpu.memory_space<vmem>>
      %dma_wait3A_48 = arith.constant 0 : i32
      %dma_wait3A_49 = arith.constant 0 : i32
      %dma_wait3A_50 = tpu.memref_slice %arg2[%dma_wait3A_48, %dma_wait3A_49] : memref<2600000x32xf32, #tpu.memory_space<hbm>> -> memref<2600000x32xf32, #tpu.memory_space<hbm>>
      tpu.wait_indirect_dma semaphore(%arg8 : memref<!tpu.dma_semaphore, #tpu.memory_space<semaphore_mem>>) src(%dma_wait3A_50 : memref<2600000x32xf32, #tpu.memory_space<hbm>>) dst(%dma_wait3A_44 : memref<128x32xf32, #tpu.memory_space<vmem>>)
    }
    %scan3A_24 = arith.constant 4 : i32
    %scan3A_25 = arith.constant 0 : i32
    %scan3A_26 = arith.constant 100 : i32
    %scan3A_27 = arith.addi %scan3A_25, %scan3A_26 : i32
    %scan3A_28 = arith.constant 1 : i32
    scf.for %scan3A_37 = %scan3A_25 to %scan3A_27 step %scan3A_28  : i32 {
      %mul3A_38 = arith.constant 1 : i32
      %mul3A_39 = arith.muli %scan3A_37, %mul3A_38 : i32
      %add3A_40 = arith.constant 4 : i32
      %add3A_41 = arith.addi %add3A_40, %mul3A_39 : i32
      %rem3A = arith.constant 4 : i32
      %rem3A_42 = arith.remsi %add3A_41, %rem3A : i32
      %mul3A_43 = arith.constant 128 : i32
      %mul3A_44 = arith.muli %rem3A_42, %mul3A_43 : i32
      %dma_start3A = arith.constant 0 : i32
      %dma_start3A_45 = tpu.memref_slice %arg7[%mul3A_44, %dma_start3A] : memref<512x32xf32, #tpu.memory_space<vmem>> -> memref<128x32xf32, #tpu.memory_space<vmem>>
      %dma_start3A_46 = arith.constant 0 : i32
      %dma_start3A_47 = tpu.memref_slice %arg6[%add3A_41, %dma_start3A_46] : memref<104x128xi32, #tpu.memory_space<vmem>> -> memref<1x128xi32, #tpu.memory_space<vmem>>
      %dma_start3A_48 = tpu.memref_squeeze %dma_start3A_47 : memref<1x128xi32, #tpu.memory_space<vmem>> -> memref<128xi32, #tpu.memory_space<vmem>>
      %dma_start3A_49 = arith.constant 0 : i32
      %dma_start3A_50 = arith.constant 0 : i32
      %dma_start3A_51 = tpu.memref_slice %arg2[%dma_start3A_49, %dma_start3A_50] : memref<2600000x32xf32, #tpu.memory_space<hbm>> -> memref<2600000x32xf32, #tpu.memory_space<hbm>>
      tpu.enqueue_indirect_dma source(%dma_start3A_51 : memref<2600000x32xf32, #tpu.memory_space<hbm>>) target(%dma_start3A_45 : memref<128x32xf32, #tpu.memory_space<vmem>>) offsets(%dma_start3A_48 : memref<128xi32, #tpu.memory_space<vmem>>) semaphore(%arg8 : memref<!tpu.dma_semaphore, #tpu.memory_space<semaphore_mem>>) {add = true}
    }
    %scan3A_29 = arith.constant 100 : i32
    %scan3A_30 = arith.constant 0 : i32
    %scan3A_31 = arith.constant 100 : i32
    %scan3A_32 = arith.addi %scan3A_30, %scan3A_31 : i32
    %scan3A_33 = arith.constant 1 : i32
    scf.for %scan3A_37 = %scan3A_30 to %scan3A_32 step %scan3A_33  : i32 {
      %mul3A_38 = arith.constant 1 : i32
      %mul3A_39 = arith.muli %scan3A_37, %mul3A_38 : i32
      %add3A_40 = arith.constant 4 : i32
      %add3A_41 = arith.addi %add3A_40, %mul3A_39 : i32
      %dma_wait3A = arith.constant 0 : i32
      %dma_wait3A_42 = arith.constant 0 : i32
      %dma_wait3A_43 = arith.constant 0 : i32
      %dma_wait3A_44 = tpu.memref_slice %arg7[%dma_wait3A_42, %dma_wait3A_43] : memref<512x32xf32, #tpu.memory_space<vmem>> -> memref<128x32xf32, #tpu.memory_space<vmem>>
      %dma_wait3A_45 = arith.constant 0 : i32
      %dma_wait3A_46 = tpu.memref_slice %arg6[%dma_wait3A, %dma_wait3A_45] : memref<104x128xi32, #tpu.memory_space<vmem>> -> memref<1x128xi32, #tpu.memory_space<vmem>>
      %dma_wait3A_47 = tpu.memref_squeeze %dma_wait3A_46 : memref<1x128xi32, #tpu.memory_space<vmem>> -> memref<128xi32, #tpu.memory_space<vmem>>
      %dma_wait3A_48 = arith.constant 0 : i32
      %dma_wait3A_49 = arith.constant 0 : i32
      %dma_wait3A_50 = tpu.memref_slice %arg2[%dma_wait3A_48, %dma_wait3A_49] : memref<2600000x32xf32, #tpu.memory_space<hbm>> -> memref<2600000x32xf32, #tpu.memory_space<hbm>>
      tpu.wait_indirect_dma semaphore(%arg8 : memref<!tpu.dma_semaphore, #tpu.memory_space<semaphore_mem>>) src(%dma_wait3A_50 : memref<2600000x32xf32, #tpu.memory_space<hbm>>) dst(%dma_wait3A_44 : memref<128x32xf32, #tpu.memory_space<vmem>>)
    }
    %scan3A_34 = arith.constant 100 : i32
    %mul3A_35 = arith.constant 512 : i32
    %mul3A_36 = arith.muli %add3A, %mul3A_35 : i32
    "tpu.region"() ({
      %run_scoped3A = tpu.sem_alloc : memref<!tpu.dma_semaphore, #tpu.memory_space<semaphore_mem>>
      %dma_start3A = arith.constant 0 : i32
      %dma_start3A_37 = tpu.memref_slice %arg4[%mul3A_36, %dma_start3A] : memref<16384x32xf32, #tpu.memory_space<hbm>> -> memref<512x32xf32, #tpu.memory_space<hbm>>
      %dma_start3A_38 = arith.constant 0 : i32
      %dma_start3A_39 = tpu.memref_slice %arg4[%mul3A_36, %dma_start3A_38] : memref<16384x32xf32, #tpu.memory_space<hbm>> -> memref<512x32xf32, #tpu.memory_space<hbm>>
      tpu.enqueue_dma source(%arg7 : memref<512x32xf32, #tpu.memory_space<vmem>>) target(%dma_start3A_39 : memref<512x32xf32, #tpu.memory_space<hbm>>) target_semaphore(%run_scoped3A : memref<!tpu.dma_semaphore, #tpu.memory_space<semaphore_mem>>)
      %dma_wait3A = arith.constant 0 : i32
      %dma_wait3A_40 = tpu.memref_slice %arg4[%mul3A_36, %dma_wait3A] : memref<16384x32xf32, #tpu.memory_space<hbm>> -> memref<512x32xf32, #tpu.memory_space<hbm>>
      %dma_wait3A_41 = arith.constant 0 : i32
      %dma_wait3A_42 = tpu.memref_slice %arg4[%mul3A_36, %dma_wait3A_41] : memref<16384x32xf32, #tpu.memory_space<hbm>> -> memref<512x32xf32, #tpu.memory_space<hbm>>
      tpu.wait_dma2 semaphore(%run_scoped3A : memref<!tpu.dma_semaphore, #tpu.memory_space<semaphore_mem>>) src(%arg7 : memref<512x32xf32, #tpu.memory_space<vmem>>) dst(%dma_wait3A_42 : memref<512x32xf32, #tpu.memory_space<hbm>>)
      tpu.yield
    }) : () -> ()
    return
  }
}

</mosaic_0001>

<sc_bundles>
// kernel: kernel.4.cloned.1.call-start
scs
__scs_entry_jumppad:
0x0: {  	(pc) =	sbr.rel $0x88, $3  }
0x1: {  	(tag) =	ssettag $0x0;
	lr =	simm.s32 $0x1  }
0x2: {  	[smem:$0x3F9F] =	sst lr;
	_ =	strace $0xD0000000  }
0x3: {  	_ = 	snop  }
0x4: {  	_ = 	snop  }
0x5: {  	_ = 	snop  }
0x6: {  	_ = 	snop  }
0x7: {  	_ = 	snop  }
__scs_overlays_trampoline_lowered:
0x8: {  	[smem:$0x3FAE] =	sst s0  }
0x9: {  	[smem:$0x3FAF] =	sst s1  }
0xa: {  	[smem:$0x3FB0] =	sst s2  }
0xb: {  	[smem:$0x3FB1] =	sst s3  }
0xc: {  	[smem:$0x3FB2] =	sst s4  }
0xd: {  	[smem:$0x3FB3] =	sst s5  }
0xe: {  	[smem:$0x3FB4] =	sst s6  }
0xf: {  	[smem:$0x3FB5] =	sst s7  }
0x10: {  	[smem:$0x3FB6] =	sst s8  }
0x11: {  	[smem:$0x3FB7] =	sst s9;
	s0 =	simm.s32 @!p0 $0x0  }
0x12: {  	s1 =	sld [smem:$0x3F9D];
	s0 =	simm.s32 @p0 $0x1  }
0x13: {  	[smem:$0x3FB8] =	sst s0;
	s0 =	simm.s32 @!p1 $0x0  }
0x14: {  	s2 =	sld [smem:$0x3F9C];
	s0 =	simm.s32 @p1 $0x1  }
0x15: {  	[smem:$0x3FB9] =	sst s0;
	s0 =	simm.s32 @!p2 $0x0  }
0x16: {  	s3 =	sld [smem:$0x3FDB];
	s0 =	simm.s32 @p2 $0x1  }
0x17: {  	s4 =	simm.s32 $0x1BF5;
	[smem:$0x3FBB] =	sst s0  }
0x18: {  	s0 =	sld [smem:$0x3F9E];
	_ =	swait.ge [sflag:s4], $0x0  }
0x19: {  	s7 =	sld [smem:$0x3F9F]  }
0x1a: {  	s8 =	sadd.s32 $0xFFFFE003, lr  }
0x1b: {  	s9 =	sadd.s32 $0xFFFFFEF7, lr;
	s5 =	simm.s32 $0xFFFFFFFF;
	p2 =	slt.u32 s8, $0xFFFFF086  }
0x1c: {  	p1 =	slt.u32 s9, $0xF7A;
	s5 =	simm.s32 @!p2 $0x0  }
0x1d: {  	s5 =	simm.s32 @p1 $0x1;
	p0 =	seq.s32 s7, s2  }
0x1e: {  	s7 =	smul.u32 @!p0 $0xF7A, s2;
	p2 =	seq.s32 @!p0 s5, $0x0  }
0x1f: {  	s9 =	smul.u32 $0xF7A, s1;
	s8 =	simm.s32 @!p0 $0x1BF5;
	p2 =	por !p2, p0  }
0x20: {  	[sflag:s8] =	ssyncset.s32 @!p0 $0xFFFFF086;
	s6 =	sadd.s32 @!p0 s3, s7;
	s7 =	simm.s32 @!p0 $0x108  }
0x21: {  	s3 =	sadd.s32 s3, s9;
	s6 =	sadd.s32 @!p0 $0x88, s6;
	s7 =	simm.s32 @p2 $0x1082  }
0x22: {  	[simem:s7], [sflag:s8] =	dma.local @!p0 [hbm:s6], $0xF7A  }
0x23: {  	s9 =	sor.u32 $0xD0000000, s2;
	s6 =	simm.s32 $0x108;
	_ =	swait.ge @!p0 [sflag:s8], $0x0  }
0x24: {  	s3 =	sadd.s32 $0x88, s3;
	s6 =	simm.s32 @!p1 $0x1082;
	[sflag:s4] =	ssyncset.s32 $0xFFFFF086  }
0x25: {  	[simem:s6], [sflag:s4] =	dma.local [hbm:s3], $0xF7A  }
0x26: {  	[smem:$0x3F9F] =	sst s1;
	(tag) =	ssettag s2;
	_ =	strace s9  }
0x27: {  	s1 =	sld [smem:$0x3FAF]  }
0x28: {  	s2 =	sld [smem:$0x3FB0]  }
0x29: {  	s4 =	sld [smem:$0x3FB2]  }
0x2a: {  	p0 =	seq.s32 s5, $0x0;
	s5 =	sld [smem:$0x3FB3]  }
0x2b: {  	s6 =	sld [smem:$0x3FB4]  }
0x2c: {  	s7 =	sld [smem:$0x3FB5]  }
0x2d: {  	s3 =	simm.s32 $0x108;
	s8 =	sld [smem:$0x3FB6]  }
0x2e: {  	s3 =	simm.s32 @!p0 $0x1082;
	s9 =	sld [smem:$0x3FB7]  }
0x2f: {  	lr =	sadd.s32 s0, s3;
	s0 =	sld [smem:$0x3FAE]  }
0x30: {  	s3 =	sld [smem:$0x3FB1]  }
0x31: {  	[smem:$0x3FBA] =	sst s10  }
0x32: {  	s10 =	sld [smem:$0x3FB8];
	_ =	sdelay $0x3  }
0x33: {  	p0 =	seq.s32 s10, $0x1;
	s10 =	sld [smem:$0x3FBA];
	_ =	sdelay $0x3  }
0x34: {  	[smem:$0x3FBA] =	sst s10  }
0x35: {  	s10 =	sld [smem:$0x3FB9];
	_ =	sdelay $0x3  }
0x36: {  	p1 =	seq.s32 s10, $0x1;
	s10 =	sld [smem:$0x3FBA];
	_ =	sdelay $0x3  }
0x37: {  	[smem:$0x3FBA] =	sst s10  }
0x38: {  	s10 =	sld [smem:$0x3FBB]  }
0x39: {  	_ = 	snop;
	(pc) =	sbr.ind lr, $3  }
0x3a: {  	_ = 	snop  }
0x3b: {  	_ = 	snop  }
0x3c: {  	p2 =	seq.s32 s10, $0x1;
	s10 =	sld [smem:$0x3FBA]  }
0x3d: {  	_ =	shalt  }
0x3e: {  	_ =	shalt  }
0x3f: {  	_ =	shalt  }
0x40: {  	_ =	shalt  }
0x41: {  	_ =	shalt  }
0x42: {  	_ =	shalt  }
0x43: {  	_ =	shalt  }
0x44: {  	_ =	shalt  }
0x45: {  	_ =	shalt  }
0x46: {  	_ =	shalt  }
0x47: {  	_ =	shalt  }
0x48: {  	_ =	shalt  }
0x49: {  	_ =	shalt  }
0x4a: {  	_ =	shalt  }
0x4b: {  	_ =	shalt  }
0x4c: {  	_ =	shalt  }
0x4d: {  	_ =	shalt  }
0x4e: {  	_ =	shalt  }
0x4f: {  	_ =	shalt  }
0x50: {  	_ =	shalt  }
0x51: {  	_ =	shalt  }
0x52: {  	_ =	shalt  }
0x53: {  	_ =	shalt  }
0x54: {  	_ =	shalt  }
0x55: {  	_ =	shalt  }
0x56: {  	_ =	shalt  }
0x57: {  	_ =	shalt  }
0x58: {  	_ =	shalt  }
0x59: {  	_ =	shalt  }
0x5a: {  	_ =	shalt  }
0x5b: {  	_ =	shalt  }
0x5c: {  	_ =	shalt  }
0x5d: {  	_ =	shalt  }
0x5e: {  	_ =	shalt  }
0x5f: {  	_ =	shalt  }
0x60: {  	_ =	shalt  }
0x61: {  	_ =	shalt  }
0x62: {  	_ =	shalt  }
0x63: {  	_ =	shalt  }
0x64: {  	_ =	shalt  }
0x65: {  	_ =	shalt  }
0x66: {  	_ =	shalt  }
0x67: {  	_ =	shalt  }
0x68: {  	_ =	shalt  }
0x69: {  	_ =	shalt  }
0x6a: {  	_ =	shalt  }
0x6b: {  	_ =	shalt  }
0x6c: {  	_ =	shalt  }
0x6d: {  	_ =	shalt  }
0x6e: {  	_ =	shalt  }
0x6f: {  	_ =	shalt  }
0x70: {  	_ =	shalt  }
0x71: {  	_ =	shalt  }
0x72: {  	_ =	shalt  }
0x73: {  	_ =	shalt  }
0x74: {  	_ =	shalt  }
0x75: {  	_ =	shalt  }
0x76: {  	_ =	shalt  }
0x77: {  	_ =	shalt  }
0x78: {  	_ =	shalt  }
0x79: {  	_ =	shalt  }
0x7a: {  	_ =	shalt  }
0x7b: {  	_ =	shalt  }
0x7c: {  	_ =	shalt  }
0x7d: {  	_ =	shalt  }
0x7e: {  	_ =	shalt  }
0x7f: {  	_ =	shalt  }
0x80: {  	_ =	shalt  }
0x81: {  	_ =	shalt  }
0x82: {  	_ =	shalt  }
0x83: {  	_ =	shalt  }
0x84: {  	_ =	shalt  }
0x85: {  	_ =	shalt  }
0x86: {  	_ =	shalt  }
0x87: {  	_ =	shalt  }
.Lfunc_end0:
.L_simem_size_0:
called_computation_lowered:
.L_overlay_start_0:
0x88: {  	s2 =	sld [smem:$0x3FD9]  }
0x89: {  	s3 =	sld [smem:$0x3FFE];
	_ =	sdelay $0x1  }
0x8a: {  	s1 =	srdreg.scid  }
0x8b: {  	s0 =	sand.u32 $0x1, s1  }
0x8c: {  	s17 =	sshll.u32 s0, $0xA;
	s2 =	sadd.s32 s3, s2  }
0x8d: {  	s2 =	sadd.s32 s2, s17  }
0x8e: {  	[smem:$0x3FC6] =	sst s2  }
0x8f: {  	_ = 	snop  }
0x90: {  	s2 =	sld [smem:$0x3FC8]  }
0x91: {  	s18 =	sld [smem:$0x3FD0];
	(tm) =	ssettm $0x1  }
0x92: {  	s4 =	sld [smem:$0x3FFB];
	_ =	sdelay $0x3  }
0x93: {  	_ =	strace s4  }
0x94: {  	s4 =	sld [smem:$0x3FFC];
	_ =	sdelay $0x3  }
0x95: {  	_ =	strace s4  }
0x96: {  	s4 =	sld [smem:$0x3FFD];
	_ =	sdelay $0x3  }
0x97: {  	_ =	strace s4  }
0x98: {  	_ =	strace $0x8FFFFFFF  }
0x99: {  	s19 =	sld [smem:$0x3FDB];
	_ =	sdelay $0x1  }
0x9a: {  	s5 =	simm.s32 $_scs_section_size  }
0x9b: {  	s6 =	simm.s32 $_size__tile_overlayer_lowered;
	s7 =	simm.s32 $_tile_overlayer_lowered  }
0x9c: {  	s22 =	simm.s32 $0x1BFF;
	s21 =	sshll.u32 s7, $0x1;
	s4 =	sadd.s32 s5, s19  }
0x9d: {  	s8 =	simm.s32 $0x0;
	s20 =	sshll.u32 s6, $0x1;
	s6 =	sadd.s32 s21, s4  }
0x9e: {  	[timem:s8], [sflag:s22] =	dma.local [hbm:s6], s20  }
0x9f: {  	_ =	swait.ge [sflag:s22], s20  }
0xa0: {  	s5 =	ssub.s32 $0x0, s20;
	[sflag:s22] =	ssyncset.done $0x0  }
0xa1: {  	[sflag:s22] =	ssyncadd.s32 s5;
	_ =	sdelay $0x1  }
0xa2: {  	s23 =	simm.s32 $0x1B8B  }
0xa3: {  	_ =	swait.ge [sflag:s23], $0x1  }
0xa4: {  	[sflag:s23] =	ssyncset.done $0x0  }
0xa5: {  	s25 =	simm.s32 $0x1B8E;
	s24 =	sld [smem:$0x3FFE];
	[sflag:s23] =	ssyncadd.s32 $0xFFFFFFFF  }
0xa6: {  	s26 =	simm.s32 $execute0_lowered;
	[smem:$0x3FD2] =	sst s25  }
0xa7: {  	s6 =	sshll.u32 s26, $0x1;
	_ =	strace $0x80000046;
	[dreg:$0x1] =	wrdreg $0xFFFFFFFF  }
0xa8: {  	s28 =	simm.s32 $_size_execute0_lowered;
	s4 =	sadd.s32 s4, s6;
	[dreg:$0x0] =	wrdreg $0x0  }
0xa9: {  	s6 =	sshll.u32 s28, $0x1;
	[dreg:$0x2] =	wrdreg s4  }
0xaa: {  	[dreg:$0x3] =	wrdreg s6  }
0xab: {  	[dreg:$0x4] =	wrdreg $0xC0  }
0xac: {  	_ =	task [dreg:s8], $0x5FFFF  }
0xad: {  	[dreg:$0x1] =	wrdreg $0xFFFFFFFF  }
0xae: {  	[dreg:$0x0] =	wrdreg $0x60  }
0xaf: {  	[dreg:$0x2] =	wrdreg s2  }
0xb0: {  	[dreg:$0x3] =	wrdreg s18  }
0xb1: {  	[dreg:$0x4] =	wrdreg s24  }
0xb2: {  	[dreg:$0x5] =	wrdreg $0x9  }
0xb3: {  	_ =	task.clear_ibuf [dreg:s8], $0x6FFFF;
	_ =	strace $0x90000046  }
0xb4: {  	s29 =	simm.s32 $0x9;
	_ =	strace $0x80000048  }
0xb5: {  	_ =	swait.ge [sflag:s29], $0x1  }
0xb6: {  	[sflag:s29] =	ssyncadd.s32 $0xFFFFFFFF  }
0xb7: {  	_ =	strace $0x90000048  }
0xb8: {  	_ =	sfence  }
0xb9: {  	s30 =	sld [smem:$0x0];
	_ =	sdelay $0x2  }
0xba: {  	s31 =	sshll.u32 s1, $0xD;
	s1 =	sshrl.u32 s1, $0x2  }
0xbb: {  	s3 =	sand.u32 $0x4000, s31;
	s1 =	sadd.s32 s1, s30  }
0xbc: {  	s0 =	sor.u32 s3, s0;
	s1 =	sshll.u32 s1, $0x11  }
0xbd: {  	s0 =	sor.u32 s1, s0  }
0xbe: {  	s0 =	sadd.s32 $0x8F2B, s0  }
0xbf: {  	[sflag:s0] =	ssyncadd.remote.s32 $0x1  }
0xc0: {  	_ =	sfence.sel $0xFFFF  }
0xc1: {  	[dreg:$0x0] =	wrdreg $0xFFFFFFFF;
	(pc) =	sbr.abs _section_cstart, $3  }
0xc2: {  	[dreg:$0x1] =	wrdreg $0xFFFFFFFF  }
0xc3: {  	_ =	task.clear_ibuf [dreg:s8], $0x2FFFF;
	_ =	strace $0x9FFFFFFF  }
0xc4: {  	(tm) =	ssettm $0x7FFFFFFF  }
0xc5: {  	_ =	shalt  }
tec
execute0_lowered:
.L_overlay_start_1:
0x0: {  	(tag) =	ssettag $0x1  }
0x1: {  	s1 =	rddreg [dreg:$0x0];
	s0 =	srdreg.scid  }
0x2: {  	s11 =	stileid.u32;
	s2 =	rddreg [dreg:$0x1]  }
0x3: {  	s5 =	rddreg [dreg:$0x2];
	s4 =	simm.s32 $0x0;
	s31 =	simm.s32 $0x10000  }
0x4: {  	s28 =	simm.s32 $0x1;
	s29 =	simm.s32 $0x3;
	s30 =	simm.s32 $0x2  }
0x5: {  	s0 =	sand.u32 $0x1, s0;
	s3 =	sshll.u32 s11, $0x1;
	[smem:$0x7FF] =	sst s4  }
0x6: {  	s5 =	sadd.s32 $0xA00, s5;
	s3 =	sor.u32 s0, s3;
	s0 =	ssub.s32 $0x2, s0  }
0x7: {  	s8 =	sshrl.u32 s0, $0x1;
	s10 =	smul.u32 $0x1C00, s3;
	s14 =	sshll.u32 s3, $0x7  }
0x8: {  	_ =	strace $0x80000047;
	s0 =	ssub.s32 s0, s8;
	s2 =	sadd.s32 s2, s14  }
0x9: {  	s10 =	sshrl.u32 s10, $0x3;
	[dreg:$0x5] =	wrdreg s2;
	s0 =	smax.u32 s0, $0x1  }
0xa: {  	v0 =	vimm.s32 $0x2380;
	vm0 =	vcmask $0x300;
	v1 =	vimm.s32 $0x6380;
	p0 =	sgt.u32 s11, $0xC;
	s16 =	sadd.s32 s1, s10;
	[dreg:$0x8] =	wrdreg s0  }
0xb: {  	vm1 =	vcmask $0x704;
	v0 =	vsel vm0, $0x0, v0;
	v1 =	vsel vm0, $0x4000, v1;
	s7 =	smin.u32 s3, $0x19;
	s17 =	sadd.s32 $0x18700, s16;
	[dreg:$0x7] =	wrdreg s16  }
0xc: {  	vm15 =	vcmask $0xB08;
	v0 =	vsel vm1, $0x80, v0;
	v1 =	vsel vm1, $0x4080, v1;
	s9 =	smul.u32 $0x30D400, s3;
	s18 =	sadd.s32 $0x30E00, s16;
	[dreg:$0x9] =	wrdreg s17  }
0xd: {  	vm4 =	vcmask $0xF0C;
	v0 =	vsel vm15, $0x100, v0;
	v1 =	vsel vm15, $0x4100, v1;
	s6 =	smul.u32 $0x30D400, s7;
	s19 =	sadd.s32 $0x49500, s16;
	[dreg:$0xa] =	wrdreg s18  }
0xe: {  	vm5 =	vcmask $0x1310;
	s7 =	smul.u32 $0x30E000, s7;
	v0 =	vsel vm4, $0x180, v0;
	v1 =	vsel vm4, $0x4180, v1;
	s20 =	sadd.s32 $0x7000, s16;
	[dreg:$0xb] =	wrdreg s19  }
0xf: {  	vm6 =	vcmask $0x1714;
	v0 =	vsel vm5, $0x200, v0;
	v1 =	vsel vm5, $0x4200, v1;
	s12 =	sshrl.u32 s6, $0x3;
	s22 =	sadd.s32 $0x1F700, s16;
	[dreg:$0xc] =	wrdreg s20  }
0x10: {  	vm7 =	vcmask $0x1B18;
	v0 =	vsel vm6, $0x280, v0;
	v1 =	vsel vm6, $0x4280, v1;
	s21 =	sshrl.u32 s7, $0x3;
	s23 =	sadd.s32 $0x37E00, s16;
	[dreg:$0xd] =	wrdreg s22  }
0x11: {  	vm8 =	vcmask $0x1F1C;
	s8 =	sadd.s32 s5, s12;
	v0 =	vsel vm7, $0x300, v0;
	v1 =	vsel vm7, $0x4300, v1;
	s2 =	sadd.s32 $0x50500, s16;
	[dreg:$0xe] =	wrdreg s23  }
0x12: {  	vm9 =	vcmask $0x2320;
	s0 =	sadd.s32 s1, s21;
	s8 =	sadd.s32 $0x61200, s8;
	v0 =	vsel vm8, $0x380, v0;
	v1 =	vsel vm8, $0x4380, v1;
	[dreg:$0xf] =	wrdreg s2  }
0x13: {  	vm10 =	vcmask $0x2724;
	s13 =	sshrl.u32 s9, $0x3;
	s24 =	sadd.s32 $0x18480, s0;
	[dreg:$0x4] =	wrdreg s8;
	v0 =	vsel vm9, $0x2000, v0;
	v1 =	vsel vm9, $0x6000, v1  }
0x14: {  	vm11 =	vcmask $0x2B28;
	s9 =	simm.s32 $0x0;
	s25 =	sadd.s32 $0x30B80, s0;
	[dreg:$0x10] =	wrdreg s24;
	v0 =	vsel vm10, $0x2080, v0;
	v1 =	vsel vm10, $0x6080, v1  }
0x15: {  	vm12 =	vcmask $0x2F2C;
	s6 =	sor.u32 $0x20, s3;
	s26 =	sadd.s32 $0x49280, s0;
	[dreg:$0x11] =	wrdreg s25;
	v0 =	vsel vm11, $0x2100, v0;
	v1 =	vsel vm11, $0x6100, v1  }
0x16: {  	vm13 =	vcmask $0x3330;
	s0 =	sadd.s32 $0x61980, s0;
	s23 =	simm.s32 $0x2000;
	[dreg:$0x12] =	wrdreg s26;
	v0 =	vsel vm12, $0x2180, v0;
	v1 =	vsel vm12, $0x6180, v1  }
0x17: {  	vm14 =	vcmask $0x3734;
	s2 =	simm.s32 $0x17000;
	s8 =	sadd.s32 s5, s13;
	[dreg:$0x13] =	wrdreg s0;
	v0 =	vsel vm13, $0x2200, v0;
	v1 =	vsel vm13, $0x6200, v1  }
0x18: {  	vm15 =	vcmask $0x3B38;
	s24 =	simm.s32 $0x4000;
	s25 =	simm.s32 $0x6000;
	s15 =	sadd.s32 $0x61A00, s8;
	v0 =	vsel vm14, $0x2280, v0;
	v1 =	vsel vm14, $0x6280, v1  }
0x19: {  	s26 =	simm.s32 $0x8000;
	s0 =	simm.s32 $0x4;
	[dreg:$0x6] =	wrdreg s15;
	v0 =	vsel vm15, $0x2300, v0;
	v1 =	vsel vm15, $0x6300, v1  }
.LBB2_1:
0x1a: {  	s7 =	rddreg [dreg:$0x7]  }
0x1b: {  	[tilespmem:s4], [sflag:$0x1] =	stream.linear.gather [hbm4b:s7+s4], $0x1C00, $0x38;
	[tilespmem:$0x1E000] =	vst v63  }
0x1c: {  	s17 =	rddreg [dreg:$0x9]  }
0x1d: {  	[tilespmem:s23], [sflag:$0x1] =	stream.linear.gather [hbm4b:s17+s4], $0x1C00, $0x38;
	[tilespmem:$0x1E000] =	vst v63  }
0x1e: {  	s18 =	rddreg [dreg:$0xa]  }
0x1f: {  	[tilespmem:s24], [sflag:$0x1] =	stream.linear.gather [hbm4b:s18+s4], $0x1C00, $0x38;
	[tilespmem:$0x1E000] =	vst v63  }
0x20: {  	s19 =	rddreg [dreg:$0xb]  }
0x21: {  	[tilespmem:s25], [sflag:$0x1] =	stream.linear.gather [hbm4b:s19+s4], $0x1C00, $0x38;
	[tilespmem:$0x1E000] =	vst v63  }
0x22: {  	s20 =	rddreg [dreg:$0xc]  }
0x23: {  	[tilespmem:s26], [sflag:$0x2] =	stream.linear.gather [hbm4b:s20+s4], $0x1C00, $0x38;
	[tilespmem:$0x1E000] =	vst v63  }
0x24: {  	s21 =	rddreg [dreg:$0xd];
	s8 =	simm.s32 $0xA000  }
0x25: {  	[tilespmem:s8], [sflag:$0x2] =	stream.linear.gather [hbm4b:s21+s4], $0x1C00, $0x38;
	[tilespmem:$0x1E000] =	vst v63  }
0x26: {  	s22 =	rddreg [dreg:$0xe];
	s23 =	simm.s32 $0xC000  }
0x27: {  	[tilespmem:s23], [sflag:$0x2] =	stream.linear.gather [hbm4b:s22+s4], $0x1C00, $0x38;
	[tilespmem:$0x1E000] =	vst v63  }
0x28: {  	s24 =	rddreg [dreg:$0xf];
	s25 =	simm.s32 $0xE000  }
0x29: {  	[tilespmem:s25], [sflag:$0x2] =	stream.linear.gather [hbm4b:s24+s4], $0x1C00, $0x38;
	[tilespmem:$0x1E000] =	vst v63  }
0x2a: {  	_ = 	snop  }
0x2b: {  	[tilespmem:s31], [sflag:$0x3] =	stream.linear.gather [hbm4b:s5+s4], $0x7000, $0x38;
	[tilespmem:$0x1E000] =	vst v63  }
0x2c: {  	[dreg:$0x14] =	wrdreg s9;
	s9 =	simm.s32 $0x0  }
0x2d: {  	[tilespmem:s2], [sflag:$0x4] =	stream.linear.gather [hbm4b:s5+s4], $0x7000, $0x38;
	[tilespmem:$0x1E000] =	vst v63  }
.LBB2_2:
0x2e: {  	s8 =	simm.s32 $0x0  }
0x2f: {  	s12 =	simm.s32 $0x1;
	s11 =	simm.s32 $0x2;
	s13 =	simm.s32 $0x3;
	v2 =	vmov s8  }
0x30: {  	s14 =	simm.s32 $0x5;
	s15 =	simm.s32 $0x6;
	s16 =	simm.s32 $0x7;
	v4 =	vmov s12;
	v5 =	vmov s11;
	v6 =	vmov s13  }
0x31: {  	s17 =	simm.s32 $0x8;
	s18 =	simm.s32 $0x9;
	s19 =	simm.s32 $0xA;
	v8 =	vmov s14;
	v9 =	vmov s15;
	v10 =	vmov s16  }
0x32: {  	s20 =	simm.s32 $0xB;
	s21 =	simm.s32 $0xC;
	s22 =	simm.s32 $0xD;
	v11 =	vmov s17;
	v12 =	vmov s18;
	v13 =	vmov s19  }
0x33: {  	s24 =	simm.s32 $0x11;
	s25 =	simm.s32 $0x12;
	s7 =	simm.s32 $0x13;
	v14 =	vmov s20;
	v15 =	vmov s21;
	v16 =	vmov s22  }
0x34: {  	s10 =	simm.s32 $0x14;
	v34 =	vmov s24;
	v35 =	vmov s25;
	v36 =	vmov s7  }
0x35: {  	s12 =	simm.s32 $0x4;
	v37 =	vmov s10;
	v3 =	vand.u32 $0x70, v2;
	v2 =	vshll.u32 v2, $0x3  }
0x36: {  	v7 =	vmov s12;
	v17 =	vand.u32 $0x71, v4;
	v18 =	vand.u32 $0x72, v5  }
0x37: {  	v19 =	vand.u32 $0x73, v6;
	v21 =	vand.u32 $0x75, v8;
	v22 =	vand.u32 $0x76, v9  }
0x38: {  	v23 =	vand.u32 $0x77, v10;
	v24 =	vand.u32 $0x78, v11;
	v25 =	vand.u32 $0x79, v12  }
0x39: {  	v26 =	vand.u32 $0x7A, v13;
	v27 =	vand.u32 $0x7B, v14;
	v28 =	vand.u32 $0x7C, v15  }
0x3a: {  	_ =	swait.ge [sflag:s28], $0x1C00;
	v29 =	vand.u32 $0x7D, v16;
	v4 =	vshll.u32 v4, $0x3;
	v5 =	vshll.u32 v5, $0x3  }
0x3b: {  	[sflag:s28] =	ssyncset.done $0x0;
	v6 =	vshll.u32 v6, $0x3;
	v8 =	vshll.u32 v8, $0x3;
	v9 =	vshll.u32 v9, $0x3  }
0x3c: {  	s13 =	simm.s32 $0x15;
	[sflag:s28] =	ssyncadd.s32 $0xFFFFE400;
	v10 =	vshll.u32 v10, $0x3;
	v11 =	vshll.u32 v11, $0x3;
	v12 =	vshll.u32 v12, $0x3  }
0x3d: {  	s14 =	simm.s32 $0xE;
	s15 =	simm.s32 $0x16;
	v13 =	vshll.u32 v13, $0x3;
	v14 =	vshll.u32 v14, $0x3;
	v15 =	vshll.u32 v15, $0x3;
	_ =	swait.ge [sflag:s28], $0x1C00  }
0x3e: {  	s16 =	simm.s32 $0x17;
	s19 =	simm.s32 $0x1A;
	v38 =	vmov s13;
	v39 =	vmov s14;
	v40 =	vmov s15;
	[sflag:s28] =	ssyncset.done $0x0  }
0x3f: {  	v62 =	vmov s16;
	v42 =	vmov s19;
	v2 =	vand.u32 $0x1C00, v2;
	[sflag:s28] =	ssyncadd.s32 $0xFFFFE400  }
0x40: {  	v20 =	vand.u32 $0x74, v7;
	v7 =	vshll.u32 v7, $0x3;
	v5 =	vand.u32 $0x1C00, v5;
	_ =	swait.ge [sflag:s28], $0x1C00  }
0x41: {  	v6 =	vand.u32 $0x1C00, v6;
	v8 =	vand.u32 $0x1C00, v8;
	v9 =	vand.u32 $0x1C00, v9;
	[sflag:s28] =	ssyncset.done $0x0  }
0x42: {  	v10 =	vand.u32 $0x1C00, v10;
	v2 =	vor.u32 v3, v2;
	v3 =	vand.u32 $0x1C00, v4;
	[sflag:s28] =	ssyncadd.s32 $0xFFFFE400  }
0x43: {  	v4 =	vshll.u32 v16, $0x3;
	v7 =	vand.u32 $0x1C00, v7;
	v5 =	vor.u32 v18, v5;
	_ =	swait.ge [sflag:s28], $0x1C00  }
0x44: {  	v6 =	vor.u32 v19, v6;
	v16 =	vor.u32 v0, v2;
	v3 =	vor.u32 v17, v3;
	[sflag:s28] =	ssyncset.done $0x0  }
0x45: {  	s23 =	simm.s32 $0xF;
	v8 =	vor.u32 v21, v8;
	v21 =	vor.u32 v22, v9;
	v17 =	vor.u32 v0, v3;
	[sflag:s28] =	ssyncadd.s32 $0xFFFFE400  }
0x46: {  	v9 =	vmov s23;
	v10 =	vor.u32 v23, v10;
	v18 =	vor.u32 v0, v5;
	_ =	swait.ge [sflag:s29], $0x7000  }
0x47: {  	v7 =	vor.u32 v20, v7;
	v19 =	vor.u32 v0, v6;
	v23 =	vshll.u32 v9, $0x3;
	[sflag:s29] =	ssyncset.done $0x0  }
0x48: {  	s20 =	simm.s32 $0x1B;
	v9 =	vand.u32 $0x7F, v9;
	v20 =	vor.u32 v0, v7;
	v23 =	vand.u32 $0x1C00, v23;
	[sflag:s29] =	ssyncadd.s32 $0xFFFF9000  }
0x49: {  	s21 =	simm.s32 $0x1C;
	v43 =	vmov s20;
	v22 =	vor.u32 v0, v8;
	v23 =	vor.u32 v9, v23;
	v9 =	vld.idx.msk [tilespmem:v16+s4+$0x0], $0xffff  }
0x4a: {  	v63 =	vmov s21;
	v11 =	vand.u32 $0x1C00, v11;
	v30 =	vor.u32 v0, v21;
	v17 =	vld.idx.msk [tilespmem:v17+s4+$0x0], $0xffff  }
0x4b: {  	v12 =	vand.u32 $0x1C00, v12;
	v11 =	vor.u32 v24, v11;
	v31 =	vor.u32 v0, v10;
	v18 =	vld.idx.msk [tilespmem:v18+s4+$0x0], $0xffff  }
0x4c: {  	v15 =	vand.u32 $0x1C00, v15;
	v12 =	vor.u32 v25, v12;
	v24 =	vor.u32 v0, v11;
	v19 =	vld.idx.msk [tilespmem:v19+s4+$0x0], $0xffff  }
0x4d: {  	v46 =	vand.u32 $0x71, v34;
	v15 =	vor.u32 v28, v15;
	v25 =	vor.u32 v0, v12;
	v20 =	vld.idx.msk [tilespmem:v20+s4+$0x0], $0xffff  }
0x4e: {  	v47 =	vand.u32 $0x72, v35;
	v4 =	vand.u32 $0x1C00, v4;
	v28 =	vor.u32 v0, v15;
	v22 =	vld.idx.msk [tilespmem:v22+s4+$0x0], $0xffff  }
0x4f: {  	v48 =	vand.u32 $0x73, v36;
	v4 =	vor.u32 v29, v4;
	v16 =	vor.u32 v0, v23;
	v30 =	vld.idx.msk [tilespmem:v30+s4+$0x0], $0xffff  }
0x50: {  	v50 =	vand.u32 $0x74, v37;
	v58 =	vshll.u32 v35, $0x3;
	v32 =	vor.u32 v0, v4;
	v31 =	vld.idx.msk [tilespmem:v31+s4+$0x0], $0xffff  }
0x51: {  	s24 =	simm.s32 $0x10100;
	v59 =	vshll.u32 v36, $0x3;
	v13 =	vand.u32 $0x1C00, v13;
	v3 =	vor.u32 v1, v3;
	v24 =	vld.idx.msk [tilespmem:v24+s4+$0x0], $0xffff  }
0x52: {  	s13 =	simm.s32 $0x1D;
	v14 =	vand.u32 $0x1C00, v14;
	v41 =	vshll.u32 v39, $0x3;
	v5 =	vor.u32 v1, v5;
	v25 =	vld.idx.msk [tilespmem:v25+s4+$0x0], $0xffff;
	[tilespmem:s24+$0xFFFFFF20] =	vst v17  }
0x53: {  	v44 =	vmov s13;
	v13 =	vor.u32 v26, v13;
	v6 =	vor.u32 v1, v6;
	v28 =	vld.idx.msk [tilespmem:v28+s4+$0x0], $0xffff;
	[tilespmem:s24+$0xFFFFFF40] =	vst v18  }
0x54: {  	v51 =	vand.u32 $0x75, v38;
	v14 =	vor.u32 v27, v14;
	v7 =	vor.u32 v1, v7;
	v16 =	vld.idx.msk [tilespmem:v16+s4+$0x0], $0xffff;
	[tilespmem:s24+$0xFFFFFF60] =	vst v19  }
0x55: {  	v60 =	vshll.u32 v38, $0x3;
	v26 =	vor.u32 v0, v13;
	v15 =	vor.u32 v1, v15;
	[tilespmem:s24+$0xFFFFFF80] =	vst v20;
	v20 =	vld.idx.msk [tilespmem:v32+s4+$0x0], $0xffff  }
0x56: {  	v61 =	vshll.u32 v40, $0x3;
	v27 =	vor.u32 v0, v14;
	v11 =	vor.u32 v1, v11;
	[tilespmem:s24+$0xFFFFFFA0] =	vst v22;
	v45 =	vld.idx.msk [tilespmem:v3+s4+$0x0], $0xffff  }
0x57: {  	s8 =	simm.s32 $0x10;
	v35 =	vand.u32 $0x1C00, v61;
	v12 =	vor.u32 v1, v12;
	v17 =	vor.u32 v1, v8;
	[tilespmem:s24+$0xFFFFFFC0] =	vst v30;
	v30 =	vld.idx.msk [tilespmem:v5+s4+$0x0], $0xffff  }
0x58: {  	v14 =	vor.u32 v1, v14;
	v29 =	vmov s8;
	v18 =	vor.u32 v1, v21;
	[tilespmem:s24+$0xFFFFFFE0] =	vst v31;
	v49 =	vld.idx.msk [tilespmem:v6+s4+$0x0], $0xffff  }
0x59: {  	v33 =	vand.u32 $0x70, v29;
	v29 =	vshll.u32 v29, $0x3;
	v23 =	vor.u32 v1, v23;
	[tilespmem:s24+$0x80] =	vst v28;
	v31 =	vld.idx.msk [tilespmem:v7+s4+$0x0], $0xffff  }
0x5a: {  	v56 =	vor.u32 v1, v2;
	v53 =	vor.u32 v1, v4;
	v29 =	vand.u32 $0x1C00, v29;
	[tilespmem:s24+$0x0] =	vst v24;
	v28 =	vld.idx.msk [tilespmem:v15+s4+$0x0], $0xffff  }
0x5b: {  	v8 =	vand.u32 $0x7E, v39;
	v19 =	vor.u32 v1, v10;
	[tilespmem:s24+$0xE0] =	vst v16;
	v16 =	vld.idx.msk [tilespmem:v26+s4+$0x0], $0xffff;
	v26 =	vand.u32 $0x1C00, v41  }
0x5c: {  	v4 =	vand.u32 $0x7C, v63;
	v2 =	vor.u32 v33, v29;
	[tilespmem:s24+$0x20] =	vst v25;
	v54 =	vld.idx.msk [tilespmem:v17+s4+$0x0], $0xffff;
	v21 =	vor.u32 v8, v26  }
0x5d: {  	v22 =	vor.u32 v1, v13;
	v13 =	vand.u32 $0x76, v40;
	[tilespmem:s24+$0xFFFFFF00] =	vst v9;
	v55 =	vld.idx.msk [tilespmem:v18+s4+$0x0], $0xffff;
	v8 =	vor.u32 v0, v21  }
0x5e: {  	v10 =	vand.u32 $0x77, v62;
	v62 =	vshll.u32 v62, $0x3;
	v9 =	vor.u32 v0, v2;
	[tilespmem:s24+$0xA0] =	vst v20;
	v23 =	vld.idx.msk [tilespmem:v23+s4+$0x0], $0xffff  }
0x5f: {  	v7 =	vand.u32 $0x7A, v42;
	v5 =	vand.u32 $0x7B, v43;
	v15 =	vand.u32 $0x1C00, v59;
	v26 =	vld.idx.msk [tilespmem:v27+s4+$0x0], $0xffff;
	[tilespmem:s24+$0xFFFFFF30] =	vst v45  }
0x60: {  	s18 =	simm.s32 $0x19;
	v3 =	vand.u32 $0x7D, v44;
	v36 =	vand.u32 $0x1C00, v62;
	v15 =	vor.u32 v48, v15;
	v19 =	vld.idx.msk [tilespmem:v19+s4+$0x0], $0xffff;
	[tilespmem:s24+$0xFFFFFF50] =	vst v30  }
0x61: {  	s11 =	simm.s32 $0x1E0;
	v33 =	vor.u32 v0, v15;
	v41 =	vmov s18;
	[tilespmem:s24+$0x40] =	vst v16;
	v16 =	vor.u32 v1, v21;
	v21 =	vld.idx.msk [tilespmem:v11+s4+$0x0], $0xffff  }
0x62: {  	s17 =	simm.s32 $0x18;
	s22 =	sor.u32 $0x70, s11;
	v18 =	vshll.u32 v34, $0x3;
	v20 =	vshll.u32 v43, $0x3;
	v17 =	vshll.u32 v63, $0x3;
	[tilespmem:s24+$0xFFFFFF70] =	vst v49;
	v52 =	vld.idx.msk [tilespmem:v8+s4+$0x0], $0xffff  }
0x63: {  	s25 =	simm.s32 $0xC0;
	s14 =	simm.s32 $0xE0;
	s15 =	simm.s32 $0x120;
	v63 =	vand.u32 $0x1C00, v60;
	v27 =	vmov s17;
	v6 =	vand.u32 $0x79, v41;
	[tilespmem:s22+$0x10000] =	vst v23;
	v23 =	vld.idx.msk [tilespmem:v12+s4+$0x0], $0xffff  }
0x64: {  	s16 =	simm.s32 $0x140;
	s19 =	simm.s32 $0x160;
	s23 =	simm.s32 $0xA0;
	v24 =	vshll.u32 v41, $0x3;
	v11 =	vshll.u32 v37, $0x3;
	[tilespmem:s24+$0x60] =	vst v26;
	v25 =	vld.idx.msk [tilespmem:v22+s4+$0x0], $0xffff;
	v12 =	vand.u32 $0x1C00, v18  }
0x65: {  	s20 =	simm.s32 $0x1A0;
	s21 =	simm.s32 $0x1C0;
	s12 =	sor.u32 $0x30, s23;
	[tilespmem:s24+$0xFFFFFF90] =	vst v31;
	v22 =	vshll.u32 v42, $0x3;
	v26 =	vld.idx.msk [tilespmem:v14+s4+$0x0], $0xffff;
	v14 =	vand.u32 $0x1C00, v58;
	v12 =	vor.u32 v46, v12  }
0x66: {  	s25 =	sor.u32 $0x50, s25;
	s16 =	sor.u32 $0x50, s16;
	s13 =	sor.u32 $0x50, s21;
	v29 =	vld.idx.msk [tilespmem:v53+s4+$0x0], $0xffff;
	[tilespmem:s12+$0x10000] =	vst v54;
	v18 =	vshll.u32 v44, $0x3;
	v32 =	vor.u32 v0, v12;
	v14 =	vor.u32 v47, v14  }
0x67: {  	s18 =	sor.u32 $0x70, s14;
	s14 =	sor.u32 $0x30, s20;
	s20 =	simm.s32 $0x1F;
	v31 =	vld.idx.msk [tilespmem:v56+s4+$0x0], $0xffff;
	v11 =	vand.u32 $0x1C00, v11;
	v8 =	vand.u32 $0x78, v27;
	v34 =	vor.u32 v0, v14;
	[tilespmem:s24+$0xC0] =	vst v52  }
0x68: {  	s17 =	sor.u32 $0x30, s15;
	s15 =	sor.u32 $0x70, s19;
	s12 =	simm.s32 $0x20;
	[tilespmem:s25+$0x10000] =	vst v55;
	v27 =	vshll.u32 v27, $0x3;
	v30 =	vld.idx.msk [tilespmem:v16+s4+$0x0], $0xffff;
	v16 =	vor.u32 v50, v11;
	v11 =	vor.u32 v51, v63  }
.LBB2_3:
0x69: {  	p1 =	slt.u32 s12, $0x370;
	v37 =	vor.u32 v0, v16;
	v13 =	vor.u32 v13, v35;
	v35 =	vmov s20;
	[tilespmem:s18+$0x10000] =	vst v19  }
0x6a: {  	v19 =	vor.u32 v0, v11;
	v10 =	vor.u32 v10, v36;
	v9 =	vld.idx.msk [tilespmem:v9+s4+$0x0], $0xffff;
	v36 =	vshll.u32 v35, $0x3;
	[tilespmem:s24+$0x10] =	vst v21  }
0x6b: {  	v35 =	vand.u32 $0x7F, v35;
	v21 =	vld.idx.msk [tilespmem:v32+s4+$0x0], $0xffff;
	v32 =	vor.u32 v0, v13;
	v36 =	vand.u32 $0x1C00, v36;
	[tilespmem:s17+$0x10000] =	vst v23  }
0x6c: {  	v27 =	vand.u32 $0x1C00, v27;
	v23 =	vld.idx.msk [tilespmem:v34+s4+$0x0], $0xffff;
	v34 =	vor.u32 v0, v10;
	v35 =	vor.u32 v35, v36;
	[tilespmem:s16+$0x10000] =	vst v25  }
0x6d: {  	v24 =	vand.u32 $0x1C00, v24;
	v8 =	vor.u32 v8, v27;
	v25 =	vld.idx.msk [tilespmem:v33+s4+$0x0], $0xffff;
	v27 =	vor.u32 v0, v35;
	[tilespmem:s15+$0x10000] =	vst v26  }
0x6e: {  	v22 =	vand.u32 $0x1C00, v22;
	v6 =	vor.u32 v6, v24;
	v33 =	vor.u32 v0, v8;
	v26 =	vld.idx.msk [tilespmem:v37+s4+$0x0], $0xffff;
	[tilespmem:s24+$0x90] =	vst v28  }
0x6f: {  	v20 =	vand.u32 $0x1C00, v20;
	v7 =	vor.u32 v7, v22;
	v24 =	vor.u32 v0, v6;
	v19 =	vld.idx.msk [tilespmem:v19+s4+$0x0], $0xffff;
	[tilespmem:s14+$0x10000] =	vst v29  }
0x70: {  	v17 =	vand.u32 $0x1C00, v17;
	v5 =	vor.u32 v5, v20;
	v28 =	vor.u32 v0, v7;
	v22 =	vld.idx.msk [tilespmem:v32+s4+$0x0], $0xffff;
	[tilespmem:s13+$0x10000] =	vst v30  }
0x71: {  	v4 =	vor.u32 v4, v17;
	v17 =	vand.u32 $0x1C00, v18;
	v29 =	vor.u32 v0, v5;
	v20 =	vld.idx.msk [tilespmem:v34+s4+$0x0], $0xffff;
	[tilespmem:s24+$0xFFFFFF10] =	vst v31  }
0x72: {  	v3 =	vor.u32 v3, v17;
	v30 =	vor.u32 v0, v4;
	v17 =	vld.idx.msk [tilespmem:v27+s4+$0x0], $0xffff  }
0x73: {  	v32 =	vor.u32 v0, v3;
	v27 =	vmov s12;
	v31 =	vld.idx.msk [tilespmem:v33+s4+$0x0], $0xffff  }
0x74: {  	s14 =	sadd.s32 $0x2, s12;
	s13 =	sadd.s32 $0x1, s12;
	v18 =	vand.u32 $0x70, v27;
	v27 =	vshll.u32 v27, $0x3;
	v33 =	vor.u32 v1, v35;
	v24 =	vld.idx.msk [tilespmem:v24+s4+$0x0], $0xffff  }
0x75: {  	v12 =	vor.u32 v1, v12;
	v34 =	vmov s13;
	s13 =	sadd.s32 $0x3, s12;
	v35 =	vmov s14;
	s14 =	sadd.s32 $0x4, s12;
	v28 =	vld.idx.msk [tilespmem:v28+s4+$0x0], $0xffff  }
0x76: {  	v14 =	vor.u32 v1, v14;
	v36 =	vmov s13;
	s13 =	sadd.s32 $0x5, s12;
	v37 =	vmov s14;
	s14 =	sadd.s32 $0xE, s8;
	s8 =	smov.u32 s12;
	v29 =	vld.idx.msk [tilespmem:v29+s4+$0x0], $0xffff  }
0x77: {  	v15 =	vor.u32 v1, v15;
	s24 =	sadd.s32 $0x200, s24;
	v38 =	vmov s13;
	s13 =	sadd.s32 $0x6, s12;
	v39 =	vmov s14;
	v30 =	vld.idx.msk [tilespmem:v30+s4+$0x0], $0xffff  }
0x78: {  	v16 =	vor.u32 v1, v16;
	v40 =	vmov s13;
	v41 =	vshll.u32 v39, $0x3;
	v32 =	vld.idx.msk [tilespmem:v32+s4+$0x0], $0xffff;
	[tilespmem:s24+$0xE0] =	vst v17  }
0x79: {  	v11 =	vor.u32 v1, v11;
	s13 =	sadd.s32 $0x7, s12;
	v17 =	vand.u32 $0x7E, v39;
	[tilespmem:s24+$0xFFFFFF20] =	vst v21;
	v21 =	vand.u32 $0x1C00, v41;
	v33 =	vld.idx.msk [tilespmem:v33+s4+$0x0], $0xffff  }
0x7a: {  	v13 =	vor.u32 v1, v13;
	s14 =	sadd.s32 $0x9, s12;
	v39 =	vmov s13;
	s13 =	sadd.s32 $0x8, s12;
	v12 =	vld.idx.msk [tilespmem:v12+s4+$0x0], $0xffff;
	[tilespmem:s24+$0xFFFFFF40] =	vst v23;
	v17 =	vor.u32 v17, v21  }
0x7b: {  	v42 =	vmov s14;
	s14 =	sadd.s32 $0xB, s12;
	v41 =	vmov s13;
	s13 =	sadd.s32 $0xA, s12;
	v14 =	vld.idx.msk [tilespmem:v14+s4+$0x0], $0xffff;
	[tilespmem:s24+$0xFFFFFF60] =	vst v25;
	v21 =	vor.u32 v0, v17  }
0x7c: {  	v44 =	vmov s14;
	s14 =	sadd.s32 $0xD, s12;
	v43 =	vmov s13;
	s13 =	sadd.s32 $0xC, s12;
	v23 =	vor.u32 v1, v10;
	v15 =	vld.idx.msk [tilespmem:v15+s4+$0x0], $0xffff;
	[tilespmem:s24+$0xFFFFFF80] =	vst v26  }
0x7d: {  	s11 =	sadd.s32 $0x200, s11;
	v46 =	vmov s14;
	v45 =	vmov s13;
	v25 =	vor.u32 v1, v8;
	v16 =	vld.idx.msk [tilespmem:v16+s4+$0x0], $0xffff;
	[tilespmem:s24+$0xFFFFFFA0] =	vst v19  }
0x7e: {  	s15 =	sor.u32 $0x70, s11;
	v48 =	vand.u32 $0x71, v34;
	v47 =	vand.u32 $0x1C00, v27;
	s14 =	sadd.s32 $0xFFFFFEE0, s11;
	s13 =	sadd.s32 $0xFFFFFEC0, s11;
	v11 =	vld.idx.msk [tilespmem:v11+s4+$0x0], $0xffff;
	[tilespmem:s24+$0xFFFFFFC0] =	vst v22;
	v22 =	vor.u32 v1, v6  }
0x7f: {  	s21 =	sadd.s32 $0xFFFFFF60, s11;
	s17 =	sadd.s32 $0xFFFFFF40, s11;
	s16 =	sadd.s32 $0xFFFFFF00, s11;
	v50 =	vand.u32 $0x73, v36;
	v49 =	vand.u32 $0x72, v35;
	v26 =	vor.u32 v1, v7;
	v51 =	vld.idx.msk [tilespmem:v13+s4+$0x0], $0xffff;
	[tilespmem:s15+$0x10000] =	vst v33  }
0x80: {  	s25 =	sadd.s32 $0xFFFFFFC0, s11;
	s22 =	sadd.s32 $0xFFFFFFE0, s11;
	v53 =	vand.u32 $0x75, v38;
	v52 =	vand.u32 $0x74, v37;
	s15 =	sadd.s32 $0xFFFFFF80, s11;
	[tilespmem:s24+$0xFFFFFFE0] =	vst v20;
	v20 =	vor.u32 v1, v5;
	v33 =	vld.idx.msk [tilespmem:v21+s4+$0x0], $0xffff  }
0x81: {  	s18 =	sor.u32 $0x70, s16;
	v27 =	vor.u32 v1, v4;
	s19 =	sor.u32 $0x50, s14;
	v10 =	vand.u32 $0x77, v39;
	s20 =	sor.u32 $0x30, s13;
	v13 =	vand.u32 $0x76, v40;
	v19 =	vld.idx.msk [tilespmem:v23+s4+$0x0], $0xffff;
	[tilespmem:s24+$0x0] =	vst v31  }
0x82: {  	s17 =	sor.u32 $0x30, s17;
	s16 =	sor.u32 $0x50, s21;
	v8 =	vand.u32 $0x78, v41;
	v6 =	vand.u32 $0x79, v42;
	s15 =	sor.u32 $0x70, s15;
	v31 =	vor.u32 v1, v3;
	v21 =	vld.idx.msk [tilespmem:v25+s4+$0x0], $0xffff;
	[tilespmem:s24+$0x20] =	vst v24  }
0x83: {  	s14 =	sor.u32 $0x30, s25;
	v54 =	vor.u32 v1, v17;
	v7 =	vand.u32 $0x7A, v43;
	s13 =	sor.u32 $0x50, s22;
	v5 =	vand.u32 $0x7B, v44;
	v23 =	vld.idx.msk [tilespmem:v22+s4+$0x0], $0xffff;
	[tilespmem:s24+$0x40] =	vst v28  }
0x84: {  	v55 =	vor.u32 v1, v2;
	v4 =	vand.u32 $0x7C, v45;
	v3 =	vand.u32 $0x7D, v46;
	v25 =	vld.idx.msk [tilespmem:v26+s4+$0x0], $0xffff;
	[tilespmem:s24+$0x60] =	vst v29  }
0x85: {  	v34 =	vshll.u32 v34, $0x3;
	v36 =	vshll.u32 v36, $0x3;
	v35 =	vshll.u32 v35, $0x3;
	v26 =	vld.idx.msk [tilespmem:v20+s4+$0x0], $0xffff;
	[tilespmem:s24+$0x80] =	vst v30  }
0x86: {  	v38 =	vshll.u32 v38, $0x3;
	v37 =	vshll.u32 v37, $0x3;
	v40 =	vshll.u32 v40, $0x3;
	v28 =	vld.idx.msk [tilespmem:v27+s4+$0x0], $0xffff;
	[tilespmem:s24+$0xA0] =	vst v32  }
0x87: {  	v39 =	vshll.u32 v39, $0x3;
	v24 =	vshll.u32 v42, $0x3;
	v27 =	vshll.u32 v41, $0x3;
	v29 =	vld.idx.msk [tilespmem:v31+s4+$0x0], $0xffff;
	[tilespmem:s24+$0xC0] =	vst v33  }
0x88: {  	v17 =	vshll.u32 v45, $0x3;
	v22 =	vshll.u32 v43, $0x3;
	v20 =	vshll.u32 v44, $0x3;
	[tilespmem:s24+$0xFFFFFF00] =	vst v9;
	v30 =	vld.idx.msk [tilespmem:v54+s4+$0x0], $0xffff  }
0x89: {  	v2 =	vor.u32 v18, v47;
	v18 =	vshll.u32 v46, $0x3;
	v32 =	vand.u32 $0x1C00, v34;
	v31 =	vld.idx.msk [tilespmem:v55+s4+$0x0], $0xffff;
	[tilespmem:s24+$0xFFFFFF30] =	vst v12  }
.Ltmp0:
0x8a: {  	v36 =	vand.u32 $0x1C00, v36;
	v37 =	vand.u32 $0x1C00, v37;
	v33 =	vand.u32 $0x1C00, v35;
	[tilespmem:s24+$0xFFFFFF50] =	vst v14;
	(pc) =	sbr.rel @p1 .LBB2_3-.Ltmp0, $4  }
0x8b: {  	v38 =	vand.u32 $0x1C00, v38;
	v9 =	vor.u32 v0, v2;
	v12 =	vor.u32 v48, v32;
	[tilespmem:s24+$0xFFFFFF70] =	vst v15  }
0x8c: {  	v35 =	vand.u32 $0x1C00, v40;
	v32 =	vor.u32 v0, v12;
	v14 =	vor.u32 v49, v33;
	[tilespmem:s24+$0xFFFFFF90] =	vst v16  }
0x8d: {  	v34 =	vor.u32 v0, v14;
	v15 =	vor.u32 v50, v36;
	v36 =	vand.u32 $0x1C00, v39;
	[tilespmem:s20+$0x10000] =	vst v11  }
0x8e: {  	s12 =	sadd.s32 $0x10, s12;
	v33 =	vor.u32 v0, v15;
	v16 =	vor.u32 v52, v37;
	v11 =	vor.u32 v53, v38;
	s20 =	sadd.s32 $0xF, s8;
	[tilespmem:s19+$0x10000] =	vst v51  }
0x8f: {  	[tilespmem:s18+$0x10000] =	vst v19  }
0x90: {  	[tilespmem:s24+$0x10] =	vst v21  }
0x91: {  	[tilespmem:s17+$0x10000] =	vst v23  }
0x92: {  	v19 =	vor.u32 v0, v16;
	[tilespmem:s16+$0x10000] =	vst v25  }
0x93: {  	v13 =	vor.u32 v13, v35;
	v21 =	vor.u32 v0, v11;
	[tilespmem:s15+$0x10000] =	vst v26;
	v25 =	vld.idx.msk [tilespmem:v32+s4+$0x0], $0xffff  }
0x94: {  	v10 =	vor.u32 v10, v36;
	[tilespmem:s24+$0x90] =	vst v28;
	v28 =	vld.idx.msk [tilespmem:v34+s4+$0x0], $0xffff;
	v26 =	vor.u32 v0, v13  }
0x95: {  	[tilespmem:s14+$0x10000] =	vst v29;
	v29 =	vld.idx.msk [tilespmem:v33+s4+$0x0], $0xffff;
	v57 =	vor.u32 v0, v10  }
0x96: {  	v37 =	vmov s20;
	[tilespmem:s13+$0x10000] =	vst v30;
	v20 =	vand.u32 $0x1C00, v20;
	v12 =	vor.u32 v1, v12;
	v9 =	vld.idx.msk [tilespmem:v9+s4+$0x0], $0xffff  }
0x97: {  	[tilespmem:s24+$0xFFFFFF10] =	vst v31;
	s12 =	sadd.s32 $0x200, s24;
	v14 =	vor.u32 v1, v14;
	v15 =	vor.u32 v1, v15;
	v38 =	vshll.u32 v37, $0x3;
	v19 =	vld.idx.msk [tilespmem:v19+s4+$0x0], $0xffff  }
0x98: {  	v2 =	vor.u32 v1, v2;
	v37 =	vand.u32 $0x7F, v37;
	v38 =	vand.u32 $0x1C00, v38;
	v21 =	vld.idx.msk [tilespmem:v21+s4+$0x0], $0xffff;
	[tilespmem:s12+$0xFFFFFF20] =	vst v25  }
0x99: {  	v27 =	vand.u32 $0x1C00, v27;
	v5 =	vor.u32 v5, v20;
	v37 =	vor.u32 v37, v38;
	[tilespmem:s12+$0xFFFFFF40] =	vst v28;
	v20 =	vld.idx.msk [tilespmem:v26+s4+$0x0], $0xffff  }
0x9a: {  	v24 =	vand.u32 $0x1C00, v24;
	v8 =	vor.u32 v8, v27;
	v38 =	vor.u32 v0, v37;
	[tilespmem:s12+$0xFFFFFF60] =	vst v29;
	v28 =	vld.idx.msk [tilespmem:v57+s4+$0x0], $0xffff  }
0x9b: {  	v22 =	vand.u32 $0x1C00, v22;
	v6 =	vor.u32 v6, v24;
	v58 =	vor.u32 v0, v8;
	[tilespmem:s12+$0xFFFFFF00] =	vst v9;
	v12 =	vld.idx.msk [tilespmem:v12+s4+$0x0], $0xffff  }
0x9c: {  	v17 =	vand.u32 $0x1C00, v17;
	v7 =	vor.u32 v7, v22;
	v24 =	vor.u32 v0, v6;
	v14 =	vld.idx.msk [tilespmem:v14+s4+$0x0], $0xffff;
	[tilespmem:s12+$0xFFFFFF80] =	vst v19  }
0x9d: {  	s8 =	sadd.s32 $0xE, s8;
	v4 =	vor.u32 v4, v17;
	v22 =	vor.u32 v0, v7;
	v15 =	vld.idx.msk [tilespmem:v15+s4+$0x0], $0xffff;
	[tilespmem:s12+$0xFFFFFFA0] =	vst v21  }
0x9e: {  	v18 =	vand.u32 $0x1C00, v18;
	v17 =	vmov s8;
	v25 =	vor.u32 v0, v4;
	v2 =	vld.idx.msk [tilespmem:v2+s4+$0x0], $0xffff;
	[tilespmem:s12+$0xFFFFFFC0] =	vst v20  }
0x9f: {  	v16 =	vor.u32 v1, v16;
	v11 =	vor.u32 v1, v11;
	v26 =	vshll.u32 v17, $0x3;
	v23 =	vld.idx.msk [tilespmem:v38+s4+$0x0], $0xffff;
	[tilespmem:s12+$0xFFFFFFE0] =	vst v28  }
0xa0: {  	v3 =	vor.u32 v3, v18;
	v17 =	vand.u32 $0x7E, v17;
	v18 =	vand.u32 $0x1C00, v26;
	v26 =	vld.idx.msk [tilespmem:v58+s4+$0x0], $0xffff;
	[tilespmem:s12+$0xFFFFFF30] =	vst v12  }
0xa1: {  	v13 =	vor.u32 v1, v13;
	v17 =	vor.u32 v17, v18;
	v18 =	vld.idx.msk [tilespmem:v24+s4+$0x0], $0xffff;
	[tilespmem:s12+$0xFFFFFF50] =	vst v14  }
0xa2: {  	v10 =	vor.u32 v1, v10;
	v21 =	vld.idx.msk [tilespmem:v22+s4+$0x0], $0xffff;
	[tilespmem:s12+$0xFFFFFF70] =	vst v15  }
0xa3: {  	v8 =	vor.u32 v1, v8;
	v22 =	vld.idx.msk [tilespmem:v25+s4+$0x0], $0xffff;
	[tilespmem:s12+$0xFFFFFF10] =	vst v2  }
0xa4: {  	v16 =	vld.idx.msk [tilespmem:v16+s4+$0x0], $0xffff;
	[tilespmem:s12+$0xE0] =	vst v23;
	v23 =	vor.u32 v0, v5  }
0xa5: {  	v6 =	vor.u32 v1, v6;
	v11 =	vld.idx.msk [tilespmem:v11+s4+$0x0], $0xffff;
	[tilespmem:s12+$0x0] =	vst v26  }
0xa6: {  	v19 =	vor.u32 v0, v17;
	v9 =	vld.idx.msk [tilespmem:v13+s4+$0x0], $0xffff;
	[tilespmem:s12+$0x20] =	vst v18  }
0xa7: {  	s11 =	sadd.s32 $0x200, s11;
	v29 =	vor.u32 v0, v3;
	v10 =	vld.idx.msk [tilespmem:v10+s4+$0x0], $0xffff;
	[tilespmem:s12+$0x40] =	vst v21  }
0xa8: {  	s17 =	sadd.s32 $0xFFFFFEC0, s11;
	v27 =	vor.u32 v1, v37;
	v8 =	vld.idx.msk [tilespmem:v8+s4+$0x0], $0xffff;
	[tilespmem:s12+$0x80] =	vst v22  }
0xa9: {  	s20 =	sshll.u32 s9, $0x6;
	s18 =	sadd.s32 $0xFFFFFEE0, s11;
	v7 =	vor.u32 v1, v7;
	s8 =	sor.u32 $0x30, s17;
	[tilespmem:s12+$0xFFFFFF90] =	vst v16;
	v20 =	vld.idx.msk [tilespmem:v23+s4+$0x0], $0xffff  }
0xaa: {  	s19 =	sadd.s32 $0xFFFFFF00, s11;
	s24 =	sor.u32 s3, s20;
	s13 =	sor.u32 $0x50, s18;
	v5 =	vor.u32 v1, v5;
	v6 =	vld.idx.msk [tilespmem:v6+s4+$0x0], $0xffff;
	[tilespmem:s8+$0x10000] =	vst v11  }
0xab: {  	s14 =	sor.u32 $0x70, s19;
	s15 =	smin.u32 s24, $0xB45;
	v4 =	vor.u32 v1, v4;
	v19 =	vld.idx.msk [tilespmem:v19+s4+$0x0], $0xffff;
	[tilespmem:s13+$0x10000] =	vst v9  }
0xac: {  	s22 =	smulhi.u32 $0x24E6A18, s15;
	v12 =	vor.u32 v1, v17;
	[tilespmem:s14+$0x10000] =	vst v10;
	v23 =	vld.idx.msk [tilespmem:v29+s4+$0x0], $0xffff  }
0xad: {  	p1 =	seq.s32 s9, $0x2D;
	s16 =	sor.u32 $0x70, s11;
	s21 =	sadd.s32 $0xFFFFFF40, s11;
	v3 =	vor.u32 v1, v3;
	v27 =	vld.idx.msk [tilespmem:v27+s4+$0x0], $0xffff;
	[tilespmem:s12+$0x10] =	vst v8  }
0xae: {  	s7 =	sor.u32 $0x30, s21;
	s10 =	smul.u32 $0x6F, s22;
	v7 =	vld.idx.msk [tilespmem:v7+s4+$0x0], $0xffff;
	s8 =	sadd.s32 $0x1, s9;
	[tilespmem:s12+$0x60] =	vst v20  }
0xaf: {  	s23 =	sadd.s32 $0xFFFFFF60, s11;
	s25 =	sadd.s32 $0xFFFFFF80, s11;
	s9 =	sshll.u32 @!p1 s8, $0x6;
	[tilespmem:s7+$0x10000] =	vst v6;
	v5 =	vld.idx.msk [tilespmem:v5+s4+$0x0], $0xffff  }
0xb0: {  	s20 =	sadd.s32 $0xFFFFFFC0, s11;
	s15 =	ssub.s32 s15, s10;
	v4 =	vld.idx.msk [tilespmem:v4+s4+$0x0], $0xffff;
	s19 =	sor.u32 @!p1 s3, s9;
	[tilespmem:s12+$0xC0] =	vst v19  }
0xb1: {  	s11 =	sadd.s32 $0xFFFFFFE0, s11;
	s15 =	smul.u32 $0xE00, s15;
	s14 =	smin.u32 @!p1 s19, $0xB45;
	v8 =	vld.idx.msk [tilespmem:v12+s4+$0x0], $0xffff;
	[tilespmem:s12+$0xA0] =	vst v23  }
0xb2: {  	s17 =	sor.u32 $0x50, s23;
	s18 =	sor.u32 $0x70, s25;
	[tilespmem:s16+$0x10000] =	vst v27;
	s16 =	smulhi.u32 @!p1 $0x24E6A18, s14;
	v3 =	vld.idx.msk [tilespmem:v3+s4+$0x0], $0xffff  }
0xb3: {  	s11 =	sor.u32 $0x50, s11;
	s23 =	simm.s32 $0x1;
	s13 =	smul.u32 $0x61A80, s22;
	[tilespmem:s17+$0x10000] =	vst v7  }
0xb4: {  	s10 =	simm.s32 $0x4;
	s22 =	simm.s32 $0x0;
	[tilespmem:s18+$0x10000] =	vst v5;
	s18 =	smul.u32 @!p1 $0x6F, s16  }
0xb5: {  	v2 =	vmov s22;
	s22 =	simm.s32 $0xA;
	s21 =	sadd.s32 s15, s13;
	s7 =	simm.s32 $0x3;
	[tilespmem:s12+$0x90] =	vst v4  }
0xb6: {  	s17 =	sor.u32 $0x30, s20;
	[tilespmem:s11+$0x10000] =	vst v8;
	s13 =	ssub.s32 @!p1 s14, s18;
	s14 =	smul.u32 @!p1 $0x30E000, s16  }
0xb7: {  	s19 =	simm.s32 $0x7;
	s11 =	sadd.s32 s5, s21;
	[tilespmem:s17+$0x10000] =	vst v3;
	s12 =	smul.u32 @!p1 $0x1C00, s13  }
0xb8: {  	[hbm4b:s11+s4] =	stream.linear.scatter [tilespmem:s31], [sflag:$0x3], $0x7000, $0x38;
	[tilespmem:$0x1E000] =	vst v63  }
0xb9: {  	v13 =	vmov s22;
	s22 =	simm.s32 $0x1A;
	v6 =	vmov s7;
	v10 =	vmov s19;
	s7 =	simm.s32 $0xD;
	s11 =	sadd.s32 @!p1 s14, s12  }
0xba: {  	v26 =	vand.u32 $0x7A, v13;
	v13 =	vshll.u32 v13, $0x3;
	s19 =	simm.s32 $0x17;
	v42 =	vmov s22;
	s20 =	simm.s32 $0x8;
	s11 =	sshrl.u32 @!p1 s11, $0x3  }
0xbb: {  	v4 =	vmov s23;
	v7 =	vmov s10;
	s23 =	simm.s32 $0xB;
	v16 =	vmov s7;
	s12 =	simm.s32 @!p1 $0x0;
	s11 =	sadd.s32 @!p1 s1, s11  }
0xbc: {  	v19 =	vand.u32 $0x73, v6;
	v6 =	vshll.u32 v6, $0x3;
	v13 =	vand.u32 $0x1C00, v13;
	[tilespmem:s12], [sflag:$0x1] =	stream.linear.gather @!p1 [hbm4b:s11+s12], $0x1C00, $0x38;
	[tilespmem:$0x1E000] =	vst v63  }
0xbd: {  	s15 =	simm.s32 @!p1 $0x2000;
	v62 =	vmov s19;
	s7 =	simm.s32 $0x1C;
	v11 =	vmov s20;
	v14 =	vmov s23;
	s14 =	sadd.s32 @!p1 $0x18700, s11  }
0xbe: {  	v17 =	vand.u32 $0x71, v4;
	v29 =	vand.u32 $0x7D, v16;
	v4 =	vshll.u32 v4, $0x3;
	[tilespmem:s15], [sflag:$0x1] =	stream.linear.gather @!p1 [hbm4b:s14+s12], $0x1C00, $0x38;
	[tilespmem:$0x1E000] =	vst v63  }
0xbf: {  	v6 =	vand.u32 $0x1C00, v6;
	v13 =	vor.u32 v26, v13;
	v63 =	vmov s7;
	s13 =	sadd.s32 @!p1 $0x30E00, s11;
	s14 =	simm.s32 @!p1 $0x4000  }
0xc0: {  	v24 =	vand.u32 $0x78, v11;
	v27 =	vand.u32 $0x7B, v14;
	v11 =	vshll.u32 v11, $0x3;
	[tilespmem:s14], [sflag:$0x1] =	stream.linear.gather @!p1 [hbm4b:s13+s12], $0x1C00, $0x38;
	[tilespmem:$0x1E000] =	vst v63  }
0xc1: {  	s23 =	simm.s32 $0x1B;
	v14 =	vshll.u32 v14, $0x3;
	v6 =	vor.u32 v19, v6;
	v26 =	vor.u32 v0, v13;
	s11 =	sadd.s32 @!p1 $0x49500, s11;
	s13 =	simm.s32 @!p1 $0x6000  }
0xc2: {  	v43 =	vmov s23;
	v20 =	vand.u32 $0x74, v7;
	v23 =	vand.u32 $0x77, v10;
	[tilespmem:s13], [sflag:$0x1] =	stream.linear.gather @!p1 [hbm4b:s11+s12], $0x1C00, $0x38;
	[tilespmem:$0x1E000] =	vst v63  }
0xc3: {  	v7 =	vshll.u32 v7, $0x3;
	v10 =	vshll.u32 v10, $0x3;
	v19 =	vor.u32 v0, v6;
	_ =	swait.ge [sflag:s30], $0x1C00  }
0xc4: {  	v11 =	vand.u32 $0x1C00, v11;
	v14 =	vand.u32 $0x1C00, v14;
	v6 =	vor.u32 v1, v6;
	[sflag:s30] =	ssyncset.done $0x0  }
0xc5: {  	v7 =	vand.u32 $0x1C00, v7;
	v10 =	vand.u32 $0x1C00, v10;
	v11 =	vor.u32 v24, v11;
	[sflag:s30] =	ssyncadd.s32 $0xFFFFE400  }
0xc6: {  	v14 =	vor.u32 v27, v14;
	v7 =	vor.u32 v20, v7;
	v10 =	vor.u32 v23, v10;
	_ =	swait.ge [sflag:s30], $0x1C00  }
0xc7: {  	s25 =	simm.s32 $0x2;
	v24 =	vor.u32 v0, v11;
	v3 =	vand.u32 $0x70, v2;
	v2 =	vshll.u32 v2, $0x3;
	s17 =	simm.s32 $0x5;
	[sflag:s30] =	ssyncset.done $0x0  }
0xc8: {  	v5 =	vmov s25;
	v8 =	vmov s17;
	v2 =	vand.u32 $0x1C00, v2;
	[sflag:s30] =	ssyncadd.s32 $0xFFFFE400  }
0xc9: {  	v18 =	vand.u32 $0x72, v5;
	v5 =	vshll.u32 v5, $0x3;
	v21 =	vand.u32 $0x75, v8;
	_ =	swait.ge [sflag:s30], $0x1C00  }
0xca: {  	s18 =	simm.s32 $0x6;
	v8 =	vshll.u32 v8, $0x3;
	v2 =	vor.u32 v3, v2;
	v3 =	vand.u32 $0x1C00, v4;
	[sflag:s30] =	ssyncset.done $0x0  }
0xcb: {  	v4 =	vshll.u32 v16, $0x3;
	v5 =	vand.u32 $0x1C00, v5;
	v9 =	vmov s18;
	[sflag:s30] =	ssyncadd.s32 $0xFFFFE400  }
0xcc: {  	v16 =	vor.u32 v0, v2;
	v3 =	vor.u32 v17, v3;
	v8 =	vand.u32 $0x1C00, v8;
	_ =	swait.ge [sflag:s30], $0x1C00  }
0xcd: {  	v5 =	vor.u32 v18, v5;
	v22 =	vand.u32 $0x76, v9;
	v9 =	vshll.u32 v9, $0x3;
	[sflag:s30] =	ssyncset.done $0x0  }
0xce: {  	s10 =	simm.s32 $0xF;
	v17 =	vor.u32 v0, v3;
	v18 =	vor.u32 v0, v5;
	v9 =	vand.u32 $0x1C00, v9;
	[sflag:s30] =	ssyncadd.s32 $0xFFFFE400  }
0xcf: {  	s21 =	simm.s32 $0x9;
	v8 =	vor.u32 v21, v8;
	v21 =	vor.u32 v22, v9;
	v9 =	vmov s10;
	_ =	swait.ge [sflag:s0], $0x7000  }
0xd0: {  	v12 =	vmov s21;
	v20 =	vor.u32 v0, v7;
	v23 =	vshll.u32 v9, $0x3;
	[sflag:s0] =	ssyncset.done $0x0  }
0xd1: {  	v31 =	vor.u32 v0, v10;
	v9 =	vand.u32 $0x7F, v9;
	v23 =	vand.u32 $0x1C00, v23;
	[sflag:s0] =	ssyncadd.s32 $0xFFFF9000  }
0xd2: {  	v25 =	vand.u32 $0x79, v12;
	s25 =	simm.s32 $0xC;
	v22 =	vor.u32 v0, v8;
	v23 =	vor.u32 v9, v23;
	v9 =	vld.idx.msk [tilespmem:v16+s26+$0x0], $0xffff  }
0xd3: {  	v12 =	vshll.u32 v12, $0x3;
	v15 =	vmov s25;
	v30 =	vor.u32 v0, v21;
	v17 =	vld.idx.msk [tilespmem:v17+s26+$0x0], $0xffff  }
0xd4: {  	v12 =	vand.u32 $0x1C00, v12;
	v28 =	vand.u32 $0x7C, v15;
	v15 =	vshll.u32 v15, $0x3;
	v18 =	vld.idx.msk [tilespmem:v18+s26+$0x0], $0xffff  }
0xd5: {  	v27 =	vor.u32 v0, v14;
	v12 =	vor.u32 v25, v12;
	v15 =	vand.u32 $0x1C00, v15;
	v19 =	vld.idx.msk [tilespmem:v19+s26+$0x0], $0xffff  }
0xd6: {  	v11 =	vor.u32 v1, v11;
	v25 =	vor.u32 v0, v12;
	v15 =	vor.u32 v28, v15;
	v20 =	vld.idx.msk [tilespmem:v20+s26+$0x0], $0xffff  }
0xd7: {  	v14 =	vor.u32 v1, v14;
	v4 =	vand.u32 $0x1C00, v4;
	v28 =	vor.u32 v0, v15;
	v22 =	vld.idx.msk [tilespmem:v22+s26+$0x0], $0xffff  }
0xd8: {  	v7 =	vor.u32 v1, v7;
	s17 =	simm.s32 $0xE;
	v4 =	vor.u32 v29, v4;
	v16 =	vor.u32 v0, v23;
	v30 =	vld.idx.msk [tilespmem:v30+s26+$0x0], $0xffff  }
0xd9: {  	v12 =	vor.u32 v1, v12;
	s16 =	simm.s32 $0x15;
	v39 =	vmov s17;
	v59 =	vor.u32 v0, v4;
	v31 =	vld.idx.msk [tilespmem:v31+s26+$0x0], $0xffff  }
0xda: {  	s25 =	simm.s32 $0x10;
	v61 =	vmov s16;
	v41 =	vshll.u32 v39, $0x3;
	v3 =	vor.u32 v1, v3;
	s11 =	simm.s32 $0x17100;
	v24 =	vld.idx.msk [tilespmem:v24+s26+$0x0], $0xffff  }
0xdb: {  	s18 =	simm.s32 $0x16;
	v56 =	vor.u32 v1, v2;
	v29 =	vmov s25;
	v5 =	vor.u32 v1, v5;
	v25 =	vld.idx.msk [tilespmem:v25+s26+$0x0], $0xffff;
	[tilespmem:s11+$0xFFFFFF20] =	vst v17  }
0xdc: {  	v40 =	vmov s18;
	v51 =	vand.u32 $0x75, v61;
	v33 =	vand.u32 $0x70, v29;
	v28 =	vld.idx.msk [tilespmem:v28+s26+$0x0], $0xffff;
	[tilespmem:s11+$0xFFFFFF40] =	vst v18  }
0xdd: {  	v29 =	vshll.u32 v29, $0x3;
	v15 =	vor.u32 v1, v15;
	v53 =	vor.u32 v1, v4;
	s10 =	simm.s32 $0x1D;
	v16 =	vld.idx.msk [tilespmem:v16+s26+$0x0], $0xffff;
	[tilespmem:s11+$0xFFFFFF60] =	vst v19  }
0xde: {  	v4 =	vand.u32 $0x7C, v63;
	v29 =	vand.u32 $0x1C00, v29;
	v44 =	vmov s10;
	s15 =	simm.s32 $0x14;
	s14 =	simm.s32 $0x13;
	[tilespmem:s11+$0xFFFFFF80] =	vst v20;
	v20 =	vld.idx.msk [tilespmem:v59+s26+$0x0], $0xffff  }
0xdf: {  	v2 =	vor.u32 v33, v29;
	v60 =	vmov s15;
	v36 =	vmov s14;
	[tilespmem:s11+$0xFFFFFFA0] =	vst v22;
	v45 =	vld.idx.msk [tilespmem:v3+s26+$0x0], $0xffff  }
0xe0: {  	v50 =	vand.u32 $0x74, v60;
	s12 =	simm.s32 $0x11;
	s13 =	simm.s32 $0x12;
	v48 =	vand.u32 $0x73, v36;
	v17 =	vor.u32 v1, v8;
	[tilespmem:s11+$0xFFFFFFC0] =	vst v30;
	v30 =	vld.idx.msk [tilespmem:v5+s26+$0x0], $0xffff  }
0xe1: {  	v34 =	vmov s12;
	v35 =	vmov s13;
	v18 =	vor.u32 v1, v21;
	[tilespmem:s11+$0xFFFFFFE0] =	vst v31;
	v49 =	vld.idx.msk [tilespmem:v6+s26+$0x0], $0xffff  }
0xe2: {  	v46 =	vand.u32 $0x71, v34;
	v47 =	vand.u32 $0x72, v35;
	v23 =	vor.u32 v1, v23;
	[tilespmem:s11+$0x80] =	vst v28;
	v31 =	vld.idx.msk [tilespmem:v7+s26+$0x0], $0xffff  }
0xe3: {  	v58 =	vshll.u32 v35, $0x3;
	v8 =	vand.u32 $0x7E, v39;
	v19 =	vor.u32 v1, v10;
	[tilespmem:s11+$0x0] =	vst v24;
	v28 =	vld.idx.msk [tilespmem:v15+s26+$0x0], $0xffff  }
0xe4: {  	v22 =	vor.u32 v1, v13;
	v13 =	vand.u32 $0x76, v40;
	[tilespmem:s11+$0xE0] =	vst v16;
	v16 =	vld.idx.msk [tilespmem:v26+s26+$0x0], $0xffff;
	v26 =	vand.u32 $0x1C00, v41  }
0xe5: {  	v10 =	vand.u32 $0x77, v62;
	[tilespmem:s11+$0x20] =	vst v25;
	v59 =	vshll.u32 v36, $0x3;
	v54 =	vld.idx.msk [tilespmem:v17+s26+$0x0], $0xffff;
	v21 =	vor.u32 v8, v26  }
0xe6: {  	v62 =	vshll.u32 v62, $0x3;
	[tilespmem:s11+$0xFFFFFF00] =	vst v9;
	v9 =	vor.u32 v0, v2;
	v55 =	vld.idx.msk [tilespmem:v18+s26+$0x0], $0xffff;
	v8 =	vor.u32 v0, v21  }
0xe7: {  	v7 =	vand.u32 $0x7A, v42;
	v5 =	vand.u32 $0x7B, v43;
	v15 =	vand.u32 $0x1C00, v59;
	[tilespmem:s11+$0xA0] =	vst v20;
	v23 =	vld.idx.msk [tilespmem:v23+s26+$0x0], $0xffff  }
0xe8: {  	s21 =	simm.s32 $0x19;
	v3 =	vand.u32 $0x7D, v44;
	v36 =	vand.u32 $0x1C00, v62;
	v15 =	vor.u32 v48, v15;
	v26 =	vld.idx.msk [tilespmem:v27+s26+$0x0], $0xffff;
	[tilespmem:s11+$0xFFFFFF30] =	vst v45  }
0xe9: {  	v33 =	vor.u32 v0, v15;
	v41 =	vmov s21;
	v19 =	vld.idx.msk [tilespmem:v19+s26+$0x0], $0xffff;
	v18 =	vshll.u32 v34, $0x3;
	[tilespmem:s11+$0xFFFFFF50] =	vst v30  }
0xea: {  	s20 =	simm.s32 $0x18;
	s12 =	simm.s32 $0x1E0;
	v20 =	vshll.u32 v43, $0x3;
	v17 =	vshll.u32 v63, $0x3;
	[tilespmem:s11+$0x40] =	vst v16;
	v16 =	vor.u32 v1, v21;
	v21 =	vld.idx.msk [tilespmem:v11+s26+$0x0], $0xffff  }
0xeb: {  	s14 =	sor.u32 $0x70, s12;
	v27 =	vmov s20;
	v6 =	vand.u32 $0x79, v41;
	v24 =	vshll.u32 v41, $0x3;
	[tilespmem:s11+$0xFFFFFF70] =	vst v49;
	v52 =	vld.idx.msk [tilespmem:v8+s26+$0x0], $0xffff  }
0xec: {  	s22 =	simm.s32 $0x1C0;
	s23 =	simm.s32 $0x160;
	s17 =	simm.s32 $0xE0;
	v11 =	vshll.u32 v60, $0x3;
	v60 =	vshll.u32 v61, $0x3;
	v61 =	vshll.u32 v40, $0x3;
	[tilespmem:s14+$0x17000] =	vst v23;
	v23 =	vld.idx.msk [tilespmem:v12+s26+$0x0], $0xffff  }
0xed: {  	s16 =	simm.s32 $0xC0;
	s18 =	simm.s32 $0x120;
	s15 =	simm.s32 $0xA0;
	[tilespmem:s11+$0x60] =	vst v26;
	v25 =	vld.idx.msk [tilespmem:v22+s26+$0x0], $0xffff;
	v22 =	vshll.u32 v42, $0x3;
	v12 =	vand.u32 $0x1C00, v18;
	v18 =	vshll.u32 v44, $0x3  }
0xee: {  	s19 =	sor.u32 $0x70, s17;
	s18 =	sor.u32 $0x30, s18;
	s13 =	sor.u32 $0x30, s15;
	[tilespmem:s11+$0xFFFFFF90] =	vst v31;
	v11 =	vand.u32 $0x1C00, v11;
	v26 =	vld.idx.msk [tilespmem:v14+s26+$0x0], $0xffff;
	v14 =	vand.u32 $0x1C00, v58;
	v12 =	vor.u32 v46, v12  }
0xef: {  	s10 =	sor.u32 $0x50, s16;
	s16 =	sor.u32 $0x70, s23;
	s21 =	simm.s32 $0x1A0;
	v29 =	vld.idx.msk [tilespmem:v53+s26+$0x0], $0xffff;
	[tilespmem:s13+$0x17000] =	vst v54;
	v63 =	vand.u32 $0x1C00, v60;
	v32 =	vor.u32 v0, v12;
	v14 =	vor.u32 v47, v14  }
0xf0: {  	s20 =	simm.s32 $0x140;
	s15 =	sor.u32 $0x30, s21;
	v31 =	vld.idx.msk [tilespmem:v56+s26+$0x0], $0xffff;
	s21 =	simm.s32 $0x1F;
	v35 =	vand.u32 $0x1C00, v61;
	v8 =	vand.u32 $0x78, v27;
	v34 =	vor.u32 v0, v14;
	[tilespmem:s11+$0xC0] =	vst v52  }
0xf1: {  	s17 =	sor.u32 $0x50, s20;
	s13 =	simm.s32 $0x20;
	[tilespmem:s10+$0x17000] =	vst v55;
	s14 =	sor.u32 $0x50, s22;
	v27 =	vshll.u32 v27, $0x3;
	v30 =	vld.idx.msk [tilespmem:v16+s26+$0x0], $0xffff;
	v16 =	vor.u32 v50, v11;
	v11 =	vor.u32 v51, v63  }
.LBB2_5:
0xf2: {  	p2 =	slt.u32 s13, $0x370;
	v37 =	vor.u32 v0, v16;
	v13 =	vor.u32 v13, v35;
	v35 =	vmov s21;
	[tilespmem:s19+$0x17000] =	vst v19  }
0xf3: {  	v19 =	vor.u32 v0, v11;
	v10 =	vor.u32 v10, v36;
	v9 =	vld.idx.msk [tilespmem:v9+s26+$0x0], $0xffff;
	v36 =	vshll.u32 v35, $0x3;
	[tilespmem:s11+$0x10] =	vst v21  }
0xf4: {  	v35 =	vand.u32 $0x7F, v35;
	v21 =	vld.idx.msk [tilespmem:v32+s26+$0x0], $0xffff;
	v32 =	vor.u32 v0, v13;
	v36 =	vand.u32 $0x1C00, v36;
	[tilespmem:s18+$0x17000] =	vst v23  }
0xf5: {  	v27 =	vand.u32 $0x1C00, v27;
	v23 =	vld.idx.msk [tilespmem:v34+s26+$0x0], $0xffff;
	v34 =	vor.u32 v0, v10;
	v35 =	vor.u32 v35, v36;
	[tilespmem:s17+$0x17000] =	vst v25  }
0xf6: {  	v24 =	vand.u32 $0x1C00, v24;
	v8 =	vor.u32 v8, v27;
	v25 =	vld.idx.msk [tilespmem:v33+s26+$0x0], $0xffff;
	v27 =	vor.u32 v0, v35;
	[tilespmem:s16+$0x17000] =	vst v26  }
0xf7: {  	v22 =	vand.u32 $0x1C00, v22;
	v6 =	vor.u32 v6, v24;
	v33 =	vor.u32 v0, v8;
	v26 =	vld.idx.msk [tilespmem:v37+s26+$0x0], $0xffff;
	[tilespmem:s11+$0x90] =	vst v28  }
0xf8: {  	v20 =	vand.u32 $0x1C00, v20;
	v7 =	vor.u32 v7, v22;
	v24 =	vor.u32 v0, v6;
	v19 =	vld.idx.msk [tilespmem:v19+s26+$0x0], $0xffff;
	[tilespmem:s15+$0x17000] =	vst v29  }
0xf9: {  	v17 =	vand.u32 $0x1C00, v17;
	v5 =	vor.u32 v5, v20;
	v28 =	vor.u32 v0, v7;
	v22 =	vld.idx.msk [tilespmem:v32+s26+$0x0], $0xffff;
	[tilespmem:s14+$0x17000] =	vst v30  }
0xfa: {  	v4 =	vor.u32 v4, v17;
	v17 =	vand.u32 $0x1C00, v18;
	v29 =	vor.u32 v0, v5;
	v20 =	vld.idx.msk [tilespmem:v34+s26+$0x0], $0xffff;
	[tilespmem:s11+$0xFFFFFF10] =	vst v31  }
0xfb: {  	v3 =	vor.u32 v3, v17;
	v30 =	vor.u32 v0, v4;
	v17 =	vld.idx.msk [tilespmem:v27+s26+$0x0], $0xffff  }
0xfc: {  	v32 =	vor.u32 v0, v3;
	v27 =	vmov s13;
	v31 =	vld.idx.msk [tilespmem:v33+s26+$0x0], $0xffff  }
0xfd: {  	s10 =	sadd.s32 $0x1, s13;
	s14 =	sadd.s32 $0x2, s13;
	v18 =	vand.u32 $0x70, v27;
	v27 =	vshll.u32 v27, $0x3;
	v33 =	vor.u32 v1, v35;
	v24 =	vld.idx.msk [tilespmem:v24+s26+$0x0], $0xffff  }
0xfe: {  	v12 =	vor.u32 v1, v12;
	v34 =	vmov s10;
	s10 =	sadd.s32 $0x3, s13;
	v35 =	vmov s14;
	s14 =	sadd.s32 $0x4, s13;
	v28 =	vld.idx.msk [tilespmem:v28+s26+$0x0], $0xffff  }
0xff: {  	v14 =	vor.u32 v1, v14;
	v36 =	vmov s10;
	s10 =	sadd.s32 $0x5, s13;
	v37 =	vmov s14;
	s14 =	sadd.s32 $0xE, s25;
	s25 =	smov.u32 s13;
	v29 =	vld.idx.msk [tilespmem:v29+s26+$0x0], $0xffff  }
0x100: {  	v15 =	vor.u32 v1, v15;
	s11 =	sadd.s32 $0x200, s11;
	v38 =	vmov s10;
	s10 =	sadd.s32 $0x6, s13;
	v39 =	vmov s14;
	v30 =	vld.idx.msk [tilespmem:v30+s26+$0x0], $0xffff  }
0x101: {  	v16 =	vor.u32 v1, v16;
	v40 =	vmov s10;
	v41 =	vshll.u32 v39, $0x3;
	v32 =	vld.idx.msk [tilespmem:v32+s26+$0x0], $0xffff;
	[tilespmem:s11+$0xE0] =	vst v17  }
0x102: {  	v11 =	vor.u32 v1, v11;
	s10 =	sadd.s32 $0x7, s13;
	v17 =	vand.u32 $0x7E, v39;
	[tilespmem:s11+$0xFFFFFF20] =	vst v21;
	v21 =	vand.u32 $0x1C00, v41;
	v33 =	vld.idx.msk [tilespmem:v33+s26+$0x0], $0xffff  }
0x103: {  	v13 =	vor.u32 v1, v13;
	s14 =	sadd.s32 $0x9, s13;
	v39 =	vmov s10;
	s10 =	sadd.s32 $0x8, s13;
	v12 =	vld.idx.msk [tilespmem:v12+s26+$0x0], $0xffff;
	[tilespmem:s11+$0xFFFFFF40] =	vst v23;
	v17 =	vor.u32 v17, v21  }
0x104: {  	v42 =	vmov s14;
	s14 =	sadd.s32 $0xB, s13;
	v41 =	vmov s10;
	s10 =	sadd.s32 $0xA, s13;
	v14 =	vld.idx.msk [tilespmem:v14+s26+$0x0], $0xffff;
	[tilespmem:s11+$0xFFFFFF60] =	vst v25;
	v21 =	vor.u32 v0, v17  }
0x105: {  	v44 =	vmov s14;
	s14 =	sadd.s32 $0xD, s13;
	v43 =	vmov s10;
	s10 =	sadd.s32 $0xC, s13;
	v23 =	vor.u32 v1, v10;
	v15 =	vld.idx.msk [tilespmem:v15+s26+$0x0], $0xffff;
	[tilespmem:s11+$0xFFFFFF80] =	vst v26  }
0x106: {  	s12 =	sadd.s32 $0x200, s12;
	v46 =	vmov s14;
	v45 =	vmov s10;
	v25 =	vor.u32 v1, v8;
	v16 =	vld.idx.msk [tilespmem:v16+s26+$0x0], $0xffff;
	[tilespmem:s11+$0xFFFFFFA0] =	vst v19  }
0x107: {  	s15 =	sor.u32 $0x70, s12;
	v48 =	vand.u32 $0x71, v34;
	v47 =	vand.u32 $0x1C00, v27;
	s14 =	sadd.s32 $0xFFFFFEE0, s12;
	s10 =	sadd.s32 $0xFFFFFEC0, s12;
	v11 =	vld.idx.msk [tilespmem:v11+s26+$0x0], $0xffff;
	[tilespmem:s11+$0xFFFFFFC0] =	vst v22;
	v22 =	vor.u32 v1, v6  }
0x108: {  	s22 =	sadd.s32 $0xFFFFFF60, s12;
	s17 =	sadd.s32 $0xFFFFFF40, s12;
	s16 =	sadd.s32 $0xFFFFFF00, s12;
	v50 =	vand.u32 $0x73, v36;
	v49 =	vand.u32 $0x72, v35;
	v26 =	vor.u32 v1, v7;
	v51 =	vld.idx.msk [tilespmem:v13+s26+$0x0], $0xffff;
	[tilespmem:s15+$0x17000] =	vst v33  }
0x109: {  	s7 =	sadd.s32 $0xFFFFFFC0, s12;
	s23 =	sadd.s32 $0xFFFFFFE0, s12;
	v53 =	vand.u32 $0x75, v38;
	v52 =	vand.u32 $0x74, v37;
	s15 =	sadd.s32 $0xFFFFFF80, s12;
	[tilespmem:s11+$0xFFFFFFE0] =	vst v20;
	v20 =	vor.u32 v1, v5;
	v33 =	vld.idx.msk [tilespmem:v21+s26+$0x0], $0xffff  }
0x10a: {  	s19 =	sor.u32 $0x70, s16;
	v27 =	vor.u32 v1, v4;
	s20 =	sor.u32 $0x50, s14;
	v10 =	vand.u32 $0x77, v39;
	s21 =	sor.u32 $0x30, s10;
	v13 =	vand.u32 $0x76, v40;
	v19 =	vld.idx.msk [tilespmem:v23+s26+$0x0], $0xffff;
	[tilespmem:s11+$0x0] =	vst v31  }
0x10b: {  	s18 =	sor.u32 $0x30, s17;
	s17 =	sor.u32 $0x50, s22;
	v8 =	vand.u32 $0x78, v41;
	v6 =	vand.u32 $0x79, v42;
	s16 =	sor.u32 $0x70, s15;
	v31 =	vor.u32 v1, v3;
	v21 =	vld.idx.msk [tilespmem:v25+s26+$0x0], $0xffff;
	[tilespmem:s11+$0x20] =	vst v24  }
0x10c: {  	s14 =	sor.u32 $0x50, s23;
	v54 =	vor.u32 v1, v17;
	v7 =	vand.u32 $0x7A, v43;
	v5 =	vand.u32 $0x7B, v44;
	s15 =	sor.u32 $0x30, s7;
	v23 =	vld.idx.msk [tilespmem:v22+s26+$0x0], $0xffff;
	[tilespmem:s11+$0x40] =	vst v28  }
0x10d: {  	v55 =	vor.u32 v1, v2;
	v4 =	vand.u32 $0x7C, v45;
	v3 =	vand.u32 $0x7D, v46;
	v25 =	vld.idx.msk [tilespmem:v26+s26+$0x0], $0xffff;
	[tilespmem:s11+$0x60] =	vst v29  }
0x10e: {  	v34 =	vshll.u32 v34, $0x3;
	v36 =	vshll.u32 v36, $0x3;
	v35 =	vshll.u32 v35, $0x3;
	v26 =	vld.idx.msk [tilespmem:v20+s26+$0x0], $0xffff;
	[tilespmem:s11+$0x80] =	vst v30  }
0x10f: {  	v38 =	vshll.u32 v38, $0x3;
	v37 =	vshll.u32 v37, $0x3;
	v40 =	vshll.u32 v40, $0x3;
	v28 =	vld.idx.msk [tilespmem:v27+s26+$0x0], $0xffff;
	[tilespmem:s11+$0xA0] =	vst v32  }
0x110: {  	v39 =	vshll.u32 v39, $0x3;
	v24 =	vshll.u32 v42, $0x3;
	v27 =	vshll.u32 v41, $0x3;
	v29 =	vld.idx.msk [tilespmem:v31+s26+$0x0], $0xffff;
	[tilespmem:s11+$0xC0] =	vst v33  }
0x111: {  	v17 =	vshll.u32 v45, $0x3;
	v22 =	vshll.u32 v43, $0x3;
	v20 =	vshll.u32 v44, $0x3;
	[tilespmem:s11+$0xFFFFFF00] =	vst v9;
	v30 =	vld.idx.msk [tilespmem:v54+s26+$0x0], $0xffff  }
0x112: {  	v2 =	vor.u32 v18, v47;
	v18 =	vshll.u32 v46, $0x3;
	v32 =	vand.u32 $0x1C00, v34;
	v31 =	vld.idx.msk [tilespmem:v55+s26+$0x0], $0xffff;
	[tilespmem:s11+$0xFFFFFF30] =	vst v12  }
.Ltmp1:
0x113: {  	v36 =	vand.u32 $0x1C00, v36;
	v37 =	vand.u32 $0x1C00, v37;
	v33 =	vand.u32 $0x1C00, v35;
	[tilespmem:s11+$0xFFFFFF50] =	vst v14;
	(pc) =	sbr.rel @p2 .LBB2_5-.Ltmp1, $4  }
0x114: {  	v38 =	vand.u32 $0x1C00, v38;
	v9 =	vor.u32 v0, v2;
	v12 =	vor.u32 v48, v32;
	[tilespmem:s11+$0xFFFFFF70] =	vst v15  }
0x115: {  	v35 =	vand.u32 $0x1C00, v40;
	v32 =	vor.u32 v0, v12;
	v14 =	vor.u32 v49, v33;
	[tilespmem:s11+$0xFFFFFF90] =	vst v16  }
0x116: {  	v34 =	vor.u32 v0, v14;
	v15 =	vor.u32 v50, v36;
	v36 =	vand.u32 $0x1C00, v39;
	[tilespmem:s21+$0x17000] =	vst v11  }
0x117: {  	s13 =	sadd.s32 $0x10, s13;
	v33 =	vor.u32 v0, v15;
	v16 =	vor.u32 v52, v37;
	v11 =	vor.u32 v53, v38;
	s21 =	sadd.s32 $0xF, s25;
	[tilespmem:s20+$0x17000] =	vst v51  }
0x118: {  	[tilespmem:s19+$0x17000] =	vst v19  }
0x119: {  	[tilespmem:s11+$0x10] =	vst v21  }
0x11a: {  	[tilespmem:s18+$0x17000] =	vst v23  }
0x11b: {  	v61 =	vor.u32 v0, v16;
	[tilespmem:s17+$0x17000] =	vst v25  }
0x11c: {  	v62 =	vor.u32 v0, v11;
	v10 =	vor.u32 v10, v36;
	[tilespmem:s16+$0x17000] =	vst v26;
	v36 =	vld.idx.msk [tilespmem:v32+s26+$0x0], $0xffff  }
0x11d: {  	v37 =	vmov s21;
	[tilespmem:s11+$0x90] =	vst v28;
	v40 =	vld.idx.msk [tilespmem:v34+s26+$0x0], $0xffff;
	v39 =	vor.u32 v0, v10  }
0x11e: {  	v27 =	vand.u32 $0x1C00, v27;
	v24 =	vand.u32 $0x1C00, v24;
	[tilespmem:s15+$0x17000] =	vst v29;
	v42 =	vld.idx.msk [tilespmem:v33+s26+$0x0], $0xffff;
	v12 =	vor.u32 v1, v12  }
0x11f: {  	v22 =	vand.u32 $0x1C00, v22;
	[tilespmem:s14+$0x17000] =	vst v30;
	v20 =	vand.u32 $0x1C00, v20;
	v14 =	vor.u32 v1, v14;
	v9 =	vld.idx.msk [tilespmem:v9+s26+$0x0], $0xffff  }
0x120: {  	[tilespmem:s11+$0xFFFFFF10] =	vst v31;
	s11 =	sadd.s32 $0x200, s11;
	v17 =	vand.u32 $0x1C00, v17;
	v15 =	vor.u32 v1, v15;
	v2 =	vor.u32 v1, v2;
	v19 =	vld.idx.msk [tilespmem:v61+s26+$0x0], $0xffff  }
0x121: {  	v18 =	vand.u32 $0x1C00, v18;
	v8 =	vor.u32 v8, v27;
	v6 =	vor.u32 v6, v24;
	v21 =	vld.idx.msk [tilespmem:v62+s26+$0x0], $0xffff;
	[tilespmem:s11+$0xFFFFFF20] =	vst v36  }
0x122: {  	v38 =	vshll.u32 v37, $0x3;
	v7 =	vor.u32 v7, v22;
	v43 =	vor.u32 v0, v8;
	[tilespmem:s11+$0xFFFFFF40] =	vst v40;
	v49 =	vld.idx.msk [tilespmem:v39+s26+$0x0], $0xffff  }
0x123: {  	s7 =	sadd.s32 $0xE, s25;
	v37 =	vand.u32 $0x7F, v37;
	v5 =	vor.u32 v5, v20;
	v24 =	vor.u32 v0, v6;
	[tilespmem:s11+$0xFFFFFF60] =	vst v42;
	v12 =	vld.idx.msk [tilespmem:v12+s26+$0x0], $0xffff  }
0x124: {  	v4 =	vor.u32 v4, v17;
	v46 =	vmov s7;
	v22 =	vor.u32 v0, v7;
	[tilespmem:s11+$0xFFFFFF00] =	vst v9;
	v14 =	vld.idx.msk [tilespmem:v14+s26+$0x0], $0xffff  }
0x125: {  	v3 =	vor.u32 v3, v18;
	v38 =	vand.u32 $0x1C00, v38;
	v45 =	vor.u32 v0, v5;
	v15 =	vld.idx.msk [tilespmem:v15+s26+$0x0], $0xffff;
	[tilespmem:s11+$0xFFFFFF80] =	vst v19  }
0x126: {  	v47 =	vor.u32 v0, v4;
	v48 =	vshll.u32 v46, $0x3;
	v17 =	vand.u32 $0x7E, v46;
	v2 =	vld.idx.msk [tilespmem:v2+s26+$0x0], $0xffff;
	[tilespmem:s11+$0xFFFFFFA0] =	vst v21  }
0x127: {  	v52 =	vor.u32 v0, v3;
	v37 =	vor.u32 v37, v38;
	v50 =	vand.u32 $0x1C00, v48;
	v51 =	vld.idx.msk [tilespmem:v43+s26+$0x0], $0xffff;
	[tilespmem:s11+$0xFFFFFFE0] =	vst v49  }
0x128: {  	v38 =	vor.u32 v0, v37;
	v17 =	vor.u32 v17, v50;
	v53 =	vld.idx.msk [tilespmem:v24+s26+$0x0], $0xffff;
	[tilespmem:s11+$0xFFFFFF30] =	vst v12  }
0x129: {  	v54 =	vor.u32 v0, v17;
	v55 =	vld.idx.msk [tilespmem:v22+s26+$0x0], $0xffff;
	[tilespmem:s11+$0xFFFFFF50] =	vst v14  }
0x12a: {  	v59 =	vor.u32 v1, v16;
	v56 =	vld.idx.msk [tilespmem:v45+s26+$0x0], $0xffff;
	[tilespmem:s11+$0xFFFFFF70] =	vst v15  }
0x12b: {  	v60 =	vor.u32 v1, v11;
	v57 =	vld.idx.msk [tilespmem:v47+s26+$0x0], $0xffff;
	[tilespmem:s11+$0xFFFFFF10] =	vst v2  }
0x12c: {  	v13 =	vor.u32 v13, v35;
	v10 =	vor.u32 v1, v10;
	v58 =	vld.idx.msk [tilespmem:v52+s26+$0x0], $0xffff;
	[tilespmem:s11+$0x0] =	vst v51  }
0x12d: {  	v63 =	vld.idx.msk [tilespmem:v38+s26+$0x0], $0xffff;
	v38 =	vor.u32 v0, v13;
	[tilespmem:s11+$0x20] =	vst v53  }
0x12e: {  	v8 =	vor.u32 v1, v8;
	v19 =	vld.idx.msk [tilespmem:v54+s26+$0x0], $0xffff;
	[tilespmem:s11+$0x40] =	vst v55  }
0x12f: {  	v41 =	vor.u32 v1, v37;
	v16 =	vld.idx.msk [tilespmem:v59+s26+$0x0], $0xffff;
	[tilespmem:s11+$0x60] =	vst v56  }
0x130: {  	v6 =	vor.u32 v1, v6;
	v11 =	vld.idx.msk [tilespmem:v60+s26+$0x0], $0xffff;
	[tilespmem:s11+$0x80] =	vst v57  }
0x131: {  	v7 =	vor.u32 v1, v7;
	[tilespmem:s11+$0xA0] =	vst v58;
	v10 =	vld.idx.msk [tilespmem:v10+s26+$0x0], $0xffff  }
0x132: {  	s12 =	sadd.s32 $0x200, s12;
	v5 =	vor.u32 v1, v5;
	[tilespmem:s11+$0xE0] =	vst v63;
	v44 =	vld.idx.msk [tilespmem:v38+s26+$0x0], $0xffff  }
0x133: {  	s23 =	sadd.s32 $0xFFFFFEC0, s12;
	v13 =	vor.u32 v1, v13;
	v8 =	vld.idx.msk [tilespmem:v8+s26+$0x0], $0xffff;
	[tilespmem:s11+$0xC0] =	vst v19  }
0x134: {  	s13 =	sor.u32 $0x20, s24;
	s24 =	sadd.s32 $0xFFFFFF00, s12;
	v4 =	vor.u32 v1, v4;
	s7 =	sor.u32 $0x30, s23;
	v27 =	vld.idx.msk [tilespmem:v41+s26+$0x0], $0xffff;
	[tilespmem:s11+$0xFFFFFF90] =	vst v16  }
0x135: {  	s16 =	sor.u32 $0x70, s24;
	v62 =	vor.u32 v1, v17;
	v6 =	vld.idx.msk [tilespmem:v6+s26+$0x0], $0xffff;
	[tilespmem:s7+$0x17000] =	vst v11  }
0x136: {  	s9 =	sor.u32 @!p1 s6, s9;
	s25 =	smin.u32 s13, $0xB45;
	v3 =	vor.u32 v1, v3;
	v7 =	vld.idx.msk [tilespmem:v7+s26+$0x0], $0xffff;
	[tilespmem:s16+$0x17000] =	vst v10  }
0x137: {  	s9 =	smin.u32 @!p1 s9, $0xB45;
	s17 =	smulhi.u32 $0x24E6A18, s25;
	v5 =	vld.idx.msk [tilespmem:v5+s26+$0x0], $0xffff;
	[tilespmem:s11+$0xFFFFFFC0] =	vst v44  }
0x138: {  	s22 =	sor.u32 $0x70, s12;
	s18 =	sadd.s32 $0xFFFFFF40, s12;
	s14 =	smulhi.u32 @!p1 $0x24E6A18, s9;
	[tilespmem:s11+$0x10] =	vst v8;
	v61 =	vld.idx.msk [tilespmem:v13+s26+$0x0], $0xffff  }
0x139: {  	s19 =	sadd.s32 $0xFFFFFF60, s12;
	s21 =	sor.u32 $0x30, s18;
	v4 =	vld.idx.msk [tilespmem:v4+s26+$0x0], $0xffff;
	[tilespmem:s22+$0x17000] =	vst v27;
	s22 =	smul.u32 $0x6F, s17  }
0x13a: {  	s10 =	sadd.s32 $0xFFFFFEE0, s12;
	s20 =	sadd.s32 $0xFFFFFF80, s12;
	s15 =	sor.u32 $0x50, s19;
	v63 =	vld.idx.msk [tilespmem:v62+s26+$0x0], $0xffff;
	[tilespmem:s21+$0x17000] =	vst v6  }
0x13b: {  	s23 =	sor.u32 $0x70, s20;
	v3 =	vld.idx.msk [tilespmem:v3+s26+$0x0], $0xffff;
	[tilespmem:s15+$0x17000] =	vst v7;
	s15 =	smul.u32 @!p1 $0x6F, s14;
	s7 =	ssub.s32 s25, s22  }
0x13c: {  	s10 =	sor.u32 $0x50, s10;
	[tilespmem:s23+$0x17000] =	vst v5;
	s7 =	smul.u32 $0xE00, s7  }
0x13d: {  	s24 =	sadd.s32 $0xFFFFFFC0, s12;
	s12 =	sadd.s32 $0xFFFFFFE0, s12;
	[tilespmem:s10+$0x17000] =	vst v61;
	s10 =	smul.u32 $0x61A80, s17  }
0x13e: {  	s12 =	sor.u32 $0x50, s12;
	[tilespmem:s11+$0x90] =	vst v4;
	s9 =	ssub.s32 @!p1 s9, s15  }
0x13f: {  	[tilespmem:s12+$0x17000] =	vst v63;
	s9 =	smul.u32 @!p1 $0x1C00, s9;
	s25 =	sor.u32 $0x30, s24;
	s7 =	sadd.s32 s7, s10  }
0x140: {  	[tilespmem:s25+$0x17000] =	vst v3;
	s10 =	smul.u32 @!p1 $0x30E000, s14;
	s7 =	sadd.s32 s5, s7  }
0x141: {  	[hbm4b:s7+s4] =	stream.linear.scatter [tilespmem:s2], [sflag:$0x4], $0x7000, $0x38;
	[tilespmem:$0x1E000] =	vst v63  }
0x142: {  	s7 =	sadd.s32 @!p1 s10, s9  }
0x143: {  	s7 =	sshrl.u32 @!p1 s7, $0x3  }
0x144: {  	s9 =	simm.s32 @!p1 $0x0;
	s10 =	simm.s32 @!p1 $0x8000;
	s7 =	sadd.s32 @!p1 s1, s7  }
0x145: {  	[tilespmem:s10], [sflag:$0x2] =	stream.linear.gather @!p1 [hbm4b:s7+s9], $0x1C00, $0x38;
	[tilespmem:$0x1E000] =	vst v63  }
0x146: {  	s11 =	simm.s32 @!p1 $0xA000;
	s10 =	sadd.s32 @!p1 $0x18700, s7  }
0x147: {  	[tilespmem:s11], [sflag:$0x2] =	stream.linear.gather @!p1 [hbm4b:s10+s9], $0x1C00, $0x38;
	[tilespmem:$0x1E000] =	vst v63  }
0x148: {  	s10 =	sadd.s32 @!p1 $0x30E00, s7;
	s11 =	simm.s32 @!p1 $0xC000  }
0x149: {  	[tilespmem:s11], [sflag:$0x2] =	stream.linear.gather @!p1 [hbm4b:s10+s9], $0x1C00, $0x38;
	[tilespmem:$0x1E000] =	vst v63  }
0x14a: {  	p2 =	sne.s32 @!p1 s8, $0x2E;
	s7 =	sadd.s32 @!p1 $0x49500, s7;
	s10 =	simm.s32 @!p1 $0xE000  }
0x14b: {  	[tilespmem:s10], [sflag:$0x2] =	stream.linear.gather @!p1 [hbm4b:s7+s9], $0x1C00, $0x38;
	[tilespmem:$0x1E000] =	vst v63  }
0x14c: {  	p1 =	por p1, !p2  }
.Ltmp2:
0x14d: {  	_ = 	snop;
	(pc) =	sbr.rel @!p1 .LBB2_2-.Ltmp2, $2  }
0x14e: {  	_ =	sdelay $0x2  }
0x14f: {  	s9 =	smov.u32 s8  }
0x150: {  	_ =	swait.ge [sflag:s29], $0x7000  }
0x151: {  	s7 =	simm.s32 $0x0;
	s8 =	simm.s32 $0x1;
	s9 =	simm.s32 $0x2  }
0x152: {  	s19 =	simm.s32 $0x3;
	s10 =	simm.s32 $0x4;
	s20 =	simm.s32 $0x5;
	v2 =	vmov s7  }
0x153: {  	s21 =	simm.s32 $0x6;
	s22 =	simm.s32 $0x7;
	s23 =	simm.s32 $0x8;
	v4 =	vmov s8;
	v5 =	vmov s9;
	v6 =	vmov s19  }
0x154: {  	s24 =	simm.s32 $0x9;
	s25 =	simm.s32 $0xA;
	[sflag:s29] =	ssyncset.done $0x0;
	v7 =	vmov s10;
	v8 =	vmov s20;
	v9 =	vmov s21  }
0x155: {  	s11 =	simm.s32 $0xB;
	s12 =	simm.s32 $0xC;
	v10 =	vmov s22;
	v11 =	vmov s23;
	v12 =	vmov s24;
	[sflag:s29] =	ssyncadd.s32 $0xFFFF9000  }
0x156: {  	s13 =	simm.s32 $0xD;
	v13 =	vmov s25;
	v14 =	vmov s11;
	v15 =	vmov s12;
	_ =	swait.ge [sflag:s0], $0x7000  }
0x157: {  	v16 =	vmov s13;
	v3 =	vand.u32 $0x70, v2;
	v2 =	vshll.u32 v2, $0x3;
	[sflag:s0] =	ssyncset.done $0x0  }
0x158: {  	s23 =	simm.s32 $0x2000;
	v17 =	vand.u32 $0x71, v4;
	v18 =	vand.u32 $0x72, v5;
	v19 =	vand.u32 $0x73, v6;
	s14 =	rddreg [dreg:$0x10];
	[sflag:s0] =	ssyncadd.s32 $0xFFFF9000  }
0x159: {  	v20 =	vand.u32 $0x74, v7;
	v21 =	vand.u32 $0x75, v8;
	v22 =	vand.u32 $0x76, v9;
	[tilespmem:s7], [sflag:$0x1] =	stream.linear.gather [hbm4b:s14+s7], $0x1000, $0x38;
	[tilespmem:$0x1E000] =	vst v63  }
0x15a: {  	s24 =	simm.s32 $0x4000;
	s25 =	simm.s32 $0x6000;
	v23 =	vand.u32 $0x77, v10;
	v24 =	vand.u32 $0x78, v11;
	v25 =	vand.u32 $0x79, v12;
	s15 =	rddreg [dreg:$0x11]  }
0x15b: {  	v26 =	vand.u32 $0x7A, v13;
	v27 =	vand.u32 $0x7B, v14;
	v28 =	vand.u32 $0x7C, v15;
	[tilespmem:s23], [sflag:$0x1] =	stream.linear.gather [hbm4b:s15+s7], $0x1000, $0x38;
	[tilespmem:$0x1E000] =	vst v63  }
0x15c: {  	s19 =	simm.s32 $0x11;
	s20 =	simm.s32 $0x12;
	v29 =	vand.u32 $0x7D, v16;
	v4 =	vshll.u32 v4, $0x3;
	v5 =	vshll.u32 v5, $0x3;
	s16 =	rddreg [dreg:$0x12]  }
0x15d: {  	v6 =	vshll.u32 v6, $0x3;
	v7 =	vshll.u32 v7, $0x3;
	v8 =	vshll.u32 v8, $0x3;
	[tilespmem:s24], [sflag:$0x1] =	stream.linear.gather [hbm4b:s16+s7], $0x1000, $0x38;
	[tilespmem:$0x1E000] =	vst v63  }
0x15e: {  	s21 =	simm.s32 $0x13;
	s22 =	simm.s32 $0x14;
	v9 =	vshll.u32 v9, $0x3;
	v10 =	vshll.u32 v10, $0x3;
	v11 =	vshll.u32 v11, $0x3;
	s17 =	rddreg [dreg:$0x13]  }
0x15f: {  	v12 =	vshll.u32 v12, $0x3;
	v13 =	vshll.u32 v13, $0x3;
	v14 =	vshll.u32 v14, $0x3;
	[tilespmem:s25], [sflag:$0x1] =	stream.linear.gather [hbm4b:s17+s7], $0x1000, $0x38;
	[tilespmem:$0x1E000] =	vst v63  }
0x160: {  	s10 =	simm.s32 $0x15;
	s11 =	simm.s32 $0xE;
	v15 =	vshll.u32 v15, $0x3;
	v34 =	vmov s19;
	v35 =	vmov s20;
	_ =	swait.ge [sflag:s28], $0x1000  }
0x161: {  	s12 =	simm.s32 $0x16;
	s13 =	simm.s32 $0x17;
	v36 =	vmov s21;
	v37 =	vmov s22;
	v38 =	vmov s10;
	[sflag:s28] =	ssyncset.done $0x0  }
0x162: {  	v39 =	vmov s11;
	v40 =	vmov s12;
	v62 =	vmov s13;
	[sflag:s28] =	ssyncadd.s32 $0xFFFFF000  }
0x163: {  	v2 =	vand.u32 $0xC00, v2;
	v5 =	vand.u32 $0xC00, v5;
	v6 =	vand.u32 $0xC00, v6;
	_ =	swait.ge [sflag:s28], $0x1000  }
0x164: {  	v7 =	vand.u32 $0xC00, v7;
	v8 =	vand.u32 $0xC00, v8;
	v9 =	vand.u32 $0xC00, v9;
	[sflag:s28] =	ssyncset.done $0x0  }
0x165: {  	v10 =	vand.u32 $0xC00, v10;
	v11 =	vand.u32 $0xC00, v11;
	v2 =	vor.u32 v3, v2;
	[sflag:s28] =	ssyncadd.s32 $0xFFFFF000  }
0x166: {  	v3 =	vand.u32 $0xC00, v4;
	v4 =	vshll.u32 v16, $0x3;
	v5 =	vor.u32 v18, v5;
	_ =	swait.ge [sflag:s28], $0x1000  }
0x167: {  	v6 =	vor.u32 v19, v6;
	v16 =	vor.u32 v0, v2;
	v3 =	vor.u32 v17, v3;
	[sflag:s28] =	ssyncset.done $0x0  }
0x168: {  	s18 =	simm.s32 $0xF;
	v7 =	vor.u32 v20, v7;
	v8 =	vor.u32 v21, v8;
	v17 =	vor.u32 v0, v3;
	[sflag:s28] =	ssyncadd.s32 $0xFFFFF000  }
0x169: {  	v21 =	vor.u32 v22, v9;
	v9 =	vmov s18;
	v18 =	vor.u32 v0, v5;
	_ =	swait.ge [sflag:s28], $0x1000  }
0x16a: {  	v10 =	vor.u32 v23, v10;
	v19 =	vor.u32 v0, v6;
	v23 =	vshll.u32 v9, $0x3;
	[sflag:s28] =	ssyncset.done $0x0  }
0x16b: {  	v20 =	vor.u32 v0, v7;
	v9 =	vand.u32 $0x7F, v9;
	v23 =	vand.u32 $0xC00, v23;
	[sflag:s28] =	ssyncadd.s32 $0xFFFFF000  }
0x16c: {  	v12 =	vand.u32 $0xC00, v12;
	v22 =	vor.u32 v0, v8;
	v23 =	vor.u32 v9, v23;
	v9 =	vld.idx.msk [tilespmem:v16+s4+$0x0], $0xffff  }
0x16d: {  	v13 =	vand.u32 $0xC00, v13;
	v14 =	vand.u32 $0xC00, v14;
	v30 =	vor.u32 v0, v21;
	v17 =	vld.idx.msk [tilespmem:v17+s4+$0x0], $0xffff  }
0x16e: {  	v15 =	vand.u32 $0xC00, v15;
	v11 =	vor.u32 v24, v11;
	v31 =	vor.u32 v0, v10;
	v18 =	vld.idx.msk [tilespmem:v18+s4+$0x0], $0xffff  }
0x16f: {  	s19 =	simm.s32 $0x1D;
	v41 =	vshll.u32 v39, $0x3;
	v12 =	vor.u32 v25, v12;
	v24 =	vor.u32 v0, v11;
	v19 =	vld.idx.msk [tilespmem:v19+s4+$0x0], $0xffff  }
0x170: {  	v44 =	vmov s19;
	v15 =	vor.u32 v28, v15;
	v25 =	vor.u32 v0, v12;
	v20 =	vld.idx.msk [tilespmem:v20+s4+$0x0], $0xffff  }
0x171: {  	v46 =	vand.u32 $0x71, v34;
	v4 =	vand.u32 $0xC00, v4;
	v28 =	vor.u32 v0, v15;
	v22 =	vld.idx.msk [tilespmem:v22+s4+$0x0], $0xffff  }
0x172: {  	v47 =	vand.u32 $0x72, v35;
	v4 =	vor.u32 v29, v4;
	v16 =	vor.u32 v0, v23;
	v30 =	vld.idx.msk [tilespmem:v30+s4+$0x0], $0xffff  }
0x173: {  	v48 =	vand.u32 $0x73, v36;
	v50 =	vand.u32 $0x74, v37;
	v32 =	vor.u32 v0, v4;
	v31 =	vld.idx.msk [tilespmem:v31+s4+$0x0], $0xffff  }
0x174: {  	s9 =	simm.s32 $0x10100;
	v51 =	vand.u32 $0x75, v38;
	v58 =	vshll.u32 v35, $0x3;
	v3 =	vor.u32 v1, v3;
	v24 =	vld.idx.msk [tilespmem:v24+s4+$0x0], $0xffff  }
0x175: {  	v59 =	vshll.u32 v36, $0x3;
	v13 =	vor.u32 v26, v13;
	v5 =	vor.u32 v1, v5;
	v25 =	vld.idx.msk [tilespmem:v25+s4+$0x0], $0xffff;
	[tilespmem:s9+$0xFFFFFF20] =	vst v17  }
0x176: {  	v60 =	vshll.u32 v38, $0x3;
	v14 =	vor.u32 v27, v14;
	v6 =	vor.u32 v1, v6;
	v28 =	vld.idx.msk [tilespmem:v28+s4+$0x0], $0xffff;
	[tilespmem:s9+$0xFFFFFF40] =	vst v18  }
0x177: {  	v61 =	vshll.u32 v40, $0x3;
	v26 =	vor.u32 v0, v13;
	v7 =	vor.u32 v1, v7;
	v16 =	vld.idx.msk [tilespmem:v16+s4+$0x0], $0xffff;
	[tilespmem:s9+$0xFFFFFF60] =	vst v19  }
0x178: {  	s18 =	simm.s32 $0x1C;
	v35 =	vand.u32 $0xC00, v61;
	v27 =	vor.u32 v0, v14;
	v15 =	vor.u32 v1, v15;
	[tilespmem:s9+$0xFFFFFF80] =	vst v20;
	v20 =	vld.idx.msk [tilespmem:v32+s4+$0x0], $0xffff  }
0x179: {  	s8 =	simm.s32 $0x10;
	v63 =	vmov s18;
	v11 =	vor.u32 v1, v11;
	v12 =	vor.u32 v1, v12;
	[tilespmem:s9+$0xFFFFFFA0] =	vst v22;
	v45 =	vld.idx.msk [tilespmem:v3+s4+$0x0], $0xffff  }
0x17a: {  	v14 =	vor.u32 v1, v14;
	v29 =	vmov s8;
	v17 =	vor.u32 v1, v8;
	[tilespmem:s9+$0xFFFFFFC0] =	vst v30;
	v30 =	vld.idx.msk [tilespmem:v5+s4+$0x0], $0xffff  }
0x17b: {  	v33 =	vand.u32 $0x70, v29;
	v29 =	vshll.u32 v29, $0x3;
	v18 =	vor.u32 v1, v21;
	[tilespmem:s9+$0xFFFFFFE0] =	vst v31;
	v49 =	vld.idx.msk [tilespmem:v6+s4+$0x0], $0xffff  }
0x17c: {  	v56 =	vor.u32 v1, v2;
	v29 =	vand.u32 $0xC00, v29;
	v23 =	vor.u32 v1, v23;
	[tilespmem:s9+$0x80] =	vst v28;
	v31 =	vld.idx.msk [tilespmem:v7+s4+$0x0], $0xffff  }
0x17d: {  	v53 =	vor.u32 v1, v4;
	v4 =	vand.u32 $0x7C, v63;
	v2 =	vor.u32 v33, v29;
	[tilespmem:s9+$0x0] =	vst v24;
	v28 =	vld.idx.msk [tilespmem:v15+s4+$0x0], $0xffff  }
0x17e: {  	s16 =	simm.s32 $0x1A;
	s17 =	simm.s32 $0x1B;
	v8 =	vand.u32 $0x7E, v39;
	v19 =	vor.u32 v1, v10;
	[tilespmem:s9+$0xE0] =	vst v16;
	v16 =	vld.idx.msk [tilespmem:v26+s4+$0x0], $0xffff;
	v26 =	vand.u32 $0xC00, v41  }
0x17f: {  	v42 =	vmov s16;
	v43 =	vmov s17;
	[tilespmem:s9+$0x20] =	vst v25;
	v54 =	vld.idx.msk [tilespmem:v17+s4+$0x0], $0xffff;
	v21 =	vor.u32 v8, v26  }
0x180: {  	v22 =	vor.u32 v1, v13;
	v13 =	vand.u32 $0x76, v40;
	[tilespmem:s9+$0xFFFFFF00] =	vst v9;
	v55 =	vld.idx.msk [tilespmem:v18+s4+$0x0], $0xffff;
	v8 =	vor.u32 v0, v21  }
0x181: {  	v10 =	vand.u32 $0x77, v62;
	v62 =	vshll.u32 v62, $0x3;
	v9 =	vor.u32 v0, v2;
	[tilespmem:s9+$0xA0] =	vst v20;
	v23 =	vld.idx.msk [tilespmem:v23+s4+$0x0], $0xffff  }
0x182: {  	v7 =	vand.u32 $0x7A, v42;
	v5 =	vand.u32 $0x7B, v43;
	v15 =	vand.u32 $0xC00, v59;
	v26 =	vld.idx.msk [tilespmem:v27+s4+$0x0], $0xffff;
	[tilespmem:s9+$0xFFFFFF30] =	vst v45  }
0x183: {  	s15 =	simm.s32 $0x19;
	v3 =	vand.u32 $0x7D, v44;
	v36 =	vand.u32 $0xC00, v62;
	v15 =	vor.u32 v48, v15;
	v19 =	vld.idx.msk [tilespmem:v19+s4+$0x0], $0xffff;
	[tilespmem:s9+$0xFFFFFF50] =	vst v30  }
0x184: {  	s11 =	simm.s32 $0x1E0;
	v33 =	vor.u32 v0, v15;
	v41 =	vmov s15;
	[tilespmem:s9+$0x40] =	vst v16;
	v16 =	vor.u32 v1, v21;
	v21 =	vld.idx.msk [tilespmem:v11+s4+$0x0], $0xffff  }
0x185: {  	s20 =	sor.u32 $0x70, s11;
	s14 =	simm.s32 $0x18;
	v18 =	vshll.u32 v34, $0x3;
	v20 =	vshll.u32 v43, $0x3;
	v17 =	vshll.u32 v63, $0x3;
	[tilespmem:s9+$0xFFFFFF70] =	vst v49;
	v52 =	vld.idx.msk [tilespmem:v8+s4+$0x0], $0xffff  }
0x186: {  	s21 =	simm.s32 $0xA0;
	s22 =	simm.s32 $0xC0;
	s12 =	simm.s32 $0xE0;
	v63 =	vand.u32 $0xC00, v60;
	v27 =	vmov s14;
	v6 =	vand.u32 $0x79, v41;
	[tilespmem:s20+$0x10000] =	vst v23;
	v23 =	vld.idx.msk [tilespmem:v12+s4+$0x0], $0xffff  }
0x187: {  	s13 =	simm.s32 $0x120;
	s19 =	simm.s32 $0x1A0;
	s10 =	sor.u32 $0x50, s22;
	v24 =	vshll.u32 v41, $0x3;
	v11 =	vshll.u32 v37, $0x3;
	[tilespmem:s9+$0x60] =	vst v26;
	v25 =	vld.idx.msk [tilespmem:v22+s4+$0x0], $0xffff;
	v12 =	vand.u32 $0xC00, v18  }
0x188: {  	s18 =	sor.u32 $0x70, s12;
	s12 =	simm.s32 $0x20;
	s7 =	sor.u32 $0x30, s21;
	[tilespmem:s9+$0xFFFFFF90] =	vst v31;
	v22 =	vshll.u32 v42, $0x3;
	v26 =	vld.idx.msk [tilespmem:v14+s4+$0x0], $0xffff;
	v14 =	vand.u32 $0xC00, v58;
	v12 =	vor.u32 v46, v12  }
0x189: {  	s17 =	sor.u32 $0x30, s13;
	s15 =	simm.s32 $0x160;
	s14 =	simm.s32 $0x140;
	v29 =	vld.idx.msk [tilespmem:v53+s4+$0x0], $0xffff;
	[tilespmem:s7+$0x10000] =	vst v54;
	v18 =	vshll.u32 v44, $0x3;
	v32 =	vor.u32 v0, v12;
	v14 =	vor.u32 v47, v14  }
0x18a: {  	s15 =	sor.u32 $0x70, s15;
	v31 =	vld.idx.msk [tilespmem:v56+s4+$0x0], $0xffff;
	s16 =	sor.u32 $0x50, s14;
	v11 =	vand.u32 $0xC00, v11;
	s20 =	simm.s32 $0x1C0;
	v8 =	vand.u32 $0x78, v27;
	v34 =	vor.u32 v0, v14;
	[tilespmem:s9+$0xC0] =	vst v52  }
0x18b: {  	s14 =	sor.u32 $0x30, s19;
	[tilespmem:s10+$0x10000] =	vst v55;
	v27 =	vshll.u32 v27, $0x3;
	s13 =	sor.u32 $0x50, s20;
	s20 =	simm.s32 $0x1F;
	v30 =	vld.idx.msk [tilespmem:v16+s4+$0x0], $0xffff;
	v16 =	vor.u32 v50, v11;
	v11 =	vor.u32 v51, v63  }
.LBB2_8:
0x18c: {  	p1 =	slt.u32 s12, $0x1F0;
	v37 =	vor.u32 v0, v16;
	v13 =	vor.u32 v13, v35;
	v35 =	vmov s20;
	[tilespmem:s18+$0x10000] =	vst v19  }
0x18d: {  	v19 =	vor.u32 v0, v11;
	v10 =	vor.u32 v10, v36;
	v9 =	vld.idx.msk [tilespmem:v9+s4+$0x0], $0xffff;
	v36 =	vshll.u32 v35, $0x3;
	[tilespmem:s9+$0x10] =	vst v21  }
0x18e: {  	v35 =	vand.u32 $0x7F, v35;
	v21 =	vld.idx.msk [tilespmem:v32+s4+$0x0], $0xffff;
	v32 =	vor.u32 v0, v13;
	v36 =	vand.u32 $0xC00, v36;
	[tilespmem:s17+$0x10000] =	vst v23  }
0x18f: {  	v27 =	vand.u32 $0xC00, v27;
	v23 =	vld.idx.msk [tilespmem:v34+s4+$0x0], $0xffff;
	v34 =	vor.u32 v0, v10;
	v35 =	vor.u32 v35, v36;
	[tilespmem:s16+$0x10000] =	vst v25  }
0x190: {  	v24 =	vand.u32 $0xC00, v24;
	v8 =	vor.u32 v8, v27;
	v25 =	vld.idx.msk [tilespmem:v33+s4+$0x0], $0xffff;
	v27 =	vor.u32 v0, v35;
	[tilespmem:s15+$0x10000] =	vst v26  }
0x191: {  	v22 =	vand.u32 $0xC00, v22;
	v6 =	vor.u32 v6, v24;
	v33 =	vor.u32 v0, v8;
	v26 =	vld.idx.msk [tilespmem:v37+s4+$0x0], $0xffff;
	[tilespmem:s9+$0x90] =	vst v28  }
0x192: {  	v20 =	vand.u32 $0xC00, v20;
	v7 =	vor.u32 v7, v22;
	v24 =	vor.u32 v0, v6;
	v19 =	vld.idx.msk [tilespmem:v19+s4+$0x0], $0xffff;
	[tilespmem:s14+$0x10000] =	vst v29  }
0x193: {  	v17 =	vand.u32 $0xC00, v17;
	v5 =	vor.u32 v5, v20;
	v28 =	vor.u32 v0, v7;
	v22 =	vld.idx.msk [tilespmem:v32+s4+$0x0], $0xffff;
	[tilespmem:s13+$0x10000] =	vst v30  }
0x194: {  	v4 =	vor.u32 v4, v17;
	v17 =	vand.u32 $0xC00, v18;
	v29 =	vor.u32 v0, v5;
	v20 =	vld.idx.msk [tilespmem:v34+s4+$0x0], $0xffff;
	[tilespmem:s9+$0xFFFFFF10] =	vst v31  }
0x195: {  	v3 =	vor.u32 v3, v17;
	v30 =	vor.u32 v0, v4;
	v17 =	vld.idx.msk [tilespmem:v27+s4+$0x0], $0xffff  }
0x196: {  	v32 =	vor.u32 v0, v3;
	v27 =	vmov s12;
	v31 =	vld.idx.msk [tilespmem:v33+s4+$0x0], $0xffff  }
0x197: {  	s7 =	sadd.s32 $0x1, s12;
	s10 =	sadd.s32 $0x2, s12;
	v18 =	vand.u32 $0x70, v27;
	v27 =	vshll.u32 v27, $0x3;
	v33 =	vor.u32 v1, v35;
	v24 =	vld.idx.msk [tilespmem:v24+s4+$0x0], $0xffff  }
0x198: {  	v12 =	vor.u32 v1, v12;
	v34 =	vmov s7;
	s7 =	sadd.s32 $0x3, s12;
	v35 =	vmov s10;
	s10 =	sadd.s32 $0x4, s12;
	v28 =	vld.idx.msk [tilespmem:v28+s4+$0x0], $0xffff  }
0x199: {  	v14 =	vor.u32 v1, v14;
	v36 =	vmov s7;
	s7 =	sadd.s32 $0x5, s12;
	v37 =	vmov s10;
	s10 =	sadd.s32 $0xE, s8;
	s8 =	smov.u32 s12;
	v29 =	vld.idx.msk [tilespmem:v29+s4+$0x0], $0xffff  }
0x19a: {  	v15 =	vor.u32 v1, v15;
	s9 =	sadd.s32 $0x200, s9;
	v38 =	vmov s7;
	s7 =	sadd.s32 $0x6, s12;
	v39 =	vmov s10;
	v30 =	vld.idx.msk [tilespmem:v30+s4+$0x0], $0xffff  }
0x19b: {  	v16 =	vor.u32 v1, v16;
	v40 =	vmov s7;
	v41 =	vshll.u32 v39, $0x3;
	v32 =	vld.idx.msk [tilespmem:v32+s4+$0x0], $0xffff;
	[tilespmem:s9+$0xE0] =	vst v17  }
0x19c: {  	v11 =	vor.u32 v1, v11;
	s7 =	sadd.s32 $0x7, s12;
	v17 =	vand.u32 $0x7E, v39;
	[tilespmem:s9+$0xFFFFFF20] =	vst v21;
	v21 =	vand.u32 $0xC00, v41;
	v33 =	vld.idx.msk [tilespmem:v33+s4+$0x0], $0xffff  }
0x19d: {  	v13 =	vor.u32 v1, v13;
	s10 =	sadd.s32 $0x9, s12;
	v39 =	vmov s7;
	s7 =	sadd.s32 $0x8, s12;
	v12 =	vld.idx.msk [tilespmem:v12+s4+$0x0], $0xffff;
	[tilespmem:s9+$0xFFFFFF40] =	vst v23;
	v17 =	vor.u32 v17, v21  }
0x19e: {  	v42 =	vmov s10;
	s10 =	sadd.s32 $0xB, s12;
	v41 =	vmov s7;
	s7 =	sadd.s32 $0xA, s12;
	v14 =	vld.idx.msk [tilespmem:v14+s4+$0x0], $0xffff;
	[tilespmem:s9+$0xFFFFFF60] =	vst v25;
	v21 =	vor.u32 v0, v17  }
0x19f: {  	v44 =	vmov s10;
	s10 =	sadd.s32 $0xD, s12;
	v43 =	vmov s7;
	s7 =	sadd.s32 $0xC, s12;
	v23 =	vor.u32 v1, v10;
	v15 =	vld.idx.msk [tilespmem:v15+s4+$0x0], $0xffff;
	[tilespmem:s9+$0xFFFFFF80] =	vst v26  }
0x1a0: {  	s11 =	sadd.s32 $0x200, s11;
	v46 =	vmov s10;
	v45 =	vmov s7;
	v25 =	vor.u32 v1, v8;
	v16 =	vld.idx.msk [tilespmem:v16+s4+$0x0], $0xffff;
	[tilespmem:s9+$0xFFFFFFA0] =	vst v19  }
0x1a1: {  	s13 =	sor.u32 $0x70, s11;
	v48 =	vand.u32 $0x71, v34;
	v47 =	vand.u32 $0xC00, v27;
	s10 =	sadd.s32 $0xFFFFFEE0, s11;
	s7 =	sadd.s32 $0xFFFFFEC0, s11;
	v11 =	vld.idx.msk [tilespmem:v11+s4+$0x0], $0xffff;
	[tilespmem:s9+$0xFFFFFFC0] =	vst v22;
	v22 =	vor.u32 v1, v6  }
0x1a2: {  	s16 =	sadd.s32 $0xFFFFFF60, s11;
	s15 =	sadd.s32 $0xFFFFFF40, s11;
	s14 =	sadd.s32 $0xFFFFFF00, s11;
	v50 =	vand.u32 $0x73, v36;
	v49 =	vand.u32 $0x72, v35;
	v26 =	vor.u32 v1, v7;
	v51 =	vld.idx.msk [tilespmem:v13+s4+$0x0], $0xffff;
	[tilespmem:s13+$0x10000] =	vst v33  }
0x1a3: {  	s21 =	sadd.s32 $0xFFFFFFC0, s11;
	s22 =	sadd.s32 $0xFFFFFFE0, s11;
	v53 =	vand.u32 $0x75, v38;
	v52 =	vand.u32 $0x74, v37;
	s13 =	sadd.s32 $0xFFFFFF80, s11;
	[tilespmem:s9+$0xFFFFFFE0] =	vst v20;
	v20 =	vor.u32 v1, v5;
	v33 =	vld.idx.msk [tilespmem:v21+s4+$0x0], $0xffff  }
0x1a4: {  	s18 =	sor.u32 $0x70, s14;
	v27 =	vor.u32 v1, v4;
	s19 =	sor.u32 $0x50, s10;
	v10 =	vand.u32 $0x77, v39;
	s20 =	sor.u32 $0x30, s7;
	v13 =	vand.u32 $0x76, v40;
	v19 =	vld.idx.msk [tilespmem:v23+s4+$0x0], $0xffff;
	[tilespmem:s9+$0x0] =	vst v31  }
0x1a5: {  	s16 =	sor.u32 $0x50, s16;
	s17 =	sor.u32 $0x30, s15;
	v8 =	vand.u32 $0x78, v41;
	v6 =	vand.u32 $0x79, v42;
	s15 =	sor.u32 $0x70, s13;
	v31 =	vor.u32 v1, v3;
	v21 =	vld.idx.msk [tilespmem:v25+s4+$0x0], $0xffff;
	[tilespmem:s9+$0x20] =	vst v24  }
0x1a6: {  	s14 =	sor.u32 $0x30, s21;
	v54 =	vor.u32 v1, v17;
	v7 =	vand.u32 $0x7A, v43;
	v5 =	vand.u32 $0x7B, v44;
	s13 =	sor.u32 $0x50, s22;
	v23 =	vld.idx.msk [tilespmem:v22+s4+$0x0], $0xffff;
	[tilespmem:s9+$0x40] =	vst v28  }
0x1a7: {  	v55 =	vor.u32 v1, v2;
	v4 =	vand.u32 $0x7C, v45;
	v3 =	vand.u32 $0x7D, v46;
	v25 =	vld.idx.msk [tilespmem:v26+s4+$0x0], $0xffff;
	[tilespmem:s9+$0x60] =	vst v29  }
0x1a8: {  	v34 =	vshll.u32 v34, $0x3;
	v36 =	vshll.u32 v36, $0x3;
	v35 =	vshll.u32 v35, $0x3;
	v26 =	vld.idx.msk [tilespmem:v20+s4+$0x0], $0xffff;
	[tilespmem:s9+$0x80] =	vst v30  }
0x1a9: {  	v38 =	vshll.u32 v38, $0x3;
	v37 =	vshll.u32 v37, $0x3;
	v40 =	vshll.u32 v40, $0x3;
	v28 =	vld.idx.msk [tilespmem:v27+s4+$0x0], $0xffff;
	[tilespmem:s9+$0xA0] =	vst v32  }
0x1aa: {  	v39 =	vshll.u32 v39, $0x3;
	v24 =	vshll.u32 v42, $0x3;
	v27 =	vshll.u32 v41, $0x3;
	v29 =	vld.idx.msk [tilespmem:v31+s4+$0x0], $0xffff;
	[tilespmem:s9+$0xC0] =	vst v33  }
0x1ab: {  	v17 =	vshll.u32 v45, $0x3;
	v22 =	vshll.u32 v43, $0x3;
	v20 =	vshll.u32 v44, $0x3;
	[tilespmem:s9+$0xFFFFFF00] =	vst v9;
	v30 =	vld.idx.msk [tilespmem:v54+s4+$0x0], $0xffff  }
0x1ac: {  	v2 =	vor.u32 v18, v47;
	v18 =	vshll.u32 v46, $0x3;
	v32 =	vand.u32 $0xC00, v34;
	v31 =	vld.idx.msk [tilespmem:v55+s4+$0x0], $0xffff;
	[tilespmem:s9+$0xFFFFFF30] =	vst v12  }
.Ltmp3:
0x1ad: {  	v36 =	vand.u32 $0xC00, v36;
	v37 =	vand.u32 $0xC00, v37;
	v33 =	vand.u32 $0xC00, v35;
	[tilespmem:s9+$0xFFFFFF50] =	vst v14;
	(pc) =	sbr.rel @p1 .LBB2_8-.Ltmp3, $4  }
0x1ae: {  	v38 =	vand.u32 $0xC00, v38;
	v9 =	vor.u32 v0, v2;
	v12 =	vor.u32 v48, v32;
	[tilespmem:s9+$0xFFFFFF70] =	vst v15  }
0x1af: {  	v35 =	vand.u32 $0xC00, v40;
	v32 =	vor.u32 v0, v12;
	v14 =	vor.u32 v49, v33;
	[tilespmem:s9+$0xFFFFFF90] =	vst v16  }
0x1b0: {  	v34 =	vor.u32 v0, v14;
	v15 =	vor.u32 v50, v36;
	v36 =	vand.u32 $0xC00, v39;
	[tilespmem:s20+$0x10000] =	vst v11  }
0x1b1: {  	s12 =	sadd.s32 $0x10, s12;
	v33 =	vor.u32 v0, v15;
	v16 =	vor.u32 v52, v37;
	v11 =	vor.u32 v53, v38;
	s20 =	sadd.s32 $0xF, s8;
	[tilespmem:s19+$0x10000] =	vst v51  }
0x1b2: {  	[tilespmem:s18+$0x10000] =	vst v19  }
0x1b3: {  	[tilespmem:s9+$0x10] =	vst v21  }
0x1b4: {  	[tilespmem:s17+$0x10000] =	vst v23  }
0x1b5: {  	v61 =	vor.u32 v0, v16;
	[tilespmem:s16+$0x10000] =	vst v25  }
0x1b6: {  	v62 =	vor.u32 v0, v11;
	v10 =	vor.u32 v10, v36;
	[tilespmem:s15+$0x10000] =	vst v26;
	v36 =	vld.idx.msk [tilespmem:v32+s4+$0x0], $0xffff  }
0x1b7: {  	v37 =	vmov s20;
	[tilespmem:s9+$0x90] =	vst v28;
	v40 =	vld.idx.msk [tilespmem:v34+s4+$0x0], $0xffff;
	v39 =	vor.u32 v0, v10  }
0x1b8: {  	v27 =	vand.u32 $0xC00, v27;
	v24 =	vand.u32 $0xC00, v24;
	[tilespmem:s14+$0x10000] =	vst v29;
	v42 =	vld.idx.msk [tilespmem:v33+s4+$0x0], $0xffff;
	v12 =	vor.u32 v1, v12  }
0x1b9: {  	v22 =	vand.u32 $0xC00, v22;
	[tilespmem:s13+$0x10000] =	vst v30;
	v20 =	vand.u32 $0xC00, v20;
	v14 =	vor.u32 v1, v14;
	v9 =	vld.idx.msk [tilespmem:v9+s4+$0x0], $0xffff  }
0x1ba: {  	[tilespmem:s9+$0xFFFFFF10] =	vst v31;
	s21 =	sadd.s32 $0x200, s9;
	v17 =	vand.u32 $0xC00, v17;
	v15 =	vor.u32 v1, v15;
	v2 =	vor.u32 v1, v2;
	v19 =	vld.idx.msk [tilespmem:v61+s4+$0x0], $0xffff  }
0x1bb: {  	v18 =	vand.u32 $0xC00, v18;
	v8 =	vor.u32 v8, v27;
	v6 =	vor.u32 v6, v24;
	v21 =	vld.idx.msk [tilespmem:v62+s4+$0x0], $0xffff;
	[tilespmem:s21+$0xFFFFFF20] =	vst v36  }
0x1bc: {  	v38 =	vshll.u32 v37, $0x3;
	v7 =	vor.u32 v7, v22;
	v43 =	vor.u32 v0, v8;
	[tilespmem:s21+$0xFFFFFF40] =	vst v40;
	v49 =	vld.idx.msk [tilespmem:v39+s4+$0x0], $0xffff  }
0x1bd: {  	s7 =	sadd.s32 $0xE, s8;
	v37 =	vand.u32 $0x7F, v37;
	v5 =	vor.u32 v5, v20;
	v24 =	vor.u32 v0, v6;
	[tilespmem:s21+$0xFFFFFF60] =	vst v42;
	v12 =	vld.idx.msk [tilespmem:v12+s4+$0x0], $0xffff  }
0x1be: {  	v4 =	vor.u32 v4, v17;
	v46 =	vmov s7;
	v22 =	vor.u32 v0, v7;
	[tilespmem:s21+$0xFFFFFF00] =	vst v9;
	v14 =	vld.idx.msk [tilespmem:v14+s4+$0x0], $0xffff  }
0x1bf: {  	v3 =	vor.u32 v3, v18;
	v38 =	vand.u32 $0xC00, v38;
	v45 =	vor.u32 v0, v5;
	v15 =	vld.idx.msk [tilespmem:v15+s4+$0x0], $0xffff;
	[tilespmem:s21+$0xFFFFFF80] =	vst v19  }
0x1c0: {  	v47 =	vor.u32 v0, v4;
	v48 =	vshll.u32 v46, $0x3;
	v17 =	vand.u32 $0x7E, v46;
	v2 =	vld.idx.msk [tilespmem:v2+s4+$0x0], $0xffff;
	[tilespmem:s21+$0xFFFFFFA0] =	vst v21  }
0x1c1: {  	v52 =	vor.u32 v0, v3;
	v37 =	vor.u32 v37, v38;
	v50 =	vand.u32 $0xC00, v48;
	v51 =	vld.idx.msk [tilespmem:v43+s4+$0x0], $0xffff;
	[tilespmem:s21+$0xFFFFFFE0] =	vst v49  }
0x1c2: {  	v38 =	vor.u32 v0, v37;
	v17 =	vor.u32 v17, v50;
	v53 =	vld.idx.msk [tilespmem:v24+s4+$0x0], $0xffff;
	[tilespmem:s21+$0xFFFFFF30] =	vst v12  }
0x1c3: {  	v54 =	vor.u32 v0, v17;
	v55 =	vld.idx.msk [tilespmem:v22+s4+$0x0], $0xffff;
	[tilespmem:s21+$0xFFFFFF50] =	vst v14  }
0x1c4: {  	v59 =	vor.u32 v1, v16;
	v56 =	vld.idx.msk [tilespmem:v45+s4+$0x0], $0xffff;
	[tilespmem:s21+$0xFFFFFF70] =	vst v15  }
0x1c5: {  	v60 =	vor.u32 v1, v11;
	v57 =	vld.idx.msk [tilespmem:v47+s4+$0x0], $0xffff;
	[tilespmem:s21+$0xFFFFFF10] =	vst v2  }
0x1c6: {  	v10 =	vor.u32 v1, v10;
	v58 =	vld.idx.msk [tilespmem:v52+s4+$0x0], $0xffff;
	[tilespmem:s21+$0x0] =	vst v51  }
0x1c7: {  	v8 =	vor.u32 v1, v8;
	v63 =	vld.idx.msk [tilespmem:v38+s4+$0x0], $0xffff;
	[tilespmem:s21+$0x20] =	vst v53  }
0x1c8: {  	v13 =	vor.u32 v13, v35;
	v7 =	vor.u32 v1, v7;
	v19 =	vld.idx.msk [tilespmem:v54+s4+$0x0], $0xffff;
	[tilespmem:s21+$0x40] =	vst v55  }
0x1c9: {  	v38 =	vor.u32 v0, v13;
	v16 =	vld.idx.msk [tilespmem:v59+s4+$0x0], $0xffff;
	[tilespmem:s21+$0x60] =	vst v56  }
0x1ca: {  	v5 =	vor.u32 v1, v5;
	v11 =	vld.idx.msk [tilespmem:v60+s4+$0x0], $0xffff;
	[tilespmem:s21+$0x80] =	vst v57  }
0x1cb: {  	v4 =	vor.u32 v1, v4;
	[tilespmem:s21+$0xA0] =	vst v58;
	v10 =	vld.idx.msk [tilespmem:v10+s4+$0x0], $0xffff  }
0x1cc: {  	s22 =	sadd.s32 $0x200, s11;
	v3 =	vor.u32 v1, v3;
	v8 =	vld.idx.msk [tilespmem:v8+s4+$0x0], $0xffff;
	[tilespmem:s21+$0xE0] =	vst v63  }
0x1cd: {  	s13 =	sadd.s32 $0xFFFFFEC0, s22;
	v41 =	vor.u32 v1, v37;
	v7 =	vld.idx.msk [tilespmem:v7+s4+$0x0], $0xffff;
	[tilespmem:s21+$0xC0] =	vst v19  }
0x1ce: {  	s11 =	sadd.s32 $0xFFFFFF00, s22;
	s7 =	sor.u32 $0x30, s13;
	v62 =	vor.u32 v1, v17;
	v44 =	vld.idx.msk [tilespmem:v38+s4+$0x0], $0xffff;
	[tilespmem:s21+$0xFFFFFF90] =	vst v16  }
0x1cf: {  	s14 =	sor.u32 $0x70, s11;
	v13 =	vor.u32 v1, v13;
	v5 =	vld.idx.msk [tilespmem:v5+s4+$0x0], $0xffff;
	[tilespmem:s7+$0x10000] =	vst v11  }
0x1d0: {  	s16 =	sadd.s32 $0xFFFFFF60, s22;
	v6 =	vor.u32 v1, v6;
	v4 =	vld.idx.msk [tilespmem:v4+s4+$0x0], $0xffff;
	[tilespmem:s14+$0x10000] =	vst v10  }
0x1d1: {  	v3 =	vld.idx.msk [tilespmem:v3+s4+$0x0], $0xffff;
	s7 =	sor.u32 $0x50, s16;
	[tilespmem:s21+$0x10] =	vst v8  }
0x1d2: {  	s17 =	sadd.s32 $0xFFFFFF80, s22;
	v27 =	vld.idx.msk [tilespmem:v41+s4+$0x0], $0xffff;
	[tilespmem:s7+$0x10000] =	vst v7  }
0x1d3: {  	s18 =	sor.u32 $0x70, s17;
	v63 =	vld.idx.msk [tilespmem:v62+s4+$0x0], $0xffff;
	[tilespmem:s21+$0xFFFFFFC0] =	vst v44  }
0x1d4: {  	s19 =	sadd.s32 $0xFFFFFFC0, s22;
	[tilespmem:s18+$0x10000] =	vst v5;
	v61 =	vld.idx.msk [tilespmem:v13+s4+$0x0], $0xffff  }
0x1d5: {  	v6 =	vld.idx.msk [tilespmem:v6+s4+$0x0], $0xffff;
	s7 =	sor.u32 $0x30, s19;
	[tilespmem:s21+$0x90] =	vst v4  }
0x1d6: {  	s12 =	sor.u32 $0x70, s22;
	s8 =	sadd.s32 $0xFFFFFFE0, s22;
	[tilespmem:s7+$0x10000] =	vst v3  }
0x1d7: {  	s10 =	sadd.s32 $0xFFFFFEE0, s22;
	s8 =	sor.u32 $0x50, s8;
	[tilespmem:s12+$0x10000] =	vst v27  }
0x1d8: {  	s15 =	sadd.s32 $0xFFFFFF40, s22;
	s10 =	sor.u32 $0x50, s10;
	[tilespmem:s8+$0x10000] =	vst v63  }
0x1d9: {  	[tilespmem:s10+$0x10000] =	vst v61;
	s10 =	sor.u32 $0x30, s15  }
0x1da: {  	[tilespmem:s10+$0x10000] =	vst v6  }
0x1db: {  	s20 =	simm.s32 $0x5;
	s7 =	rddreg [dreg:$0x4]  }
0x1dc: {  	[hbm4b:s7+s4] =	stream.linear.scatter [tilespmem:s31], [sflag:$0x5], $0x4000, $0x38;
	[tilespmem:$0x1E000] =	vst v63  }
0x1dd: {  	s7 =	stileid.u32;
	_ =	swait.ge [sflag:s20], $0x4000  }
0x1de: {  	s7 =	sshll.u32 @!p0 s7, $0x6;
	[sflag:s20] =	ssyncset.done $0x0;
	s8 =	rddreg [dreg:$0x5]  }
0x1df: {  	s7 =	sor.u32 @!p0 $0x1C05, s7;
	s9 =	rddreg [dreg:$0x6];
	[sflag:s20] =	ssyncadd.s32 $0xFFFFC000  }
0x1e0: {  	[hbm:s9], [sflag:s7] =	dma.local @!p0 [hbm:s8], $0x80  }
0x1e1: {  	s7 =	simm.s32 @!p0 $0x5  }
0x1e2: {  	_ =	swait.ge @!p0 [sflag:s7], $0x80  }
0x1e3: {  	s21 =	rddreg [dreg:$0x14]  }
0x1e4: {  	s22 =	rddreg [dreg:$0x8];
	s9 =	sadd.s32 $0x1, s21  }
0x1e5: {  	p1 =	sne.s32 s9, s22  }
.Ltmp4:
0x1e6: {  	_ = 	snop;
	(pc) =	sbr.rel @p1 .LBB2_1-.Ltmp4, $3  }
0x1e7: {  	_ =	sdelay $0x1  }
0x1e8: {  	[sflag:s7] =	ssyncset.done @!p0 $0x0  }
0x1e9: {  	[sflag:s7] =	ssyncadd.s32 @!p0 $0xFFFFFF80  }
0x1ea: {  	_ =	sfence.sel $0x180000  }
0x1eb: {  	[bflag:$0x0] =	sbarrier.arrive $0xFFFF  }
0x1ec: {  	_ =	strace $0x90000047  }
0x1ed: {  	s0 =	stileid.u32;
	[bflag:$0x2] =	sbarrier.arrive $0xFFFF  }
0x1ee: {  	p0 =	sne.s32 s0, $0x0;
	s0 =	rddreg [dreg:$0x3]  }
0x1ef: {  	s0 =	sadd.s32 @!p0 $0x100000, s0  }
0x1f0: {  	[sflag:s0] =	ssyncadd.tile.s32 @!p0 $0x1;
	_ =	shalt  }
.Lfunc_end2:
_tile_overlayer_lowered:
.L_overlay_start_2:
0x1f1: {  	(tag) =	ssettag $0x2  }
0x1f2: {  	s0 =	rddreg [dreg:$0x0];
	s2 =	stileid.u32  }
0x1f3: {  	s1 =	rddreg [dreg:$0x1];
	p0 =	sne.s32 s2, $0x0  }
0x1f4: {  	s3 =	rddreg [dreg:$0x2];
	[bflag:$0x3] =	sbarrier.arrive $0xFFFF;
	s2 =	simm.s32 @!p0 $0x1C05  }
0x1f5: {  	[timem:s3], [sflag:s2] =	dma.local @!p0 [hbm:s0], s1  }
0x1f6: {  	s0 =	simm.s32 @!p0 $0x5  }
0x1f7: {  	_ =	swait.ge @!p0 [sflag:s0], s1  }
0x1f8: {  	s1 =	ssub.s32 @!p0 $0x0, s1;
	[sflag:s0] =	ssyncset.done @!p0 $0x0  }
0x1f9: {  	[sflag:s0] =	ssyncadd.s32 @!p0 s1  }
0x1fa: {  	[bflag:$0x3] =	sbarrier.arrive $0xFFFF  }
0x1fb: {  	_ =	shalt  }

// kernel: kernel.7.cloned.1.call-start
scs
__scs_entry_jumppad:
0x0: {  	(pc) =	sbr.rel $0x88, $3  }
0x1: {  	(tag) =	ssettag $0x0;
	lr =	simm.s32 $0x1  }
0x2: {  	[smem:$0x3F9F] =	sst lr;
	_ =	strace $0xD0000000  }
0x3: {  	_ = 	snop  }
0x4: {  	_ = 	snop  }
0x5: {  	_ = 	snop  }
0x6: {  	_ = 	snop  }
0x7: {  	_ = 	snop  }
__scs_overlays_trampoline_lowered:
0x8: {  	[smem:$0x3FAE] =	sst s0  }
0x9: {  	[smem:$0x3FAF] =	sst s1  }
0xa: {  	[smem:$0x3FB0] =	sst s2  }
0xb: {  	[smem:$0x3FB1] =	sst s3  }
0xc: {  	[smem:$0x3FB2] =	sst s4  }
0xd: {  	[smem:$0x3FB3] =	sst s5  }
0xe: {  	[smem:$0x3FB4] =	sst s6  }
0xf: {  	[smem:$0x3FB5] =	sst s7  }
0x10: {  	[smem:$0x3FB6] =	sst s8  }
0x11: {  	[smem:$0x3FB7] =	sst s9;
	s0 =	simm.s32 @!p0 $0x0  }
0x12: {  	s1 =	sld [smem:$0x3F9D];
	s0 =	simm.s32 @p0 $0x1  }
0x13: {  	[smem:$0x3FB8] =	sst s0;
	s0 =	simm.s32 @!p1 $0x0  }
0x14: {  	s2 =	sld [smem:$0x3F9C];
	s0 =	simm.s32 @p1 $0x1  }
0x15: {  	[smem:$0x3FB9] =	sst s0;
	s0 =	simm.s32 @!p2 $0x0  }
0x16: {  	s3 =	sld [smem:$0x3FDB];
	s0 =	simm.s32 @p2 $0x1  }
0x17: {  	s4 =	simm.s32 $0x1BF5;
	[smem:$0x3FBB] =	sst s0  }
0x18: {  	s0 =	sld [smem:$0x3F9E];
	_ =	swait.ge [sflag:s4], $0x0  }
0x19: {  	s7 =	sld [smem:$0x3F9F]  }
0x1a: {  	s8 =	sadd.s32 $0xFFFFE003, lr  }
0x1b: {  	s9 =	sadd.s32 $0xFFFFFEF7, lr;
	s5 =	simm.s32 $0xFFFFFFFF;
	p2 =	slt.u32 s8, $0xFFFFF086  }
0x1c: {  	p1 =	slt.u32 s9, $0xF7A;
	s5 =	simm.s32 @!p2 $0x0  }
0x1d: {  	s5 =	simm.s32 @p1 $0x1;
	p0 =	seq.s32 s7, s2  }
0x1e: {  	s7 =	smul.u32 @!p0 $0xF7A, s2;
	p2 =	seq.s32 @!p0 s5, $0x0  }
0x1f: {  	s9 =	smul.u32 $0xF7A, s1;
	s8 =	simm.s32 @!p0 $0x1BF5;
	p2 =	por !p2, p0  }
0x20: {  	[sflag:s8] =	ssyncset.s32 @!p0 $0xFFFFF086;
	s6 =	sadd.s32 @!p0 s3, s7;
	s7 =	simm.s32 @!p0 $0x108  }
0x21: {  	s3 =	sadd.s32 s3, s9;
	s6 =	sadd.s32 @!p0 $0x88, s6;
	s7 =	simm.s32 @p2 $0x1082  }
0x22: {  	[simem:s7], [sflag:s8] =	dma.local @!p0 [hbm:s6], $0xF7A  }
0x23: {  	s9 =	sor.u32 $0xD0000000, s2;
	s6 =	simm.s32 $0x108;
	_ =	swait.ge @!p0 [sflag:s8], $0x0  }
0x24: {  	s3 =	sadd.s32 $0x88, s3;
	s6 =	simm.s32 @!p1 $0x1082;
	[sflag:s4] =	ssyncset.s32 $0xFFFFF086  }
0x25: {  	[simem:s6], [sflag:s4] =	dma.local [hbm:s3], $0xF7A  }
0x26: {  	[smem:$0x3F9F] =	sst s1;
	(tag) =	ssettag s2;
	_ =	strace s9  }
0x27: {  	s1 =	sld [smem:$0x3FAF]  }
0x28: {  	s2 =	sld [smem:$0x3FB0]  }
0x29: {  	s4 =	sld [smem:$0x3FB2]  }
0x2a: {  	p0 =	seq.s32 s5, $0x0;
	s5 =	sld [smem:$0x3FB3]  }
0x2b: {  	s6 =	sld [smem:$0x3FB4]  }
0x2c: {  	s7 =	sld [smem:$0x3FB5]  }
0x2d: {  	s3 =	simm.s32 $0x108;
	s8 =	sld [smem:$0x3FB6]  }
0x2e: {  	s3 =	simm.s32 @!p0 $0x1082;
	s9 =	sld [smem:$0x3FB7]  }
0x2f: {  	lr =	sadd.s32 s0, s3;
	s0 =	sld [smem:$0x3FAE]  }
0x30: {  	s3 =	sld [smem:$0x3FB1]  }
0x31: {  	[smem:$0x3FBA] =	sst s10  }
0x32: {  	s10 =	sld [smem:$0x3FB8];
	_ =	sdelay $0x3  }
0x33: {  	p0 =	seq.s32 s10, $0x1;
	s10 =	sld [smem:$0x3FBA];
	_ =	sdelay $0x3  }
0x34: {  	[smem:$0x3FBA] =	sst s10  }
0x35: {  	s10 =	sld [smem:$0x3FB9];
	_ =	sdelay $0x3  }
0x36: {  	p1 =	seq.s32 s10, $0x1;
	s10 =	sld [smem:$0x3FBA];
	_ =	sdelay $0x3  }
0x37: {  	[smem:$0x3FBA] =	sst s10  }
0x38: {  	s10 =	sld [smem:$0x3FBB]  }
0x39: {  	_ = 	snop;
	(pc) =	sbr.ind lr, $3  }
0x3a: {  	_ = 	snop  }
0x3b: {  	_ = 	snop  }
0x3c: {  	p2 =	seq.s32 s10, $0x1;
	s10 =	sld [smem:$0x3FBA]  }
0x3d: {  	_ =	shalt  }
0x3e: {  	_ =	shalt  }
0x3f: {  	_ =	shalt  }
0x40: {  	_ =	shalt  }
0x41: {  	_ =	shalt  }
0x42: {  	_ =	shalt  }
0x43: {  	_ =	shalt  }
0x44: {  	_ =	shalt  }
0x45: {  	_ =	shalt  }
0x46: {  	_ =	shalt  }
0x47: {  	_ =	shalt  }
0x48: {  	_ =	shalt  }
0x49: {  	_ =	shalt  }
0x4a: {  	_ =	shalt  }
0x4b: {  	_ =	shalt  }
0x4c: {  	_ =	shalt  }
0x4d: {  	_ =	shalt  }
0x4e: {  	_ =	shalt  }
0x4f: {  	_ =	shalt  }
0x50: {  	_ =	shalt  }
0x51: {  	_ =	shalt  }
0x52: {  	_ =	shalt  }
0x53: {  	_ =	shalt  }
0x54: {  	_ =	shalt  }
0x55: {  	_ =	shalt  }
0x56: {  	_ =	shalt  }
0x57: {  	_ =	shalt  }
0x58: {  	_ =	shalt  }
0x59: {  	_ =	shalt  }
0x5a: {  	_ =	shalt  }
0x5b: {  	_ =	shalt  }
0x5c: {  	_ =	shalt  }
0x5d: {  	_ =	shalt  }
0x5e: {  	_ =	shalt  }
0x5f: {  	_ =	shalt  }
0x60: {  	_ =	shalt  }
0x61: {  	_ =	shalt  }
0x62: {  	_ =	shalt  }
0x63: {  	_ =	shalt  }
0x64: {  	_ =	shalt  }
0x65: {  	_ =	shalt  }
0x66: {  	_ =	shalt  }
0x67: {  	_ =	shalt  }
0x68: {  	_ =	shalt  }
0x69: {  	_ =	shalt  }
0x6a: {  	_ =	shalt  }
0x6b: {  	_ =	shalt  }
0x6c: {  	_ =	shalt  }
0x6d: {  	_ =	shalt  }
0x6e: {  	_ =	shalt  }
0x6f: {  	_ =	shalt  }
0x70: {  	_ =	shalt  }
0x71: {  	_ =	shalt  }
0x72: {  	_ =	shalt  }
0x73: {  	_ =	shalt  }
0x74: {  	_ =	shalt  }
0x75: {  	_ =	shalt  }
0x76: {  	_ =	shalt  }
0x77: {  	_ =	shalt  }
0x78: {  	_ =	shalt  }
0x79: {  	_ =	shalt  }
0x7a: {  	_ =	shalt  }
0x7b: {  	_ =	shalt  }
0x7c: {  	_ =	shalt  }
0x7d: {  	_ =	shalt  }
0x7e: {  	_ =	shalt  }
0x7f: {  	_ =	shalt  }
0x80: {  	_ =	shalt  }
0x81: {  	_ =	shalt  }
0x82: {  	_ =	shalt  }
0x83: {  	_ =	shalt  }
0x84: {  	_ =	shalt  }
0x85: {  	_ =	shalt  }
0x86: {  	_ =	shalt  }
0x87: {  	_ =	shalt  }
.Lfunc_end0:
.L_simem_size_0:
called_computation.1_lowered:
.L_overlay_start_0:
0x88: {  	s2 =	sld [smem:$0x3FD9]  }
0x89: {  	s3 =	sld [smem:$0x3FFE];
	_ =	sdelay $0x1  }
0x8a: {  	s1 =	srdreg.scid  }
0x8b: {  	s0 =	sand.u32 $0x1, s1  }
0x8c: {  	s17 =	sshll.u32 s0, $0xA;
	s2 =	sadd.s32 s3, s2  }
0x8d: {  	s2 =	sadd.s32 s2, s17  }
0x8e: {  	[smem:$0x3FC6] =	sst s2  }
0x8f: {  	_ = 	snop  }
0x90: {  	s2 =	sld [smem:$0x3FD0];
	(tm) =	ssettm $0x1  }
0x91: {  	s18 =	sld [smem:$0x3FFB];
	_ =	sdelay $0x3  }
0x92: {  	_ =	strace s18  }
0x93: {  	s3 =	sld [smem:$0x3FFC];
	_ =	sdelay $0x3  }
0x94: {  	_ =	strace s3  }
0x95: {  	s3 =	sld [smem:$0x3FFD];
	_ =	sdelay $0x3  }
0x96: {  	_ =	strace s3  }
0x97: {  	_ =	strace $0x8FFFFFFF  }
0x98: {  	s19 =	sld [smem:$0x3FDB];
	_ =	sdelay $0x1  }
0x99: {  	s4 =	simm.s32 $_scs_section_size  }
0x9a: {  	s5 =	simm.s32 $_size__tile_overlayer_lowered;
	s6 =	simm.s32 $_tile_overlayer_lowered  }
0x9b: {  	s22 =	simm.s32 $0x1BFF;
	s21 =	sshll.u32 s6, $0x1;
	s3 =	sadd.s32 s4, s19  }
0x9c: {  	s7 =	simm.s32 $0x0;
	s20 =	sshll.u32 s5, $0x1;
	s5 =	sadd.s32 s21, s3  }
0x9d: {  	[timem:s7], [sflag:s22] =	dma.local [hbm:s5], s20  }
0x9e: {  	_ =	swait.ge [sflag:s22], s20  }
0x9f: {  	s4 =	ssub.s32 $0x0, s20;
	[sflag:s22] =	ssyncset.done $0x0  }
0xa0: {  	[sflag:s22] =	ssyncadd.s32 s4;
	_ =	sdelay $0x1  }
0xa1: {  	s23 =	simm.s32 $0x1B8B  }
0xa2: {  	_ =	swait.ge [sflag:s23], $0x1  }
0xa3: {  	[sflag:s23] =	ssyncset.done $0x0  }
0xa4: {  	s25 =	simm.s32 $0x1B8E;
	s24 =	sld [smem:$0x3FFE];
	[sflag:s23] =	ssyncadd.s32 $0xFFFFFFFF  }
0xa5: {  	s26 =	simm.s32 $execute0_lowered;
	[smem:$0x3FD2] =	sst s25  }
0xa6: {  	s5 =	sshll.u32 s26, $0x1;
	_ =	strace $0x80000049;
	[dreg:$0x1] =	wrdreg $0xFFFFFFFF  }
0xa7: {  	s28 =	simm.s32 $_size_execute0_lowered;
	s3 =	sadd.s32 s3, s5;
	[dreg:$0x0] =	wrdreg $0x0  }
0xa8: {  	s5 =	sshll.u32 s28, $0x1;
	[dreg:$0x2] =	wrdreg s3  }
0xa9: {  	[dreg:$0x3] =	wrdreg s5  }
0xaa: {  	[dreg:$0x4] =	wrdreg $0xC0  }
0xab: {  	_ =	task [dreg:s7], $0x5FFFF  }
0xac: {  	[dreg:$0x1] =	wrdreg $0xFFFFFFFF  }
0xad: {  	[dreg:$0x0] =	wrdreg $0x60  }
0xae: {  	[dreg:$0x2] =	wrdreg s24  }
0xaf: {  	[dreg:$0x3] =	wrdreg s2  }
0xb0: {  	[dreg:$0x4] =	wrdreg $0x9  }
0xb1: {  	_ =	task.clear_ibuf [dreg:s7], $0x5FFFF;
	_ =	strace $0x90000049  }
0xb2: {  	s29 =	simm.s32 $0x9;
	_ =	strace $0x8000004B  }
0xb3: {  	_ =	swait.ge [sflag:s29], $0x1  }
0xb4: {  	[sflag:s29] =	ssyncadd.s32 $0xFFFFFFFF  }
0xb5: {  	_ =	strace $0x9000004B  }
0xb6: {  	_ =	sfence  }
0xb7: {  	s30 =	sld [smem:$0x0];
	_ =	sdelay $0x2  }
0xb8: {  	s31 =	sshll.u32 s1, $0xD;
	s1 =	sshrl.u32 s1, $0x2  }
0xb9: {  	s3 =	sand.u32 $0x4000, s31;
	s1 =	sadd.s32 s1, s30  }
0xba: {  	s0 =	sor.u32 s3, s0;
	s1 =	sshll.u32 s1, $0x11  }
0xbb: {  	s0 =	sor.u32 s1, s0  }
0xbc: {  	s0 =	sadd.s32 $0x8F2B, s0  }
0xbd: {  	[sflag:s0] =	ssyncadd.remote.s32 $0x1  }
0xbe: {  	_ =	sfence.sel $0xFFFF  }
0xbf: {  	[dreg:$0x0] =	wrdreg $0xFFFFFFFF;
	(pc) =	sbr.abs _section_cstart, $3  }
0xc0: {  	[dreg:$0x1] =	wrdreg $0xFFFFFFFF  }
0xc1: {  	_ =	task.clear_ibuf [dreg:s7], $0x2FFFF;
	_ =	strace $0x9FFFFFFF  }
0xc2: {  	(tm) =	ssettm $0x7FFFFFFF  }
0xc3: {  	_ =	shalt  }
tec
execute0_lowered:
.L_overlay_start_1:
0x0: {  	(tag) =	ssettag $0x1  }
0x1: {  	s4 =	rddreg [dreg:$0x0]  }
0x2: {  	s1 =	srdreg.scid;
	s0 =	stileid.u32  }
0x3: {  	s5 =	rddreg [dreg:$0x1];
	s2 =	simm.s32 $0x0;
	s10 =	simm.s32 $0x6800  }
0x4: {  	s11 =	simm.s32 $0x3480;
	s12 =	simm.s32 $0x7800;
	s13 =	simm.s32 $0x3500  }
0x5: {  	s14 =	simm.s32 $0x8800;
	s15 =	simm.s32 $0x3580;
	s16 =	simm.s32 $0x9800  }
0x6: {  	s17 =	simm.s32 $0x1;
	s3 =	sand.u32 $0x1, s1;
	s1 =	rddreg [dreg:$0x2]  }
0x7: {  	s18 =	simm.s32 $0x0;
	s6 =	sshll.u32 s0, $0x1;
	[smem:$0x7FF] =	sst s2  }
0x8: {  	s6 =	sor.u32 s3, s6;
	s8 =	ssub.s32 $0x2, s3;
	_ =	strace $0x8000004A  }
0x9: {  	s7 =	smul.u32 $0x680, s6;
	s9 =	sshrl.u32 s8, $0x1;
	s6 =	sshll.u32 s6, $0xB  }
0xa: {  	s3 =	sadd.s32 $0xA00, s4;
	s31 =	ssub.s32 s8, s9;
	s5 =	sadd.s32 s5, s6  }
0xb: {  	v0 =	vlaneseq.u32;
	s8 =	simm.s32 $0x80;
	s9 =	simm.s32 $0x3400;
	s4 =	sadd.s32 s7, s4  }
0xc: {  	v0 =	vmul.u32 $0x1A, v0;
	s6 =	smax.u32 s31, $0x1;
	s7 =	simm.s32 $0x2;
	s4 =	sadd.s32 $0x9EBC00, s4  }
.LBB2_1:
0xd: {  	_ = 	snop  }
0xe: {  	v1 =	vadd.s32 s2, v0  }
0xf: {  	[tilespmem:s2], [sflag:$0x2] =	stream.linear.gather [hbm4b:s4+s2], $0x3400, $0x38;
	[tilespmem:$0xA800] =	vst v63  }
0x10: {  	_ =	swait.ge [sflag:s7], $0x3400  }
0x11: {  	[sflag:s7] =	ssyncset.done $0x0  }
0x12: {  	[sflag:s7] =	ssyncadd.s32 $0xFFFFCC00  }
0x13: {  	s19 =	simm.s32 $0x1A0;
	v1 =	vld.idx.msk [tilespmem:v1+s2+$0x0], $0xffff  }
0x14: {  	v2 =	vadd.s32 s19, v0;
	_ =	sdelay $0x2  }
0x15: {  	s19 =	simm.s32 $0x3440  }
0x16: {  	[tilespmem:s19+$0xFFFFFFC0] =	vst v1  }
0x17: {  	s20 =	simm.s32 $0x340;
	v1 =	vld.idx.msk [tilespmem:v2+s2+$0x0], $0xffff  }
0x18: {  	v2 =	vadd.s32 s20, v0;
	_ =	sdelay $0x3  }
0x19: {  	[tilespmem:s19+$0xFFFFFFD0] =	vst v1  }
0x1a: {  	s26 =	simm.s32 $0x4E0;
	v1 =	vld.idx.msk [tilespmem:v2+s2+$0x0], $0xffff  }
0x1b: {  	v2 =	vadd.s32 s26, v0;
	_ =	sdelay $0x3  }
0x1c: {  	[tilespmem:s19+$0xFFFFFFE0] =	vst v1  }
0x1d: {  	s28 =	simm.s32 $0x680;
	v1 =	vld.idx.msk [tilespmem:v2+s2+$0x0], $0xffff  }
0x1e: {  	v2 =	vadd.s32 s28, v0;
	_ =	sdelay $0x3  }
0x1f: {  	[tilespmem:s19+$0xFFFFFFF0] =	vst v1  }
0x20: {  	s29 =	simm.s32 $0x820;
	v1 =	vld.idx.msk [tilespmem:v2+s2+$0x0], $0xffff  }
0x21: {  	v2 =	vadd.s32 s29, v0;
	_ =	sdelay $0x3  }
0x22: {  	[tilespmem:s19+$0x0] =	vst v1  }
0x23: {  	s30 =	simm.s32 $0x9C0;
	v1 =	vld.idx.msk [tilespmem:v2+s2+$0x0], $0xffff  }
0x24: {  	v2 =	vadd.s32 s30, v0;
	_ =	sdelay $0x3  }
0x25: {  	[tilespmem:s19+$0x10] =	vst v1  }
0x26: {  	s31 =	simm.s32 $0xB60;
	v1 =	vld.idx.msk [tilespmem:v2+s2+$0x0], $0xffff  }
0x27: {  	v2 =	vadd.s32 s31, v0;
	_ =	sdelay $0x3  }
0x28: {  	[tilespmem:s19+$0x20] =	vst v1  }
0x29: {  	s20 =	simm.s32 $0xD00;
	v1 =	vld.idx.msk [tilespmem:v2+s2+$0x0], $0xffff  }
0x2a: {  	s21 =	simm.s32 $0x1A00;
	v2 =	vadd.s32 s20, v0  }
.LBB2_2:
0x2b: {  	p0 =	sne.s32 s21, $0x2700;
	_ =	sdelay $0x2  }
0x2c: {  	[tilespmem:s19+$0x30] =	vst v1  }
0x2d: {  	v1 =	vld.idx.msk [tilespmem:v2+s2+$0x0], $0xffff  }
0x2e: {  	s22 =	sadd.s32 $0x1A0, s20  }
0x2f: {  	v2 =	vadd.s32 s22, v0;
	_ =	sdelay $0x2  }
0x30: {  	s19 =	sadd.s32 $0x80, s19  }
0x31: {  	[tilespmem:s19+$0xFFFFFFC0] =	vst v1  }
0x32: {  	v1 =	vld.idx.msk [tilespmem:v2+s2+$0x0], $0xffff  }
0x33: {  	s22 =	sadd.s32 $0x340, s20  }
0x34: {  	v2 =	vadd.s32 s22, v0;
	_ =	sdelay $0x3  }
0x35: {  	[tilespmem:s19+$0xFFFFFFD0] =	vst v1  }
0x36: {  	v1 =	vld.idx.msk [tilespmem:v2+s2+$0x0], $0xffff  }
0x37: {  	s22 =	sadd.s32 $0x4E0, s20  }
0x38: {  	v2 =	vadd.s32 s22, v0;
	_ =	sdelay $0x3  }
0x39: {  	[tilespmem:s19+$0xFFFFFFE0] =	vst v1  }
0x3a: {  	v1 =	vld.idx.msk [tilespmem:v2+s2+$0x0], $0xffff  }
0x3b: {  	s22 =	sadd.s32 $0x680, s20  }
0x3c: {  	v2 =	vadd.s32 s22, v0;
	_ =	sdelay $0x3  }
0x3d: {  	[tilespmem:s19+$0xFFFFFFF0] =	vst v1  }
0x3e: {  	v1 =	vld.idx.msk [tilespmem:v2+s2+$0x0], $0xffff  }
0x3f: {  	s22 =	sadd.s32 $0x820, s20  }
0x40: {  	v2 =	vadd.s32 s22, v0;
	_ =	sdelay $0x3  }
0x41: {  	[tilespmem:s19+$0x0] =	vst v1  }
0x42: {  	v1 =	vld.idx.msk [tilespmem:v2+s2+$0x0], $0xffff  }
0x43: {  	s22 =	sadd.s32 $0x9C0, s20  }
0x44: {  	v2 =	vadd.s32 s22, v0;
	_ =	sdelay $0x3  }
0x45: {  	[tilespmem:s19+$0x10] =	vst v1  }
0x46: {  	v1 =	vld.idx.msk [tilespmem:v2+s2+$0x0], $0xffff  }
0x47: {  	s22 =	sadd.s32 $0xB60, s20;
	s20 =	smov.u32 s21  }
0x48: {  	v2 =	vadd.s32 s22, v0;
	_ =	sdelay $0x2  }
.Ltmp0:
0x49: {  	(pc) =	sbr.rel @p0 .LBB2_2-.Ltmp0, $3  }
0x4a: {  	[tilespmem:s19+$0x20] =	vst v1  }
0x4b: {  	v1 =	vld.idx.msk [tilespmem:v2+s2+$0x0], $0xffff;
	_ =	sdelay $0x1  }
0x4c: {  	s21 =	sadd.s32 $0xD00, s21;
	v2 =	vadd.s32 s20, v0  }
0x4d: {  	_ =	sdelay $0x2  }
0x4e: {  	[tilespmem:s19+$0x30] =	vst v1  }
0x4f: {  	s21 =	sadd.s32 $0x1A0, s20;
	v1 =	vld.idx.msk [tilespmem:v2+s2+$0x0], $0xffff  }
0x50: {  	v2 =	vadd.s32 s21, v0;
	_ =	sdelay $0x2  }
0x51: {  	s24 =	sadd.s32 $0x80, s19  }
0x52: {  	[tilespmem:s24+$0xFFFFFFC0] =	vst v1  }
0x53: {  	s25 =	sadd.s32 $0x340, s20;
	v1 =	vld.idx.msk [tilespmem:v2+s2+$0x0], $0xffff  }
0x54: {  	v2 =	vadd.s32 s25, v0;
	_ =	sdelay $0x3  }
0x55: {  	[tilespmem:s24+$0xFFFFFFD0] =	vst v1  }
0x56: {  	s26 =	sadd.s32 $0x4E0, s20;
	v1 =	vld.idx.msk [tilespmem:v2+s2+$0x0], $0xffff  }
0x57: {  	v2 =	vadd.s32 s26, v0;
	_ =	sdelay $0x3  }
0x58: {  	[tilespmem:s24+$0xFFFFFFE0] =	vst v1  }
0x59: {  	s28 =	sadd.s32 $0x680, s20;
	v1 =	vld.idx.msk [tilespmem:v2+s2+$0x0], $0xffff  }
0x5a: {  	v2 =	vadd.s32 s28, v0;
	_ =	sdelay $0x3  }
0x5b: {  	[tilespmem:s24+$0xFFFFFFF0] =	vst v1  }
0x5c: {  	s29 =	sadd.s32 $0x820, s20;
	v1 =	vld.idx.msk [tilespmem:v2+s2+$0x0], $0xffff  }
0x5d: {  	v2 =	vadd.s32 s29, v0;
	_ =	sdelay $0x3  }
0x5e: {  	[tilespmem:s24+$0x0] =	vst v1  }
0x5f: {  	s30 =	sadd.s32 $0x9C0, s20;
	v1 =	vld.idx.msk [tilespmem:v2+s2+$0x0], $0xffff  }
0x60: {  	v2 =	vadd.s32 s30, v0;
	_ =	sdelay $0x3  }
0x61: {  	[tilespmem:s24+$0x10] =	vst v1  }
0x62: {  	s31 =	sadd.s32 $0xB60, s20;
	v1 =	vld.idx.msk [tilespmem:v2+s2+$0x0], $0xffff  }
0x63: {  	v2 =	vadd.s32 s31, v0;
	_ =	sdelay $0x3  }
0x64: {  	[tilespmem:s24+$0x20] =	vst v1  }
0x65: {  	v1 =	vld.idx.msk [tilespmem:v2+s2+$0x0], $0xffff;
	_ =	sdelay $0x4  }
0x66: {  	[tilespmem:s24+$0x30] =	vst v1  }
0x67: {  	[tilespmem:s10], [sflag:$0x1] =	stream.indirect.gather [hbm4b:s3+s8], $0x20, s9, s8, $0xb8;
	[tilespmem:$0xA800] =	vst v63  }
0x68: {  	_ = 	snop  }
0x69: {  	[tilespmem:s12], [sflag:$0x1] =	stream.indirect.gather [hbm4b:s3+s8], $0x20, s11, s8, $0xb8;
	[tilespmem:$0xA800] =	vst v63  }
0x6a: {  	s20 =	simm.s32 $0x3600  }
0x6b: {  	[tilespmem:s14], [sflag:$0x1] =	stream.indirect.gather [hbm4b:s3+s8], $0x20, s13, s8, $0xb8;
	[tilespmem:$0xA800] =	vst v63  }
0x6c: {  	s22 =	simm.s32 $0x0;
	s19 =	simm.s32 $0x0;
	s21 =	simm.s32 $0x4  }
0x6d: {  	[tilespmem:s16], [sflag:$0x1] =	stream.indirect.gather [hbm4b:s3+s8], $0x20, s15, s8, $0xb8;
	[tilespmem:$0xA800] =	vst v63  }
.LBB2_4:
0x6e: {  	s23 =	sand.u32 $0x3, s19  }
0x6f: {  	s23 =	smul.u32 $0xD00, s23  }
0x70: {  	s24 =	sshrl.u32 s21, $0x2  }
0x71: {  	s23 =	sadd.s32 s23, s24  }
0x72: {  	v3 =	vadd.s32 s23, v0;
	_ =	sdelay $0x2  }
0x73: {  	s31 =	sadd.s32 $0x4, s22  }
0x74: {  	s24 =	sshrl.u32 s31, $0x2  }
0x75: {  	s25 =	smul.u32 $0x186A0, s24;
	v4 =	vld.idx.msk [tilespmem:v3+s2+$0x0], $0xffff  }
0x76: {  	v1 =	vmov s20;
	s24 =	sadd.s32 $0x1A0, s23  }
0x77: {  	s26 =	simm.s32 $0x80;
	s23 =	simm.s32 $0x40;
	v2 =	vmov s25;
	s25 =	simm.s32 $0x0;
	v3 =	vadd.s32 s24, v0  }
.LBB2_5:
0x78: {  	p0 =	sne.s32 s26, $0x1C0;
	_ =	sdelay $0x1  }
0x79: {  	s28 =	sshra.s32 s25, $0x2;
	s25 =	smov.u32 s23;
	s23 =	smov.u32 s26;
	v4 =	vadd.s32 v2, v4  }
.Ltmp1:
0x7a: {  	[tilespmem:v1+s28+$0x0 ss:$0x1] =	vst.idx.msk $0xffff, v4;
	(pc) =	sbr.rel @p0 .LBB2_5-.Ltmp1, $3  }
0x7b: {  	v4 =	vld.idx.msk [tilespmem:v3+s2+$0x0], $0xffff;
	_ =	sdelay $0x1  }
0x7c: {  	s24 =	sadd.s32 $0x1A0, s24  }
0x7d: {  	s26 =	sadd.s32 $0x40, s26;
	v3 =	vadd.s32 s24, v0  }
0x7e: {  	_ =	sdelay $0x2  }
0x7f: {  	s24 =	sshra.s32 s25, $0x2;
	v4 =	vadd.s32 v2, v4  }
0x80: {  	[tilespmem:v1+s24+$0x0 ss:$0x1] =	vst.idx.msk $0xffff, v4  }
0x81: {  	s22 =	sadd.s32 $0x1, s22;
	v3 =	vld.idx.msk [tilespmem:v3+s2+$0x0], $0xffff  }
0x82: {  	p0 =	sne.s32 s22, $0x64  }
.Ltmp2:
0x83: {  	_ = 	snop;
	(pc) =	sbr.rel @p0 .LBB2_4-.Ltmp2, $3  }
0x84: {  	_ =	sdelay $0x1  }
0x85: {  	s23 =	sshra.s32 s23, $0x2;
	v2 =	vadd.s32 v2, v3  }
0x86: {  	s20 =	sadd.s32 $0x80, s20;
	s21 =	sadd.s32 $0x1, s21;
	s19 =	sadd.s32 $0x1, s19;
	[tilespmem:v1+s23+$0x0 ss:$0x1] =	vst.idx.msk $0xffff, v2  }
0x87: {  	_ =	swait.ge [sflag:s17], $0x1000  }
0x88: {  	[sflag:s17] =	ssyncset.done $0x0  }
0x89: {  	[sflag:s17] =	ssyncadd.s32 $0xFFFFF000  }
0x8a: {  	_ =	swait.ge [sflag:s17], $0x1000  }
0x8b: {  	[sflag:s17] =	ssyncset.done $0x0  }
0x8c: {  	[sflag:s17] =	ssyncadd.s32 $0xFFFFF000  }
0x8d: {  	_ =	swait.ge [sflag:s17], $0x1000  }
0x8e: {  	[sflag:s17] =	ssyncset.done $0x0  }
0x8f: {  	s19 =	simm.s32 $0x0;
	[sflag:s17] =	ssyncadd.s32 $0xFFFFF000  }
0x90: {  	s19 =	sand.u32 $0xC000, s19;
	_ =	swait.ge [sflag:s17], $0x1000  }
0x91: {  	s20 =	sshrl.u32 s19, $0x2;
	[sflag:s17] =	ssyncset.done $0x0  }
0x92: {  	s19 =	simm.s32 $0x3600;
	s20 =	sadd.s32 $0x6800, s20;
	[sflag:s17] =	ssyncadd.s32 $0xFFFFF000  }
0x93: {  	[tilespmem:s20], [sflag:$0x1] =	stream.indirect.gather.add.f32 [hbm:s3], $0x20, s19, s8, $0xb8;
	[tilespmem:$0xA800] =	vst v63  }
0x94: {  	s20 =	simm.s32 $0x4000  }
.LBB2_8:
0x95: {  	p0 =	sne.s32 s20, $0x18C000  }
.Ltmp3:
0x96: {  	_ = 	snop;
	(pc) =	sbr.rel @p0 .LBB2_8-.Ltmp3, $4  }
0x97: {  	s21 =	sand.u32 $0xC000, s20  }
0x98: {  	s21 =	sshrl.u32 s21, $0x2  }
0x99: {  	s20 =	sadd.s32 $0x4000, s20;
	s19 =	sadd.s32 $0x80, s19;
	s21 =	sadd.s32 $0x6800, s21  }
0x9a: {  	[tilespmem:s21], [sflag:$0x1] =	stream.indirect.gather.add.f32 [hbm:s3], $0x20, s19, s8, $0xb8;
	[tilespmem:$0xA800] =	vst v63  }
0x9b: {  	_ =	swait.ge [sflag:s17], $0x1000  }
0x9c: {  	s19 =	simm.s32 $0x63;
	[sflag:s17] =	ssyncset.done $0x0  }
.LBB2_10:
0x9d: {  	p0 =	sne.s32 s19, $0x1;
	s19 =	sadd.s32 $0xFFFFFFFF, s19;
	[sflag:s17] =	ssyncadd.s32 $0xFFFFF000  }
.Ltmp4:
0x9e: {  	(pc) =	sbr.rel @p0 .LBB2_10-.Ltmp4, $3  }
0x9f: {  	_ =	sdelay $0x1  }
0xa0: {  	_ =	swait.ge [sflag:s17], $0x1000  }
0xa1: {  	[sflag:s17] =	ssyncset.done $0x0  }
0xa2: {  	s18 =	sadd.s32 $0x1, s18  }
0xa3: {  	p0 =	sne.s32 s18, s6  }
.Ltmp5:
0xa4: {  	[sflag:s17] =	ssyncadd.s32 $0xFFFFF000;
	(pc) =	sbr.rel @p0 .LBB2_1-.Ltmp5, $4  }
0xa5: {  	[hbm4b:s5+s2] =	stream.linear.scatter [tilespmem:s10], [sflag:$0x2], $0x4000, $0x38;
	[tilespmem:$0xA800] =	vst v63  }
0xa6: {  	_ =	swait.ge [sflag:s7], $0x4000  }
0xa7: {  	[sflag:s7] =	ssyncset.done $0x0  }
0xa8: {  	[sflag:s7] =	ssyncadd.s32 $0xFFFFC000  }
0xa9: {  	_ =	sfence.sel $0x180000  }
0xaa: {  	[bflag:$0x0] =	sbarrier.arrive $0xFFFF  }
0xab: {  	p0 =	sne.s32 s0, $0x0;
	_ =	strace $0x9000004A  }
0xac: {  	s0 =	sadd.s32 @!p0 $0x100000, s1;
	[bflag:$0x2] =	sbarrier.arrive $0xFFFF  }
0xad: {  	[sflag:s0] =	ssyncadd.tile.s32 @!p0 $0x1;
	_ =	shalt  }
.Lfunc_end2:
_tile_overlayer_lowered:
.L_overlay_start_2:
0xae: {  	(tag) =	ssettag $0x2  }
0xaf: {  	s0 =	rddreg [dreg:$0x0];
	s2 =	stileid.u32  }
0xb0: {  	s1 =	rddreg [dreg:$0x1];
	p0 =	sne.s32 s2, $0x0  }
0xb1: {  	s3 =	rddreg [dreg:$0x2];
	[bflag:$0x3] =	sbarrier.arrive $0xFFFF;
	s2 =	simm.s32 @!p0 $0x1C02  }
0xb2: {  	[timem:s3], [sflag:s2] =	dma.local @!p0 [hbm:s0], s1  }
0xb3: {  	s0 =	simm.s32 @!p0 $0x2  }
0xb4: {  	_ =	swait.ge @!p0 [sflag:s0], s1  }
0xb5: {  	s1 =	ssub.s32 @!p0 $0x0, s1;
	[sflag:s0] =	ssyncset.done @!p0 $0x0  }
0xb6: {  	[sflag:s0] =	ssyncadd.s32 @!p0 s1  }
0xb7: {  	[bflag:$0x3] =	sbarrier.arrive $0xFFFF  }
0xb8: {  	_ =	shalt  }

</sc_bundles>
